<compile_context>
chip_gen: v7x
topology: tpu7x:2x2x1
jax: 0.10.2.dev20260603
libtpu: 0.0.44.dev20260713+nightly
codegen_flags: <defaults>
</compile_context>

<pallas_src>
import jax
import jax.numpy as jnp
from jax import lax
from jax.experimental import pallas as pl
from jax.experimental.pallas import tpu as pltpu
from jax.experimental.pallas import tpu_sc as plsc

N = 10000
E = 160000
D = 256
H = 8
DH = D // H

NC = 2
NS = 16
L = 16
HC = H // NC
DC = D // NC

RP = 10016
STRIPE = RP // NS
TAIL = N - (NS - 1) * STRIPE
CHUNK = 80
EPT = 10000
NCHUNK = EPT // CHUNK
EPAD = EPT * NS
TRASH_DST = 10008

BN = 1000
GB = N // BN


def _proj_body(x_ref, wp_ref, as_ref, ad_ref, ht_ref, es_ref, ed_ref):
    ht = jnp.dot(x_ref[...], wp_ref[0], preferred_element_type=jnp.float32)
    ht_ref[...] = ht
    es_ref[...] = jnp.dot(ht, as_ref[0], preferred_element_type=jnp.float32)
    ed_ref[...] = jnp.dot(ht, ad_ref[0], preferred_element_type=jnp.float32)


def _project(x, Wp, As, Ad):
    return pl.pallas_call(
        _proj_body,
        grid=(NC, GB),
        in_specs=[
            pl.BlockSpec((BN, D), lambda c, i: (i, 0)),
            pl.BlockSpec((1, D, DC), lambda c, i: (c, 0, 0)),
            pl.BlockSpec((1, DC, L), lambda c, i: (c, 0, 0)),
            pl.BlockSpec((1, DC, L), lambda c, i: (c, 0, 0)),
        ],
        out_specs=[
            pl.BlockSpec((BN, DC), lambda c, i: (c * GB + i, 0)),
            pl.BlockSpec((BN, L), lambda c, i: (c * GB + i, 0)),
            pl.BlockSpec((BN, L), lambda c, i: (c * GB + i, 0)),
        ],
        out_shape=[
            jax.ShapeDtypeStruct((NC * N, DC), jnp.float32),
            jax.ShapeDtypeStruct((NC * N, L), jnp.float32),
            jax.ShapeDtypeStruct((NC * N, L), jnp.float32),
        ],
    )(x, Wp, As, Ad)


def _gat_sc_body(ht_hbm, es_hbm, ed_hbm, esrc_hbm, edst_hbm, acc_out, den_out,
                 csrc0, csrc1, cdst0, cdst1, gsrc0, gsrc1, gdst0, gdst1,
                 sidx0, sidx1, esb0, esb1, edb0, edb1, wb0, wb1, hb0, hb1,
                 acc_sh, den_sh,
                 s_src0, s_src1, s_dst0, s_dst1, s_es0, s_es1, s_ed0, s_ed1,
                 s_ht0, s_ht1, s_de0, s_de1, s_ac0, s_ac1):
    cid = lax.axis_index("c")
    sid = lax.axis_index("s")
    base_t = (cid * N).astype(jnp.int32)
    base_tv = jnp.broadcast_to(base_t, (L,))
    nclampv = jnp.full((L,), N - 1, jnp.int32)
    zf = jnp.zeros((L,), jnp.float32)
    ebase = sid * EPT

    slot0 = (csrc0, cdst0, gsrc0, gdst0, sidx0, esb0, edb0, wb0, hb0,
             s_src0, s_dst0, s_es0, s_ed0, s_ht0, s_de0, s_ac0)
    slot1 = (csrc1, cdst1, gsrc1, gdst1, sidx1, esb1, edb1, wb1, hb1,
             s_src1, s_dst1, s_es1, s_ed1, s_ht1, s_de1, s_ac1)

    def zero_hb(i, _):
        for j in range(DC // L):
            hb0[i, pl.ds(j * L, L)] = zf
        wb0[i, pl.ds(0, L)] = zf
        return 0
    lax.fori_loop(0, CHUNK, zero_hb, 0)

    rbase = sid * STRIPE
    for k in range(STRIPE // CHUNK):
        pltpu.sync_copy(hb0, acc_sh.at[pl.ds(rbase + k * CHUNK, CHUNK)])
        pltpu.sync_copy(wb0, den_sh.at[pl.ds(rbase + k * CHUNK, CHUNK)])
    rem = STRIPE % CHUNK
    if rem:
        done = rbase + (STRIPE // CHUNK) * CHUNK
        pltpu.sync_copy(hb0.at[pl.ds(0, rem)], acc_sh.at[pl.ds(done, rem)])
        pltpu.sync_copy(wb0.at[pl.ds(0, rem)], den_sh.at[pl.ds(done, rem)])
    plsc.subcore_barrier()

    def issue_edges(k, sl):
        csrc, cdst = sl[0], sl[1]
        s_src, s_dst = sl[9], sl[10]
        eb = ebase + k * CHUNK
        pltpu.async_copy(esrc_hbm.at[pl.ds(eb, CHUNK)], csrc, s_src)
        pltpu.async_copy(edst_hbm.at[pl.ds(eb, CHUNK)], cdst, s_dst)

    def wait_edges(k, sl):
        csrc, cdst = sl[0], sl[1]
        s_src, s_dst = sl[9], sl[10]
        eb = ebase + k * CHUNK
        pltpu.make_async_copy(esrc_hbm.at[pl.ds(eb, CHUNK)], csrc, s_src).wait()
        pltpu.make_async_copy(edst_hbm.at[pl.ds(eb, CHUNK)], cdst, s_dst).wait()

    def prep_idx(sl):
        csrc, cdst, gsrc, gdst, sidx = sl[0], sl[1], sl[2], sl[3], sl[4]
        for q in range(CHUNK // L):
            sv = csrc[pl.ds(q * L, L)]
            gsrc[pl.ds(q * L, L)] = sv + base_tv
            dv = cdst[pl.ds(q * L, L)]
            sidx[pl.ds(q * L, L)] = dv
            gdst[pl.ds(q * L, L)] = jnp.minimum(dv, nclampv) + base_tv

    def issue_gathers(sl):
        gsrc, gdst, esb, edb, hb = sl[2], sl[3], sl[5], sl[6], sl[8]
        s_es, s_ed, s_ht = sl[11], sl[12], sl[13]
        pltpu.async_copy(es_hbm.at[gsrc], esb, s_es)
        pltpu.async_copy(ed_hbm.at[gdst], edb, s_ed)
        pltpu.async_copy(ht_hbm.at[gsrc], hb, s_ht)

    def wait_eled(sl):
        gsrc, gdst, esb, edb = sl[2], sl[3], sl[5], sl[6]
        s_es, s_ed = sl[11], sl[12]
        pltpu.make_async_copy(es_hbm.at[gsrc], esb, s_es).wait()
        pltpu.make_async_copy(ed_hbm.at[gdst], edb, s_ed).wait()

    def compute_and_scatter(sl):
        gsrc, sidx, esb, edb, wb, hb = sl[2], sl[4], sl[5], sl[6], sl[7], sl[8]
        s_ht, s_de, s_ac = sl[13], sl[14], sl[15]

        def wcomp(i, _):
            for t in range(2):
                i2 = 2 * i + t
                s = esb[i2, pl.ds(0, L)] + edb[i2, pl.ds(0, L)]
                lr = jnp.where(s > 0, s, 0.2 * s)
                wb[i2, pl.ds(0, L)] = jnp.exp(lr)
            return 0
        lax.fori_loop(0, CHUNK // 2, wcomp, 0)
        pltpu.async_copy(wb, den_sh.at[sidx], s_de, add=True)
        pltpu.make_async_copy(ht_hbm.at[gsrc], hb, s_ht).wait()

        def mul(i, _):
            for t in range(2):
                i2 = 2 * i + t
                wv = wb[i2, pl.ds(0, L)]
                for j in range(DC // L):
                    hb[i2, pl.ds(j * L, L)] = hb[i2, pl.ds(j * L, L)] * wv
            return 0
        lax.fori_loop(0, CHUNK // 2, mul, 0)
        pltpu.async_copy(hb, acc_sh.at[sidx], s_ac, add=True)

    def wait_scatters(sl):
        sidx, wb, hb = sl[4], sl[7], sl[8]
        s_de, s_ac = sl[14], sl[15]
        pltpu.make_async_copy(wb, den_sh.at[sidx], s_de).wait()
        pltpu.make_async_copy(hb, acc_sh.at[sidx], s_ac).wait()

    def process(a, sl, other):
        wait_eled(sl)

        @pl.when(a + 2 < NCHUNK)
        def _():
            issue_edges(a + 2, sl)
        wait_edges(a + 1, other)

        @pl.when(a >= 1)
        def _():
            wait_scatters(other)
        prep_idx(other)
        issue_gathers(other)
        compute_and_scatter(sl)

    issue_edges(0, slot0)
    wait_edges(0, slot0)
    prep_idx(slot0)
    issue_gathers(slot0)
    issue_edges(1, slot1)

    def pair(i, _):
        process(2 * i, slot0, slot1)
        process(2 * i + 1, slot1, slot0)
        return 0
    lax.fori_loop(0, (NCHUNK - 1) // 2, pair, 0)

    wait_eled(slot0)
    wait_scatters(slot1)
    compute_and_scatter(slot0)
    wait_scatters(slot0)

    plsc.subcore_barrier()
    gbase = cid * N + rbase

    @pl.when(sid < NS - 1)
    def _():
        pltpu.sync_copy(acc_sh.at[pl.ds(rbase, STRIPE)],
                        acc_out.at[pl.ds(gbase, STRIPE)])
        pltpu.sync_copy(den_sh.at[pl.ds(rbase, STRIPE)],
                        den_out.at[pl.ds(gbase, STRIPE)])

    @pl.when(sid == NS - 1)
    def _():
        pltpu.sync_copy(acc_sh.at[pl.ds(rbase, TAIL)],
                        acc_out.at[pl.ds(gbase, TAIL)])
        pltpu.sync_copy(den_sh.at[pl.ds(rbase, TAIL)],
                        den_out.at[pl.ds(gbase, TAIL)])


def _gat_sc(ht, esd, edd, e_src, e_dst):
    mesh = plsc.VectorSubcoreMesh(core_axis_name="c", subcore_axis_name="s",
                                  num_cores=NC, num_subcores=NS)
    fn = pl.kernel(
        _gat_sc_body,
        out_type=[
            jax.ShapeDtypeStruct((NC * N, DC), jnp.float32),
            jax.ShapeDtypeStruct((NC * N, L), jnp.float32),
        ],
        mesh=mesh,
        compiler_params=pltpu.CompilerParams(use_tc_tiling_on_sc=False),
        scratch_types=(
            [pltpu.VMEM((CHUNK,), jnp.int32) for _ in range(10)]
            + [pltpu.VMEM((CHUNK, L), jnp.float32) for _ in range(6)]
            + [pltpu.VMEM((CHUNK, DC), jnp.float32) for _ in range(2)]
            + [pltpu.VMEM_SHARED((RP, DC), jnp.float32),
               pltpu.VMEM_SHARED((RP, L), jnp.float32)]
            + [pltpu.SemaphoreType.DMA for _ in range(14)]
        ),
    )
    return fn(ht, esd, edd, e_src, e_dst)


def _post_body(x_ref, a0_ref, a1_ref, d0_ref, d1_ref, bt_ref, p_ref,
               g_ref, b2_ref, o_ref):
    den0 = jnp.concatenate([d0_ref[...]] * (DC // L), axis=1)
    den1 = jnp.concatenate([d1_ref[...]] * (DC // L), axis=1)
    y0 = jnp.maximum(a0_ref[...] / (den0 + 1e-16) + bt_ref[0][None], 0.0)
    y1 = jnp.maximum(a1_ref[...] / (den1 + 1e-16) + bt_ref[1][None], 0.0)
    z = (jnp.dot(y0, p_ref[0], preferred_element_type=jnp.float32)
         + jnp.dot(y1, p_ref[1], preferred_element_type=jnp.float32))
    o = x_ref[...] + z
    mu = jnp.mean(o, axis=-1, keepdims=True)
    var = jnp.mean((o - mu) ** 2, axis=-1, keepdims=True)
    o = (o - mu) * lax.rsqrt(var + 1e-6)
    o_ref[...] = o * g_ref[...] + b2_ref[...]


def _post(x, acc, den, bt, P, gamma, beta):
    return pl.pallas_call(
        _post_body,
        grid=(GB,),
        in_specs=[
            pl.BlockSpec((BN, D), lambda i: (i, 0)),
            pl.BlockSpec((BN, DC), lambda i: (i, 0)),
            pl.BlockSpec((BN, DC), lambda i: (GB + i, 0)),
            pl.BlockSpec((BN, L), lambda i: (i, 0)),
            pl.BlockSpec((BN, L), lambda i: (GB + i, 0)),
            pl.BlockSpec((NC, DC), lambda i: (0, 0)),
            pl.BlockSpec((NC, DC, D), lambda i: (0, 0, 0)),
            pl.BlockSpec((1, D), lambda i: (0, 0)),
            pl.BlockSpec((1, D), lambda i: (0, 0)),
        ],
        out_specs=pl.BlockSpec((BN, D), lambda i: (i, 0)),
        out_shape=jax.ShapeDtypeStruct((N, D), jnp.float32),
    )(x, acc, acc, den, den, bt, P, gamma, beta)


def kernel(x, W, a_src, a_dst, b, gamma, beta, edge_index):
    r = jnp.arange(DC)
    hh = r % HC
    dd = r // HC
    lane = jnp.arange(L) % HC
    msk = (lane[None, :] == hh[:, None])

    Wps, Ass, Ads, bts, Ps = [], [], [], [], []
    for c in range(NC):
        heads = c * HC + hh
        perm = heads * DH + dd
        Wps.append(W[:, perm])
        Ass.append(jnp.where(msk, a_src[heads, dd][:, None], 0.0))
        Ads.append(jnp.where(msk, a_dst[heads, dd][:, None], 0.0))
        bts.append(b[perm])
        Ps.append(jnp.zeros((DC, D), jnp.float32).at[r, perm].set(1.0))
    Wp = jnp.stack(Wps)
    As = jnp.stack(Ass)
    Ad = jnp.stack(Ads)
    bt = jnp.stack(bts)
    P = jnp.stack(Ps)

    npad = EPAD - E
    e_src = jnp.concatenate([edge_index[0], jnp.zeros((npad,), jnp.int32)])
    e_dst = jnp.concatenate([edge_index[1],
                             jnp.full((npad,), TRASH_DST, jnp.int32)])

    ht, esd, edd = _project(x, Wp, As, Ad)
    acc, den = _gat_sc(ht, esd, edd, e_src, e_dst)
    return _post(x, acc, den, bt, P, gamma[None], beta[None])

# --- scband reference (transcript-rebuilt; emitter-appended) ---
"""Pipeline reference for scband-gnnencoder-layer-39805756900144 (READ-ONLY COPY).

The authoritative reference and input builder live on the scoring server;
editing this copy changes nothing except your own understanding.
"""

import jax, jax.numpy as jnp
import numpy as np

N = 10000
E = 160000
D = 256
H = 8
DH = D // H


def setup_inputs(seed: int = 0) -> dict:
    key = jax.random.key(seed)
    ks = jax.random.split(key, 8)
    x = jax.random.normal(ks[0], (N, D), dtype=jnp.float32)
    edge_index = jax.random.randint(ks[1], (2, E), 0, N, dtype=jnp.int32)
    W = jax.random.normal(ks[2], (D, D), dtype=jnp.float32) * (1.0 / np.sqrt(D))
    a_src = jax.random.normal(ks[3], (H, DH), dtype=jnp.float32) * 0.1
    a_dst = jax.random.normal(ks[4], (H, DH), dtype=jnp.float32) * 0.1
    b = jnp.zeros((D,), dtype=jnp.float32)
    gamma = jnp.ones((D,), dtype=jnp.float32)
    beta = jnp.zeros((D,), dtype=jnp.float32)
    return {"x": x, "W": W, "a_src": a_src, "a_dst": a_dst, "b": b,
            "gamma": gamma, "beta": beta, "edge_index": edge_index}


def reference(x, W, a_src, a_dst, b, gamma, beta, edge_index):
    # PlainGAT branch of GNNEncoderLayer: multi-head GAT + bias + relu activation,
    # residual connection, LayerNorm. Dropout is identity (eval mode).
    src = edge_index[0]
    dst = edge_index[1]
    h = (x @ W).reshape(N, H, DH)                      # [N, H, DH]
    e_src = jnp.einsum('nhd,hd->nh', h, a_src)         # [N, H]
    e_dst = jnp.einsum('nhd,hd->nh', h, a_dst)         # [N, H]
    e = jax.nn.leaky_relu(e_src[src] + e_dst[dst], 0.2)  # [E, H]
    # segment softmax over incoming edges per destination node
    m = jax.ops.segment_max(e, dst, num_segments=N)    # [N, H]
    m = jnp.where(jnp.isfinite(m), m, 0.0)
    m = jax.lax.stop_gradient(m)
    ex = jnp.exp(e - m[dst])                           # [E, H]
    denom = jax.ops.segment_sum(ex, dst, num_segments=N) + 1e-16  # [N, H]
    alpha = ex / denom[dst]                            # [E, H]
    msg = alpha[:, :, None] * h[src]                   # [E, H, DH]
    out = jax.ops.segment_sum(msg, dst, num_segments=N).reshape(N, D)
    out = out + b
    out = jax.nn.relu(out)
    # residual
    out = x + out
    # layer norm
    mu = jnp.mean(out, axis=-1, keepdims=True)
    var = jnp.var(out, axis=-1, keepdims=True)
    out = (out - mu) / jnp.sqrt(var + 1e-6)
    out = out * gamma + beta
    return out

if __name__ == "__main__":
    import jax
    _d = setup_inputs()
    print(jax.jit(kernel)(*tuple(_d.values())))

</pallas_src>

<mosaic_0001>
#map = affine_map<(d0, d1) -> (0, 0)>
#map1 = affine_map<(d0, d1) -> (0)>
module attributes {stable_mosaic.version = 14 : i64} {
  func.func @_gat_sc_body(%arg0: i32, %arg1: i32, %arg2: memref<20000x128xf32, #tpu.memory_space<hbm>>, %arg3: memref<20000x16xf32, #tpu.memory_space<hbm>>, %arg4: memref<20000x16xf32, #tpu.memory_space<hbm>>, %arg5: memref<160000xi32, #tpu.memory_space<hbm>>, %arg6: memref<160000xi32, #tpu.memory_space<hbm>>, %arg7: memref<20000x128xf32, #tpu.memory_space<hbm>>, %arg8: memref<20000x16xf32, #tpu.memory_space<hbm>>, %arg9: memref<80xi32, #tpu.memory_space<vmem>>, %arg10: memref<80xi32, #tpu.memory_space<vmem>>, %arg11: memref<80xi32, #tpu.memory_space<vmem>>, %arg12: memref<80xi32, #tpu.memory_space<vmem>>, %arg13: memref<80xi32, #tpu.memory_space<vmem>>, %arg14: memref<80xi32, #tpu.memory_space<vmem>>, %arg15: memref<80xi32, #tpu.memory_space<vmem>>, %arg16: memref<80xi32, #tpu.memory_space<vmem>>, %arg17: memref<80xi32, #tpu.memory_space<vmem>>, %arg18: memref<80xi32, #tpu.memory_space<vmem>>, %arg19: memref<80x16xf32, #tpu.memory_space<vmem>>, %arg20: memref<80x16xf32, #tpu.memory_space<vmem>>, %arg21: memref<80x16xf32, #tpu.memory_space<vmem>>, %arg22: memref<80x16xf32, #tpu.memory_space<vmem>>, %arg23: memref<80x16xf32, #tpu.memory_space<vmem>>, %arg24: memref<80x16xf32, #tpu.memory_space<vmem>>, %arg25: memref<80x128xf32, #tpu.memory_space<vmem>>, %arg26: memref<80x128xf32, #tpu.memory_space<vmem>>, %arg27: memref<10016x128xf32, #tpu.memory_space<vmem_shared>>, %arg28: memref<10016x16xf32, #tpu.memory_space<vmem_shared>>, %arg29: memref<!tpu.dma_semaphore, #tpu.memory_space<semaphore_mem>>, %arg30: memref<!tpu.dma_semaphore, #tpu.memory_space<semaphore_mem>>, %arg31: memref<!tpu.dma_semaphore, #tpu.memory_space<semaphore_mem>>, %arg32: memref<!tpu.dma_semaphore, #tpu.memory_space<semaphore_mem>>, %arg33: memref<!tpu.dma_semaphore, #tpu.memory_space<semaphore_mem>>, %arg34: memref<!tpu.dma_semaphore, #tpu.memory_space<semaphore_mem>>, %arg35: memref<!tpu.dma_semaphore, #tpu.memory_space<semaphore_mem>>, %arg36: memref<!tpu.dma_semaphore, #tpu.memory_space<semaphore_mem>>, %arg37: memref<!tpu.dma_semaphore, #tpu.memory_space<semaphore_mem>>, %arg38: memref<!tpu.dma_semaphore, #tpu.memory_space<semaphore_mem>>, %arg39: memref<!tpu.dma_semaphore, #tpu.memory_space<semaphore_mem>>, %arg40: memref<!tpu.dma_semaphore, #tpu.memory_space<semaphore_mem>>, %arg41: memref<!tpu.dma_semaphore, #tpu.memory_space<semaphore_mem>>, %arg42: memref<!tpu.dma_semaphore, #tpu.memory_space<semaphore_mem>>) attributes {dimension_semantics = [#tpu.dimension_semantics<core_parallel>, #tpu.dimension_semantics<subcore_parallel>], iteration_bounds = array<i64: 2, 16>, scalar_prefetch = 0 : i64, scratch_operands = 34 : i64, tpu.core_type = #tpu.core_type<sc_vector_subcore>, window_params = [{transform_indices = #map}, {transform_indices = #map}, {transform_indices = #map}, {transform_indices = #map1}, {transform_indices = #map1}, {transform_indices = #map}, {transform_indices = #map}]} {
    %mul3A = arith.constant 10000 : i32
    %mul3A_0 = arith.muli %arg0, %mul3A : i32
    %broadcast_in_dim3A = vector.broadcast %mul3A_0 : i32 to vector<16xi32>
    %broadcast_in_dim3A_1 = arith.constant 9999 : i32
    %broadcast_in_dim3A_2 = vector.broadcast %broadcast_in_dim3A_1 : i32 to vector<16xi32>
    %broadcast_in_dim3A_3 = arith.constant 0.000000e+00 : f32
    %broadcast_in_dim3A_4 = vector.broadcast %broadcast_in_dim3A_3 : f32 to vector<16xf32>
    %mul3A_5 = arith.constant 10000 : i32
    %mul3A_6 = arith.muli %arg1, %mul3A_5 : i32
    %scan3A = arith.constant 0 : i32
    %scan3A_7 = arith.constant 0 : i32
    %scan3A_8 = arith.constant 80 : i32
    %scan3A_9 = arith.addi %scan3A_7, %scan3A_8 : i32
    %scan3A_10 = arith.constant 1 : i32
    %scan3A_11 = scf.for %scan3A_229 = %scan3A_7 to %scan3A_9 step %scan3A_10 iter_args(%scan3A_230 = %scan3A) -> (i32)  : i32 {
      %swap3A_231 = arith.index_cast %scan3A_229 : i32 to index
      %swap3A_232 = arith.constant 0 : index
      %swap3A_233 = tpu.vector_load %arg25[%swap3A_231, %swap3A_232] {strides = array<i32>} : memref<80x128xf32, #tpu.memory_space<vmem>>, vector<1x16xf32>,
      %swap3A_234 = vector.shape_cast %swap3A_233 : vector<1x16xf32> to vector<16xf32>
      %swap3A_235 = vector.shape_cast %broadcast_in_dim3A_4 : vector<16xf32> to vector<1x16xf32>
      tpu.vector_store %arg25[%swap3A_231, %swap3A_232], %swap3A_235 {strides = array<i32>} : memref<80x128xf32, #tpu.memory_space<vmem>>, vector<1x16xf32>,
      %swap3A_236 = arith.index_cast %scan3A_229 : i32 to index
      %swap3A_237 = arith.constant 16 : index
      %swap3A_238 = tpu.vector_load %arg25[%swap3A_236, %swap3A_237] {strides = array<i32>} : memref<80x128xf32, #tpu.memory_space<vmem>>, vector<1x16xf32>,
      %swap3A_239 = vector.shape_cast %swap3A_238 : vector<1x16xf32> to vector<16xf32>
      %swap3A_240 = vector.shape_cast %broadcast_in_dim3A_4 : vector<16xf32> to vector<1x16xf32>
      tpu.vector_store %arg25[%swap3A_236, %swap3A_237], %swap3A_240 {strides = array<i32>} : memref<80x128xf32, #tpu.memory_space<vmem>>, vector<1x16xf32>,
      %swap3A_241 = arith.index_cast %scan3A_229 : i32 to index
      %swap3A_242 = arith.constant 32 : index
      %swap3A_243 = tpu.vector_load %arg25[%swap3A_241, %swap3A_242] {strides = array<i32>} : memref<80x128xf32, #tpu.memory_space<vmem>>, vector<1x16xf32>,
      %swap3A_244 = vector.shape_cast %swap3A_243 : vector<1x16xf32> to vector<16xf32>
      %swap3A_245 = vector.shape_cast %broadcast_in_dim3A_4 : vector<16xf32> to vector<1x16xf32>
      tpu.vector_store %arg25[%swap3A_241, %swap3A_242], %swap3A_245 {strides = array<i32>} : memref<80x128xf32, #tpu.memory_space<vmem>>, vector<1x16xf32>,
      %swap3A_246 = arith.index_cast %scan3A_229 : i32 to index
      %swap3A_247 = arith.constant 48 : index
      %swap3A_248 = tpu.vector_load %arg25[%swap3A_246, %swap3A_247] {strides = array<i32>} : memref<80x128xf32, #tpu.memory_space<vmem>>, vector<1x16xf32>,
      %swap3A_249 = vector.shape_cast %swap3A_248 : vector<1x16xf32> to vector<16xf32>
      %swap3A_250 = vector.shape_cast %broadcast_in_dim3A_4 : vector<16xf32> to vector<1x16xf32>
      tpu.vector_store %arg25[%swap3A_246, %swap3A_247], %swap3A_250 {strides = array<i32>} : memref<80x128xf32, #tpu.memory_space<vmem>>, vector<1x16xf32>,
      %swap3A_251 = arith.index_cast %scan3A_229 : i32 to index
      %swap3A_252 = arith.constant 64 : index
      %swap3A_253 = tpu.vector_load %arg25[%swap3A_251, %swap3A_252] {strides = array<i32>} : memref<80x128xf32, #tpu.memory_space<vmem>>, vector<1x16xf32>,
      %swap3A_254 = vector.shape_cast %swap3A_253 : vector<1x16xf32> to vector<16xf32>
      %swap3A_255 = vector.shape_cast %broadcast_in_dim3A_4 : vector<16xf32> to vector<1x16xf32>
      tpu.vector_store %arg25[%swap3A_251, %swap3A_252], %swap3A_255 {strides = array<i32>} : memref<80x128xf32, #tpu.memory_space<vmem>>, vector<1x16xf32>,
      %swap3A_256 = arith.index_cast %scan3A_229 : i32 to index
      %swap3A_257 = arith.constant 80 : index
      %swap3A_258 = tpu.vector_load %arg25[%swap3A_256, %swap3A_257] {strides = array<i32>} : memref<80x128xf32, #tpu.memory_space<vmem>>, vector<1x16xf32>,
      %swap3A_259 = vector.shape_cast %swap3A_258 : vector<1x16xf32> to vector<16xf32>
      %swap3A_260 = vector.shape_cast %broadcast_in_dim3A_4 : vector<16xf32> to vector<1x16xf32>
      tpu.vector_store %arg25[%swap3A_256, %swap3A_257], %swap3A_260 {strides = array<i32>} : memref<80x128xf32, #tpu.memory_space<vmem>>, vector<1x16xf32>,
      %swap3A_261 = arith.index_cast %scan3A_229 : i32 to index
      %swap3A_262 = arith.constant 96 : index
      %swap3A_263 = tpu.vector_load %arg25[%swap3A_261, %swap3A_262] {strides = array<i32>} : memref<80x128xf32, #tpu.memory_space<vmem>>, vector<1x16xf32>,
      %swap3A_264 = vector.shape_cast %swap3A_263 : vector<1x16xf32> to vector<16xf32>
      %swap3A_265 = vector.shape_cast %broadcast_in_dim3A_4 : vector<16xf32> to vector<1x16xf32>
      tpu.vector_store %arg25[%swap3A_261, %swap3A_262], %swap3A_265 {strides = array<i32>} : memref<80x128xf32, #tpu.memory_space<vmem>>, vector<1x16xf32>,
      %swap3A_266 = arith.index_cast %scan3A_229 : i32 to index
      %swap3A_267 = arith.constant 112 : index
      %swap3A_268 = tpu.vector_load %arg25[%swap3A_266, %swap3A_267] {strides = array<i32>} : memref<80x128xf32, #tpu.memory_space<vmem>>, vector<1x16xf32>,
      %swap3A_269 = vector.shape_cast %swap3A_268 : vector<1x16xf32> to vector<16xf32>
      %swap3A_270 = vector.shape_cast %broadcast_in_dim3A_4 : vector<16xf32> to vector<1x16xf32>
      tpu.vector_store %arg25[%swap3A_266, %swap3A_267], %swap3A_270 {strides = array<i32>} : memref<80x128xf32, #tpu.memory_space<vmem>>, vector<1x16xf32>,
      %swap3A_271 = arith.index_cast %scan3A_229 : i32 to index
      %swap3A_272 = arith.constant 0 : index
      %swap3A_273 = tpu.vector_load %arg23[%swap3A_271, %swap3A_272] {strides = array<i32>} : memref<80x16xf32, #tpu.memory_space<vmem>>, vector<1x16xf32>,
      %swap3A_274 = vector.shape_cast %swap3A_273 : vector<1x16xf32> to vector<16xf32>
      %swap3A_275 = vector.shape_cast %broadcast_in_dim3A_4 : vector<16xf32> to vector<1x16xf32>
      tpu.vector_store %arg23[%swap3A_271, %swap3A_272], %swap3A_275 {strides = array<i32>} : memref<80x16xf32, #tpu.memory_space<vmem>>, vector<1x16xf32>,
      %scan3A_276 = arith.constant 0 : i32
      scf.yield %scan3A_276 : i32
    }
    %scan3A_12 = arith.constant 80 : i32
    %mul3A_13 = arith.constant 626 : i32
    %mul3A_14 = arith.muli %arg1, %mul3A_13 : i32
    %add3A = arith.constant 0 : i32
    %add3A_15 = arith.addi %mul3A_14, %add3A : i32
    "tpu.region"() ({
      %run_scoped3A = tpu.sem_alloc : memref<!tpu.dma_semaphore, #tpu.memory_space<semaphore_mem>>
      %dma_start3A_229 = arith.constant 0 : i32
      %dma_start3A_230 = tpu.memref_slice %arg27[%add3A_15, %dma_start3A_229] : memref<10016x128xf32, #tpu.memory_space<vmem_shared>> -> memref<80x128xf32, #tpu.memory_space<vmem_shared>>
      %dma_start3A_231 = arith.constant 0 : i32
      %dma_start3A_232 = tpu.memref_slice %arg27[%add3A_15, %dma_start3A_231] : memref<10016x128xf32, #tpu.memory_space<vmem_shared>> -> memref<80x128xf32, #tpu.memory_space<vmem_shared>>
      tpu.enqueue_dma source(%arg25 : memref<80x128xf32, #tpu.memory_space<vmem>>) target(%dma_start3A_232 : memref<80x128xf32, #tpu.memory_space<vmem_shared>>) target_semaphore(%run_scoped3A : memref<!tpu.dma_semaphore, #tpu.memory_space<semaphore_mem>>)
      %dma_wait3A_233 = arith.constant 0 : i32
      %dma_wait3A_234 = tpu.memref_slice %arg27[%add3A_15, %dma_wait3A_233] : memref<10016x128xf32, #tpu.memory_space<vmem_shared>> -> memref<80x128xf32, #tpu.memory_space<vmem_shared>>
      %dma_wait3A_235 = arith.constant 0 : i32
      %dma_wait3A_236 = tpu.memref_slice %arg27[%add3A_15, %dma_wait3A_235] : memref<10016x128xf32, #tpu.memory_space<vmem_shared>> -> memref<80x128xf32, #tpu.memory_space<vmem_shared>>
      tpu.wait_dma2 semaphore(%run_scoped3A : memref<!tpu.dma_semaphore, #tpu.memory_space<semaphore_mem>>) src(%arg25 : memref<80x128xf32, #tpu.memory_space<vmem>>) dst(%dma_wait3A_236 : memref<80x128xf32, #tpu.memory_space<vmem_shared>>)
      tpu.yield
    }) : () -> ()
    %add3A_16 = arith.constant 0 : i32
    %add3A_17 = arith.addi %mul3A_14, %add3A_16 : i32
    "tpu.region"() ({
      %run_scoped3A = tpu.sem_alloc : memref<!tpu.dma_semaphore, #tpu.memory_space<semaphore_mem>>
      %dma_start3A_229 = arith.constant 0 : i32
      %dma_start3A_230 = tpu.memref_slice %arg28[%add3A_17, %dma_start3A_229] : memref<10016x16xf32, #tpu.memory_space<vmem_shared>> -> memref<80x16xf32, #tpu.memory_space<vmem_shared>>
      %dma_start3A_231 = arith.constant 0 : i32
      %dma_start3A_232 = tpu.memref_slice %arg28[%add3A_17, %dma_start3A_231] : memref<10016x16xf32, #tpu.memory_space<vmem_shared>> -> memref<80x16xf32, #tpu.memory_space<vmem_shared>>
      tpu.enqueue_dma source(%arg23 : memref<80x16xf32, #tpu.memory_space<vmem>>) target(%dma_start3A_232 : memref<80x16xf32, #tpu.memory_space<vmem_shared>>) target_semaphore(%run_scoped3A : memref<!tpu.dma_semaphore, #tpu.memory_space<semaphore_mem>>)
      %dma_wait3A_233 = arith.constant 0 : i32
      %dma_wait3A_234 = tpu.memref_slice %arg28[%add3A_17, %dma_wait3A_233] : memref<10016x16xf32, #tpu.memory_space<vmem_shared>> -> memref<80x16xf32, #tpu.memory_space<vmem_shared>>
      %dma_wait3A_235 = arith.constant 0 : i32
      %dma_wait3A_236 = tpu.memref_slice %arg28[%add3A_17, %dma_wait3A_235] : memref<10016x16xf32, #tpu.memory_space<vmem_shared>> -> memref<80x16xf32, #tpu.memory_space<vmem_shared>>
      tpu.wait_dma2 semaphore(%run_scoped3A : memref<!tpu.dma_semaphore, #tpu.memory_space<semaphore_mem>>) src(%arg23 : memref<80x16xf32, #tpu.memory_space<vmem>>) dst(%dma_wait3A_236 : memref<80x16xf32, #tpu.memory_space<vmem_shared>>)
      tpu.yield
    }) : () -> ()
    %add3A_18 = arith.constant 80 : i32
    %add3A_19 = arith.addi %mul3A_14, %add3A_18 : i32
    "tpu.region"() ({
      %run_scoped3A = tpu.sem_alloc : memref<!tpu.dma_semaphore, #tpu.memory_space<semaphore_mem>>
      %dma_start3A_229 = arith.constant 0 : i32
      %dma_start3A_230 = tpu.memref_slice %arg27[%add3A_19, %dma_start3A_229] : memref<10016x128xf32, #tpu.memory_space<vmem_shared>> -> memref<80x128xf32, #tpu.memory_space<vmem_shared>>
      %dma_start3A_231 = arith.constant 0 : i32
      %dma_start3A_232 = tpu.memref_slice %arg27[%add3A_19, %dma_start3A_231] : memref<10016x128xf32, #tpu.memory_space<vmem_shared>> -> memref<80x128xf32, #tpu.memory_space<vmem_shared>>
      tpu.enqueue_dma source(%arg25 : memref<80x128xf32, #tpu.memory_space<vmem>>) target(%dma_start3A_232 : memref<80x128xf32, #tpu.memory_space<vmem_shared>>) target_semaphore(%run_scoped3A : memref<!tpu.dma_semaphore, #tpu.memory_space<semaphore_mem>>)
      %dma_wait3A_233 = arith.constant 0 : i32
      %dma_wait3A_234 = tpu.memref_slice %arg27[%add3A_19, %dma_wait3A_233] : memref<10016x128xf32, #tpu.memory_space<vmem_shared>> -> memref<80x128xf32, #tpu.memory_space<vmem_shared>>
      %dma_wait3A_235 = arith.constant 0 : i32
      %dma_wait3A_236 = tpu.memref_slice %arg27[%add3A_19, %dma_wait3A_235] : memref<10016x128xf32, #tpu.memory_space<vmem_shared>> -> memref<80x128xf32, #tpu.memory_space<vmem_shared>>
      tpu.wait_dma2 semaphore(%run_scoped3A : memref<!tpu.dma_semaphore, #tpu.memory_space<semaphore_mem>>) src(%arg25 : memref<80x128xf32, #tpu.memory_space<vmem>>) dst(%dma_wait3A_236 : memref<80x128xf32, #tpu.memory_space<vmem_shared>>)
      tpu.yield
    }) : () -> ()
    %add3A_20 = arith.constant 80 : i32
    %add3A_21 = arith.addi %mul3A_14, %add3A_20 : i32
    "tpu.region"() ({
      %run_scoped3A = tpu.sem_alloc : memref<!tpu.dma_semaphore, #tpu.memory_space<semaphore_mem>>
      %dma_start3A_229 = arith.constant 0 : i32
      %dma_start3A_230 = tpu.memref_slice %arg28[%add3A_21, %dma_start3A_229] : memref<10016x16xf32, #tpu.memory_space<vmem_shared>> -> memref<80x16xf32, #tpu.memory_space<vmem_shared>>
      %dma_start3A_231 = arith.constant 0 : i32
      %dma_start3A_232 = tpu.memref_slice %arg28[%add3A_21, %dma_start3A_231] : memref<10016x16xf32, #tpu.memory_space<vmem_shared>> -> memref<80x16xf32, #tpu.memory_space<vmem_shared>>
      tpu.enqueue_dma source(%arg23 : memref<80x16xf32, #tpu.memory_space<vmem>>) target(%dma_start3A_232 : memref<80x16xf32, #tpu.memory_space<vmem_shared>>) target_semaphore(%run_scoped3A : memref<!tpu.dma_semaphore, #tpu.memory_space<semaphore_mem>>)
      %dma_wait3A_233 = arith.constant 0 : i32
      %dma_wait3A_234 = tpu.memref_slice %arg28[%add3A_21, %dma_wait3A_233] : memref<10016x16xf32, #tpu.memory_space<vmem_shared>> -> memref<80x16xf32, #tpu.memory_space<vmem_shared>>
      %dma_wait3A_235 = arith.constant 0 : i32
      %dma_wait3A_236 = tpu.memref_slice %arg28[%add3A_21, %dma_wait3A_235] : memref<10016x16xf32, #tpu.memory_space<vmem_shared>> -> memref<80x16xf32, #tpu.memory_space<vmem_shared>>
      tpu.wait_dma2 semaphore(%run_scoped3A : memref<!tpu.dma_semaphore, #tpu.memory_space<semaphore_mem>>) src(%arg23 : memref<80x16xf32, #tpu.memory_space<vmem>>) dst(%dma_wait3A_236 : memref<80x16xf32, #tpu.memory_space<vmem_shared>>)
      tpu.yield
    }) : () -> ()
    %add3A_22 = arith.constant 160 : i32
    %add3A_23 = arith.addi %mul3A_14, %add3A_22 : i32
    "tpu.region"() ({
      %run_scoped3A = tpu.sem_alloc : memref<!tpu.dma_semaphore, #tpu.memory_space<semaphore_mem>>
      %dma_start3A_229 = arith.constant 0 : i32
      %dma_start3A_230 = tpu.memref_slice %arg27[%add3A_23, %dma_start3A_229] : memref<10016x128xf32, #tpu.memory_space<vmem_shared>> -> memref<80x128xf32, #tpu.memory_space<vmem_shared>>
      %dma_start3A_231 = arith.constant 0 : i32
      %dma_start3A_232 = tpu.memref_slice %arg27[%add3A_23, %dma_start3A_231] : memref<10016x128xf32, #tpu.memory_space<vmem_shared>> -> memref<80x128xf32, #tpu.memory_space<vmem_shared>>
      tpu.enqueue_dma source(%arg25 : memref<80x128xf32, #tpu.memory_space<vmem>>) target(%dma_start3A_232 : memref<80x128xf32, #tpu.memory_space<vmem_shared>>) target_semaphore(%run_scoped3A : memref<!tpu.dma_semaphore, #tpu.memory_space<semaphore_mem>>)
      %dma_wait3A_233 = arith.constant 0 : i32
      %dma_wait3A_234 = tpu.memref_slice %arg27[%add3A_23, %dma_wait3A_233] : memref<10016x128xf32, #tpu.memory_space<vmem_shared>> -> memref<80x128xf32, #tpu.memory_space<vmem_shared>>
      %dma_wait3A_235 = arith.constant 0 : i32
      %dma_wait3A_236 = tpu.memref_slice %arg27[%add3A_23, %dma_wait3A_235] : memref<10016x128xf32, #tpu.memory_space<vmem_shared>> -> memref<80x128xf32, #tpu.memory_space<vmem_shared>>
      tpu.wait_dma2 semaphore(%run_scoped3A : memref<!tpu.dma_semaphore, #tpu.memory_space<semaphore_mem>>) src(%arg25 : memref<80x128xf32, #tpu.memory_space<vmem>>) dst(%dma_wait3A_236 : memref<80x128xf32, #tpu.memory_space<vmem_shared>>)
      tpu.yield
    }) : () -> ()
    %add3A_24 = arith.constant 160 : i32
    %add3A_25 = arith.addi %mul3A_14, %add3A_24 : i32
    "tpu.region"() ({
      %run_scoped3A = tpu.sem_alloc : memref<!tpu.dma_semaphore, #tpu.memory_space<semaphore_mem>>
      %dma_start3A_229 = arith.constant 0 : i32
      %dma_start3A_230 = tpu.memref_slice %arg28[%add3A_25, %dma_start3A_229] : memref<10016x16xf32, #tpu.memory_space<vmem_shared>> -> memref<80x16xf32, #tpu.memory_space<vmem_shared>>
      %dma_start3A_231 = arith.constant 0 : i32
      %dma_start3A_232 = tpu.memref_slice %arg28[%add3A_25, %dma_start3A_231] : memref<10016x16xf32, #tpu.memory_space<vmem_shared>> -> memref<80x16xf32, #tpu.memory_space<vmem_shared>>
      tpu.enqueue_dma source(%arg23 : memref<80x16xf32, #tpu.memory_space<vmem>>) target(%dma_start3A_232 : memref<80x16xf32, #tpu.memory_space<vmem_shared>>) target_semaphore(%run_scoped3A : memref<!tpu.dma_semaphore, #tpu.memory_space<semaphore_mem>>)
      %dma_wait3A_233 = arith.constant 0 : i32
      %dma_wait3A_234 = tpu.memref_slice %arg28[%add3A_25, %dma_wait3A_233] : memref<10016x16xf32, #tpu.memory_space<vmem_shared>> -> memref<80x16xf32, #tpu.memory_space<vmem_shared>>
      %dma_wait3A_235 = arith.constant 0 : i32
      %dma_wait3A_236 = tpu.memref_slice %arg28[%add3A_25, %dma_wait3A_235] : memref<10016x16xf32, #tpu.memory_space<vmem_shared>> -> memref<80x16xf32, #tpu.memory_space<vmem_shared>>
      tpu.wait_dma2 semaphore(%run_scoped3A : memref<!tpu.dma_semaphore, #tpu.memory_space<semaphore_mem>>) src(%arg23 : memref<80x16xf32, #tpu.memory_space<vmem>>) dst(%dma_wait3A_236 : memref<80x16xf32, #tpu.memory_space<vmem_shared>>)
      tpu.yield
    }) : () -> ()
    %add3A_26 = arith.constant 240 : i32
    %add3A_27 = arith.addi %mul3A_14, %add3A_26 : i32
    "tpu.region"() ({
      %run_scoped3A = tpu.sem_alloc : memref<!tpu.dma_semaphore, #tpu.memory_space<semaphore_mem>>
      %dma_start3A_229 = arith.constant 0 : i32
      %dma_start3A_230 = tpu.memref_slice %arg27[%add3A_27, %dma_start3A_229] : memref<10016x128xf32, #tpu.memory_space<vmem_shared>> -> memref<80x128xf32, #tpu.memory_space<vmem_shared>>
      %dma_start3A_231 = arith.constant 0 : i32
      %dma_start3A_232 = tpu.memref_slice %arg27[%add3A_27, %dma_start3A_231] : memref<10016x128xf32, #tpu.memory_space<vmem_shared>> -> memref<80x128xf32, #tpu.memory_space<vmem_shared>>
      tpu.enqueue_dma source(%arg25 : memref<80x128xf32, #tpu.memory_space<vmem>>) target(%dma_start3A_232 : memref<80x128xf32, #tpu.memory_space<vmem_shared>>) target_semaphore(%run_scoped3A : memref<!tpu.dma_semaphore, #tpu.memory_space<semaphore_mem>>)
      %dma_wait3A_233 = arith.constant 0 : i32
      %dma_wait3A_234 = tpu.memref_slice %arg27[%add3A_27, %dma_wait3A_233] : memref<10016x128xf32, #tpu.memory_space<vmem_shared>> -> memref<80x128xf32, #tpu.memory_space<vmem_shared>>
      %dma_wait3A_235 = arith.constant 0 : i32
      %dma_wait3A_236 = tpu.memref_slice %arg27[%add3A_27, %dma_wait3A_235] : memref<10016x128xf32, #tpu.memory_space<vmem_shared>> -> memref<80x128xf32, #tpu.memory_space<vmem_shared>>
      tpu.wait_dma2 semaphore(%run_scoped3A : memref<!tpu.dma_semaphore, #tpu.memory_space<semaphore_mem>>) src(%arg25 : memref<80x128xf32, #tpu.memory_space<vmem>>) dst(%dma_wait3A_236 : memref<80x128xf32, #tpu.memory_space<vmem_shared>>)
      tpu.yield
    }) : () -> ()
    %add3A_28 = arith.constant 240 : i32
    %add3A_29 = arith.addi %mul3A_14, %add3A_28 : i32
    "tpu.region"() ({
      %run_scoped3A = tpu.sem_alloc : memref<!tpu.dma_semaphore, #tpu.memory_space<semaphore_mem>>
      %dma_start3A_229 = arith.constant 0 : i32
      %dma_start3A_230 = tpu.memref_slice %arg28[%add3A_29, %dma_start3A_229] : memref<10016x16xf32, #tpu.memory_space<vmem_shared>> -> memref<80x16xf32, #tpu.memory_space<vmem_shared>>
      %dma_start3A_231 = arith.constant 0 : i32
      %dma_start3A_232 = tpu.memref_slice %arg28[%add3A_29, %dma_start3A_231] : memref<10016x16xf32, #tpu.memory_space<vmem_shared>> -> memref<80x16xf32, #tpu.memory_space<vmem_shared>>
      tpu.enqueue_dma source(%arg23 : memref<80x16xf32, #tpu.memory_space<vmem>>) target(%dma_start3A_232 : memref<80x16xf32, #tpu.memory_space<vmem_shared>>) target_semaphore(%run_scoped3A : memref<!tpu.dma_semaphore, #tpu.memory_space<semaphore_mem>>)
      %dma_wait3A_233 = arith.constant 0 : i32
      %dma_wait3A_234 = tpu.memref_slice %arg28[%add3A_29, %dma_wait3A_233] : memref<10016x16xf32, #tpu.memory_space<vmem_shared>> -> memref<80x16xf32, #tpu.memory_space<vmem_shared>>
      %dma_wait3A_235 = arith.constant 0 : i32
      %dma_wait3A_236 = tpu.memref_slice %arg28[%add3A_29, %dma_wait3A_235] : memref<10016x16xf32, #tpu.memory_space<vmem_shared>> -> memref<80x16xf32, #tpu.memory_space<vmem_shared>>
      tpu.wait_dma2 semaphore(%run_scoped3A : memref<!tpu.dma_semaphore, #tpu.memory_space<semaphore_mem>>) src(%arg23 : memref<80x16xf32, #tpu.memory_space<vmem>>) dst(%dma_wait3A_236 : memref<80x16xf32, #tpu.memory_space<vmem_shared>>)
      tpu.yield
    }) : () -> ()
    %add3A_30 = arith.constant 320 : i32
    %add3A_31 = arith.addi %mul3A_14, %add3A_30 : i32
    "tpu.region"() ({
      %run_scoped3A = tpu.sem_alloc : memref<!tpu.dma_semaphore, #tpu.memory_space<semaphore_mem>>
      %dma_start3A_229 = arith.constant 0 : i32
      %dma_start3A_230 = tpu.memref_slice %arg27[%add3A_31, %dma_start3A_229] : memref<10016x128xf32, #tpu.memory_space<vmem_shared>> -> memref<80x128xf32, #tpu.memory_space<vmem_shared>>
      %dma_start3A_231 = arith.constant 0 : i32
      %dma_start3A_232 = tpu.memref_slice %arg27[%add3A_31, %dma_start3A_231] : memref<10016x128xf32, #tpu.memory_space<vmem_shared>> -> memref<80x128xf32, #tpu.memory_space<vmem_shared>>
      tpu.enqueue_dma source(%arg25 : memref<80x128xf32, #tpu.memory_space<vmem>>) target(%dma_start3A_232 : memref<80x128xf32, #tpu.memory_space<vmem_shared>>) target_semaphore(%run_scoped3A : memref<!tpu.dma_semaphore, #tpu.memory_space<semaphore_mem>>)
      %dma_wait3A_233 = arith.constant 0 : i32
      %dma_wait3A_234 = tpu.memref_slice %arg27[%add3A_31, %dma_wait3A_233] : memref<10016x128xf32, #tpu.memory_space<vmem_shared>> -> memref<80x128xf32, #tpu.memory_space<vmem_shared>>
      %dma_wait3A_235 = arith.constant 0 : i32
      %dma_wait3A_236 = tpu.memref_slice %arg27[%add3A_31, %dma_wait3A_235] : memref<10016x128xf32, #tpu.memory_space<vmem_shared>> -> memref<80x128xf32, #tpu.memory_space<vmem_shared>>
      tpu.wait_dma2 semaphore(%run_scoped3A : memref<!tpu.dma_semaphore, #tpu.memory_space<semaphore_mem>>) src(%arg25 : memref<80x128xf32, #tpu.memory_space<vmem>>) dst(%dma_wait3A_236 : memref<80x128xf32, #tpu.memory_space<vmem_shared>>)
      tpu.yield
    }) : () -> ()
    %add3A_32 = arith.constant 320 : i32
    %add3A_33 = arith.addi %mul3A_14, %add3A_32 : i32
    "tpu.region"() ({
      %run_scoped3A = tpu.sem_alloc : memref<!tpu.dma_semaphore, #tpu.memory_space<semaphore_mem>>
      %dma_start3A_229 = arith.constant 0 : i32
      %dma_start3A_230 = tpu.memref_slice %arg28[%add3A_33, %dma_start3A_229] : memref<10016x16xf32, #tpu.memory_space<vmem_shared>> -> memref<80x16xf32, #tpu.memory_space<vmem_shared>>
      %dma_start3A_231 = arith.constant 0 : i32
      %dma_start3A_232 = tpu.memref_slice %arg28[%add3A_33, %dma_start3A_231] : memref<10016x16xf32, #tpu.memory_space<vmem_shared>> -> memref<80x16xf32, #tpu.memory_space<vmem_shared>>
      tpu.enqueue_dma source(%arg23 : memref<80x16xf32, #tpu.memory_space<vmem>>) target(%dma_start3A_232 : memref<80x16xf32, #tpu.memory_space<vmem_shared>>) target_semaphore(%run_scoped3A : memref<!tpu.dma_semaphore, #tpu.memory_space<semaphore_mem>>)
      %dma_wait3A_233 = arith.constant 0 : i32
      %dma_wait3A_234 = tpu.memref_slice %arg28[%add3A_33, %dma_wait3A_233] : memref<10016x16xf32, #tpu.memory_space<vmem_shared>> -> memref<80x16xf32, #tpu.memory_space<vmem_shared>>
      %dma_wait3A_235 = arith.constant 0 : i32
      %dma_wait3A_236 = tpu.memref_slice %arg28[%add3A_33, %dma_wait3A_235] : memref<10016x16xf32, #tpu.memory_space<vmem_shared>> -> memref<80x16xf32, #tpu.memory_space<vmem_shared>>
      tpu.wait_dma2 semaphore(%run_scoped3A : memref<!tpu.dma_semaphore, #tpu.memory_space<semaphore_mem>>) src(%arg23 : memref<80x16xf32, #tpu.memory_space<vmem>>) dst(%dma_wait3A_236 : memref<80x16xf32, #tpu.memory_space<vmem_shared>>)
      tpu.yield
    }) : () -> ()
    %add3A_34 = arith.constant 400 : i32
    %add3A_35 = arith.addi %mul3A_14, %add3A_34 : i32
    "tpu.region"() ({
      %run_scoped3A = tpu.sem_alloc : memref<!tpu.dma_semaphore, #tpu.memory_space<semaphore_mem>>
      %dma_start3A_229 = arith.constant 0 : i32
      %dma_start3A_230 = tpu.memref_slice %arg27[%add3A_35, %dma_start3A_229] : memref<10016x128xf32, #tpu.memory_space<vmem_shared>> -> memref<80x128xf32, #tpu.memory_space<vmem_shared>>
      %dma_start3A_231 = arith.constant 0 : i32
      %dma_start3A_232 = tpu.memref_slice %arg27[%add3A_35, %dma_start3A_231] : memref<10016x128xf32, #tpu.memory_space<vmem_shared>> -> memref<80x128xf32, #tpu.memory_space<vmem_shared>>
      tpu.enqueue_dma source(%arg25 : memref<80x128xf32, #tpu.memory_space<vmem>>) target(%dma_start3A_232 : memref<80x128xf32, #tpu.memory_space<vmem_shared>>) target_semaphore(%run_scoped3A : memref<!tpu.dma_semaphore, #tpu.memory_space<semaphore_mem>>)
      %dma_wait3A_233 = arith.constant 0 : i32
      %dma_wait3A_234 = tpu.memref_slice %arg27[%add3A_35, %dma_wait3A_233] : memref<10016x128xf32, #tpu.memory_space<vmem_shared>> -> memref<80x128xf32, #tpu.memory_space<vmem_shared>>
      %dma_wait3A_235 = arith.constant 0 : i32
      %dma_wait3A_236 = tpu.memref_slice %arg27[%add3A_35, %dma_wait3A_235] : memref<10016x128xf32, #tpu.memory_space<vmem_shared>> -> memref<80x128xf32, #tpu.memory_space<vmem_shared>>
      tpu.wait_dma2 semaphore(%run_scoped3A : memref<!tpu.dma_semaphore, #tpu.memory_space<semaphore_mem>>) src(%arg25 : memref<80x128xf32, #tpu.memory_space<vmem>>) dst(%dma_wait3A_236 : memref<80x128xf32, #tpu.memory_space<vmem_shared>>)
      tpu.yield
    }) : () -> ()
    %add3A_36 = arith.constant 400 : i32
    %add3A_37 = arith.addi %mul3A_14, %add3A_36 : i32
    "tpu.region"() ({
      %run_scoped3A = tpu.sem_alloc : memref<!tpu.dma_semaphore, #tpu.memory_space<semaphore_mem>>
      %dma_start3A_229 = arith.constant 0 : i32
      %dma_start3A_230 = tpu.memref_slice %arg28[%add3A_37, %dma_start3A_229] : memref<10016x16xf32, #tpu.memory_space<vmem_shared>> -> memref<80x16xf32, #tpu.memory_space<vmem_shared>>
      %dma_start3A_231 = arith.constant 0 : i32
      %dma_start3A_232 = tpu.memref_slice %arg28[%add3A_37, %dma_start3A_231] : memref<10016x16xf32, #tpu.memory_space<vmem_shared>> -> memref<80x16xf32, #tpu.memory_space<vmem_shared>>
      tpu.enqueue_dma source(%arg23 : memref<80x16xf32, #tpu.memory_space<vmem>>) target(%dma_start3A_232 : memref<80x16xf32, #tpu.memory_space<vmem_shared>>) target_semaphore(%run_scoped3A : memref<!tpu.dma_semaphore, #tpu.memory_space<semaphore_mem>>)
      %dma_wait3A_233 = arith.constant 0 : i32
      %dma_wait3A_234 = tpu.memref_slice %arg28[%add3A_37, %dma_wait3A_233] : memref<10016x16xf32, #tpu.memory_space<vmem_shared>> -> memref<80x16xf32, #tpu.memory_space<vmem_shared>>
      %dma_wait3A_235 = arith.constant 0 : i32
      %dma_wait3A_236 = tpu.memref_slice %arg28[%add3A_37, %dma_wait3A_235] : memref<10016x16xf32, #tpu.memory_space<vmem_shared>> -> memref<80x16xf32, #tpu.memory_space<vmem_shared>>
      tpu.wait_dma2 semaphore(%run_scoped3A : memref<!tpu.dma_semaphore, #tpu.memory_space<semaphore_mem>>) src(%arg23 : memref<80x16xf32, #tpu.memory_space<vmem>>) dst(%dma_wait3A_236 : memref<80x16xf32, #tpu.memory_space<vmem_shared>>)
      tpu.yield
    }) : () -> ()
    %add3A_38 = arith.constant 480 : i32
    %add3A_39 = arith.addi %mul3A_14, %add3A_38 : i32
    "tpu.region"() ({
      %run_scoped3A = tpu.sem_alloc : memref<!tpu.dma_semaphore, #tpu.memory_space<semaphore_mem>>
      %dma_start3A_229 = arith.constant 0 : i32
      %dma_start3A_230 = tpu.memref_slice %arg27[%add3A_39, %dma_start3A_229] : memref<10016x128xf32, #tpu.memory_space<vmem_shared>> -> memref<80x128xf32, #tpu.memory_space<vmem_shared>>
      %dma_start3A_231 = arith.constant 0 : i32
      %dma_start3A_232 = tpu.memref_slice %arg27[%add3A_39, %dma_start3A_231] : memref<10016x128xf32, #tpu.memory_space<vmem_shared>> -> memref<80x128xf32, #tpu.memory_space<vmem_shared>>
      tpu.enqueue_dma source(%arg25 : memref<80x128xf32, #tpu.memory_space<vmem>>) target(%dma_start3A_232 : memref<80x128xf32, #tpu.memory_space<vmem_shared>>) target_semaphore(%run_scoped3A : memref<!tpu.dma_semaphore, #tpu.memory_space<semaphore_mem>>)
      %dma_wait3A_233 = arith.constant 0 : i32
      %dma_wait3A_234 = tpu.memref_slice %arg27[%add3A_39, %dma_wait3A_233] : memref<10016x128xf32, #tpu.memory_space<vmem_shared>> -> memref<80x128xf32, #tpu.memory_space<vmem_shared>>
      %dma_wait3A_235 = arith.constant 0 : i32
      %dma_wait3A_236 = tpu.memref_slice %arg27[%add3A_39, %dma_wait3A_235] : memref<10016x128xf32, #tpu.memory_space<vmem_shared>> -> memref<80x128xf32, #tpu.memory_space<vmem_shared>>
      tpu.wait_dma2 semaphore(%run_scoped3A : memref<!tpu.dma_semaphore, #tpu.memory_space<semaphore_mem>>) src(%arg25 : memref<80x128xf32, #tpu.memory_space<vmem>>) dst(%dma_wait3A_236 : memref<80x128xf32, #tpu.memory_space<vmem_shared>>)
      tpu.yield
    }) : () -> ()
    %add3A_40 = arith.constant 480 : i32
    %add3A_41 = arith.addi %mul3A_14, %add3A_40 : i32
    "tpu.region"() ({
      %run_scoped3A = tpu.sem_alloc : memref<!tpu.dma_semaphore, #tpu.memory_space<semaphore_mem>>
      %dma_start3A_229 = arith.constant 0 : i32
      %dma_start3A_230 = tpu.memref_slice %arg28[%add3A_41, %dma_start3A_229] : memref<10016x16xf32, #tpu.memory_space<vmem_shared>> -> memref<80x16xf32, #tpu.memory_space<vmem_shared>>
      %dma_start3A_231 = arith.constant 0 : i32
      %dma_start3A_232 = tpu.memref_slice %arg28[%add3A_41, %dma_start3A_231] : memref<10016x16xf32, #tpu.memory_space<vmem_shared>> -> memref<80x16xf32, #tpu.memory_space<vmem_shared>>
      tpu.enqueue_dma source(%arg23 : memref<80x16xf32, #tpu.memory_space<vmem>>) target(%dma_start3A_232 : memref<80x16xf32, #tpu.memory_space<vmem_shared>>) target_semaphore(%run_scoped3A : memref<!tpu.dma_semaphore, #tpu.memory_space<semaphore_mem>>)
      %dma_wait3A_233 = arith.constant 0 : i32
      %dma_wait3A_234 = tpu.memref_slice %arg28[%add3A_41, %dma_wait3A_233] : memref<10016x16xf32, #tpu.memory_space<vmem_shared>> -> memref<80x16xf32, #tpu.memory_space<vmem_shared>>
      %dma_wait3A_235 = arith.constant 0 : i32
      %dma_wait3A_236 = tpu.memref_slice %arg28[%add3A_41, %dma_wait3A_235] : memref<10016x16xf32, #tpu.memory_space<vmem_shared>> -> memref<80x16xf32, #tpu.memory_space<vmem_shared>>
      tpu.wait_dma2 semaphore(%run_scoped3A : memref<!tpu.dma_semaphore, #tpu.memory_space<semaphore_mem>>) src(%arg23 : memref<80x16xf32, #tpu.memory_space<vmem>>) dst(%dma_wait3A_236 : memref<80x16xf32, #tpu.memory_space<vmem_shared>>)
      tpu.yield
    }) : () -> ()
    %add3A_42 = arith.constant 560 : i32
    %add3A_43 = arith.addi %mul3A_14, %add3A_42 : i32
    "tpu.region"() ({
      %run_scoped3A = tpu.sem_alloc : memref<!tpu.dma_semaphore, #tpu.memory_space<semaphore_mem>>
      %dma_start3A_229 = arith.constant 0 : i32
      %dma_start3A_230 = arith.constant 0 : i32
      %dma_start3A_231 = tpu.memref_slice %arg25[%dma_start3A_229, %dma_start3A_230] : memref<80x128xf32, #tpu.memory_space<vmem>> -> memref<66x128xf32, #tpu.memory_space<vmem>>
      %dma_start3A_232 = arith.constant 0 : i32
      %dma_start3A_233 = tpu.memref_slice %arg27[%add3A_43, %dma_start3A_232] : memref<10016x128xf32, #tpu.memory_space<vmem_shared>> -> memref<66x128xf32, #tpu.memory_space<vmem_shared>>
      %dma_start3A_234 = arith.constant 0 : i32
      %dma_start3A_235 = tpu.memref_slice %arg27[%add3A_43, %dma_start3A_234] : memref<10016x128xf32, #tpu.memory_space<vmem_shared>> -> memref<66x128xf32, #tpu.memory_space<vmem_shared>>
      %dma_start3A_236 = arith.constant 0 : i32
      %dma_start3A_237 = arith.constant 0 : i32
      %dma_start3A_238 = tpu.memref_slice %arg25[%dma_start3A_236, %dma_start3A_237] : memref<80x128xf32, #tpu.memory_space<vmem>> -> memref<66x128xf32, #tpu.memory_space<vmem>>
      tpu.enqueue_dma source(%dma_start3A_238 : memref<66x128xf32, #tpu.memory_space<vmem>>) target(%dma_start3A_235 : memref<66x128xf32, #tpu.memory_space<vmem_shared>>) target_semaphore(%run_scoped3A : memref<!tpu.dma_semaphore, #tpu.memory_space<semaphore_mem>>)
      %dma_wait3A_239 = arith.constant 0 : i32
      %dma_wait3A_240 = arith.constant 0 : i32
      %dma_wait3A_241 = tpu.memref_slice %arg25[%dma_wait3A_239, %dma_wait3A_240] : memref<80x128xf32, #tpu.memory_space<vmem>> -> memref<66x128xf32, #tpu.memory_space<vmem>>
      %dma_wait3A_242 = arith.constant 0 : i32
      %dma_wait3A_243 = tpu.memref_slice %arg27[%add3A_43, %dma_wait3A_242] : memref<10016x128xf32, #tpu.memory_space<vmem_shared>> -> memref<66x128xf32, #tpu.memory_space<vmem_shared>>
      %dma_wait3A_244 = arith.constant 0 : i32
      %dma_wait3A_245 = tpu.memref_slice %arg27[%add3A_43, %dma_wait3A_244] : memref<10016x128xf32, #tpu.memory_space<vmem_shared>> -> memref<66x128xf32, #tpu.memory_space<vmem_shared>>
      %dma_wait3A_246 = arith.constant 0 : i32
      %dma_wait3A_247 = arith.constant 0 : i32
      %dma_wait3A_248 = tpu.memref_slice %arg25[%dma_wait3A_246, %dma_wait3A_247] : memref<80x128xf32, #tpu.memory_space<vmem>> -> memref<66x128xf32, #tpu.memory_space<vmem>>
      tpu.wait_dma2 semaphore(%run_scoped3A : memref<!tpu.dma_semaphore, #tpu.memory_space<semaphore_mem>>) src(%dma_wait3A_248 : memref<66x128xf32, #tpu.memory_space<vmem>>) dst(%dma_wait3A_245 : memref<66x128xf32, #tpu.memory_space<vmem_shared>>)
      tpu.yield
    }) : () -> ()
    "tpu.region"() ({
      %run_scoped3A = tpu.sem_alloc : memref<!tpu.dma_semaphore, #tpu.memory_space<semaphore_mem>>
      %dma_start3A_229 = arith.constant 0 : i32
      %dma_start3A_230 = arith.constant 0 : i32
      %dma_start3A_231 = tpu.memref_slice %arg23[%dma_start3A_229, %dma_start3A_230] : memref<80x16xf32, #tpu.memory_space<vmem>> -> memref<66x16xf32, #tpu.memory_space<vmem>>
      %dma_start3A_232 = arith.constant 0 : i32
      %dma_start3A_233 = tpu.memref_slice %arg28[%add3A_43, %dma_start3A_232] : memref<10016x16xf32, #tpu.memory_space<vmem_shared>> -> memref<66x16xf32, #tpu.memory_space<vmem_shared>>
      %dma_start3A_234 = arith.constant 0 : i32
      %dma_start3A_235 = tpu.memref_slice %arg28[%add3A_43, %dma_start3A_234] : memref<10016x16xf32, #tpu.memory_space<vmem_shared>> -> memref<66x16xf32, #tpu.memory_space<vmem_shared>>
      %dma_start3A_236 = arith.constant 0 : i32
      %dma_start3A_237 = arith.constant 0 : i32
      %dma_start3A_238 = tpu.memref_slice %arg23[%dma_start3A_236, %dma_start3A_237] : memref<80x16xf32, #tpu.memory_space<vmem>> -> memref<66x16xf32, #tpu.memory_space<vmem>>
      tpu.enqueue_dma source(%dma_start3A_238 : memref<66x16xf32, #tpu.memory_space<vmem>>) target(%dma_start3A_235 : memref<66x16xf32, #tpu.memory_space<vmem_shared>>) target_semaphore(%run_scoped3A : memref<!tpu.dma_semaphore, #tpu.memory_space<semaphore_mem>>)
      %dma_wait3A_239 = arith.constant 0 : i32
      %dma_wait3A_240 = arith.constant 0 : i32
      %dma_wait3A_241 = tpu.memref_slice %arg23[%dma_wait3A_239, %dma_wait3A_240] : memref<80x16xf32, #tpu.memory_space<vmem>> -> memref<66x16xf32, #tpu.memory_space<vmem>>
      %dma_wait3A_242 = arith.constant 0 : i32
      %dma_wait3A_243 = tpu.memref_slice %arg28[%add3A_43, %dma_wait3A_242] : memref<10016x16xf32, #tpu.memory_space<vmem_shared>> -> memref<66x16xf32, #tpu.memory_space<vmem_shared>>
      %dma_wait3A_244 = arith.constant 0 : i32
      %dma_wait3A_245 = tpu.memref_slice %arg28[%add3A_43, %dma_wait3A_244] : memref<10016x16xf32, #tpu.memory_space<vmem_shared>> -> memref<66x16xf32, #tpu.memory_space<vmem_shared>>
      %dma_wait3A_246 = arith.constant 0 : i32
      %dma_wait3A_247 = arith.constant 0 : i32
      %dma_wait3A_248 = tpu.memref_slice %arg23[%dma_wait3A_246, %dma_wait3A_247] : memref<80x16xf32, #tpu.memory_space<vmem>> -> memref<66x16xf32, #tpu.memory_space<vmem>>
      tpu.wait_dma2 semaphore(%run_scoped3A : memref<!tpu.dma_semaphore, #tpu.memory_space<semaphore_mem>>) src(%dma_wait3A_248 : memref<66x16xf32, #tpu.memory_space<vmem>>) dst(%dma_wait3A_245 : memref<66x16xf32, #tpu.memory_space<vmem_shared>>)
      tpu.yield
    }) : () -> ()
    %barrier3A = arith.constant 0 : index
    tpu.barrier barrier_id(%barrier3A)
    %add3A_44 = arith.constant 0 : i32
    %add3A_45 = arith.addi %mul3A_6, %add3A_44 : i32
    %dma_start3A = tpu.memref_slice %arg5[%add3A_45] : memref<160000xi32, #tpu.memory_space<hbm>> -> memref<80xi32, #tpu.memory_space<hbm>>
    %dma_start3A_46 = tpu.memref_slice %arg5[%add3A_45] : memref<160000xi32, #tpu.memory_space<hbm>> -> memref<80xi32, #tpu.memory_space<hbm>>
    tpu.enqueue_dma source(%dma_start3A_46 : memref<80xi32, #tpu.memory_space<hbm>>) target(%arg9 : memref<80xi32, #tpu.memory_space<vmem>>) target_semaphore(%arg29 : memref<!tpu.dma_semaphore, #tpu.memory_space<semaphore_mem>>)
    %dma_start3A_47 = tpu.memref_slice %arg6[%add3A_45] : memref<160000xi32, #tpu.memory_space<hbm>> -> memref<80xi32, #tpu.memory_space<hbm>>
    %dma_start3A_48 = tpu.memref_slice %arg6[%add3A_45] : memref<160000xi32, #tpu.memory_space<hbm>> -> memref<80xi32, #tpu.memory_space<hbm>>
    tpu.enqueue_dma source(%dma_start3A_48 : memref<80xi32, #tpu.memory_space<hbm>>) target(%arg11 : memref<80xi32, #tpu.memory_space<vmem>>) target_semaphore(%arg31 : memref<!tpu.dma_semaphore, #tpu.memory_space<semaphore_mem>>)
    %add3A_49 = arith.constant 0 : i32
    %add3A_50 = arith.addi %mul3A_6, %add3A_49 : i32
    %dma_wait3A = tpu.memref_slice %arg5[%add3A_50] : memref<160000xi32, #tpu.memory_space<hbm>> -> memref<80xi32, #tpu.memory_space<hbm>>
    %dma_wait3A_51 = tpu.memref_slice %arg5[%add3A_50] : memref<160000xi32, #tpu.memory_space<hbm>> -> memref<80xi32, #tpu.memory_space<hbm>>
    tpu.wait_dma2 semaphore(%arg29 : memref<!tpu.dma_semaphore, #tpu.memory_space<semaphore_mem>>) src(%dma_wait3A_51 : memref<80xi32, #tpu.memory_space<hbm>>) dst(%arg9 : memref<80xi32, #tpu.memory_space<vmem>>)
    %dma_wait3A_52 = tpu.memref_slice %arg6[%add3A_50] : memref<160000xi32, #tpu.memory_space<hbm>> -> memref<80xi32, #tpu.memory_space<hbm>>
    %dma_wait3A_53 = tpu.memref_slice %arg6[%add3A_50] : memref<160000xi32, #tpu.memory_space<hbm>> -> memref<80xi32, #tpu.memory_space<hbm>>
    tpu.wait_dma2 semaphore(%arg31 : memref<!tpu.dma_semaphore, #tpu.memory_space<semaphore_mem>>) src(%dma_wait3A_53 : memref<80xi32, #tpu.memory_space<hbm>>) dst(%arg11 : memref<80xi32, #tpu.memory_space<vmem>>)
    %get3A = arith.constant 0 : index
    %get3A_54 = tpu.vector_load %arg9[%get3A] {strides = array<i32>} : memref<80xi32, #tpu.memory_space<vmem>>, vector<16xi32>,
    %get3A_55 = vector.shape_cast %get3A_54 : vector<16xi32> to vector<16xi32>
    %add3A_56 = arith.addi %get3A_55, %broadcast_in_dim3A : vector<16xi32>
    %swap3A = arith.constant 0 : index
    %swap3A_57 = tpu.vector_load %arg13[%swap3A] {strides = array<i32>} : memref<80xi32, #tpu.memory_space<vmem>>, vector<16xi32>,
    %swap3A_58 = vector.shape_cast %swap3A_57 : vector<16xi32> to vector<16xi32>
    %swap3A_59 = vector.shape_cast %add3A_56 : vector<16xi32> to vector<16xi32>
    tpu.vector_store %arg13[%swap3A], %swap3A_59 {strides = array<i32>} : memref<80xi32, #tpu.memory_space<vmem>>, vector<16xi32>,
    %get3A_60 = arith.constant 0 : index
    %get3A_61 = tpu.vector_load %arg11[%get3A_60] {strides = array<i32>} : memref<80xi32, #tpu.memory_space<vmem>>, vector<16xi32>,
    %get3A_62 = vector.shape_cast %get3A_61 : vector<16xi32> to vector<16xi32>
    %swap3A_63 = arith.constant 0 : index
    %swap3A_64 = tpu.vector_load %arg17[%swap3A_63] {strides = array<i32>} : memref<80xi32, #tpu.memory_space<vmem>>, vector<16xi32>,
    %swap3A_65 = vector.shape_cast %swap3A_64 : vector<16xi32> to vector<16xi32>
    %swap3A_66 = vector.shape_cast %get3A_62 : vector<16xi32> to vector<16xi32>
    tpu.vector_store %arg17[%swap3A_63], %swap3A_66 {strides = array<i32>} : memref<80xi32, #tpu.memory_space<vmem>>, vector<16xi32>,
    %min3A = arith.minsi %get3A_62, %broadcast_in_dim3A_2 : vector<16xi32>
    %add3A_67 = arith.addi %min3A, %broadcast_in_dim3A : vector<16xi32>
    %swap3A_68 = arith.constant 0 : index
    %swap3A_69 = tpu.vector_load %arg15[%swap3A_68] {strides = array<i32>} : memref<80xi32, #tpu.memory_space<vmem>>, vector<16xi32>,
    %swap3A_70 = vector.shape_cast %swap3A_69 : vector<16xi32> to vector<16xi32>
    %swap3A_71 = vector.shape_cast %add3A_67 : vector<16xi32> to vector<16xi32>
    tpu.vector_store %arg15[%swap3A_68], %swap3A_71 {strides = array<i32>} : memref<80xi32, #tpu.memory_space<vmem>>, vector<16xi32>,
    %get3A_72 = arith.constant 16 : index
    %get3A_73 = tpu.vector_load %arg9[%get3A_72] {strides = array<i32>} : memref<80xi32, #tpu.memory_space<vmem>>, vector<16xi32>,
    %get3A_74 = vector.shape_cast %get3A_73 : vector<16xi32> to vector<16xi32>
    %add3A_75 = arith.addi %get3A_74, %broadcast_in_dim3A : vector<16xi32>
    %swap3A_76 = arith.constant 16 : index
    %swap3A_77 = tpu.vector_load %arg13[%swap3A_76] {strides = array<i32>} : memref<80xi32, #tpu.memory_space<vmem>>, vector<16xi32>,
    %swap3A_78 = vector.shape_cast %swap3A_77 : vector<16xi32> to vector<16xi32>
    %swap3A_79 = vector.shape_cast %add3A_75 : vector<16xi32> to vector<16xi32>
    tpu.vector_store %arg13[%swap3A_76], %swap3A_79 {strides = array<i32>} : memref<80xi32, #tpu.memory_space<vmem>>, vector<16xi32>,
    %get3A_80 = arith.constant 16 : index
    %get3A_81 = tpu.vector_load %arg11[%get3A_80] {strides = array<i32>} : memref<80xi32, #tpu.memory_space<vmem>>, vector<16xi32>,
    %get3A_82 = vector.shape_cast %get3A_81 : vector<16xi32> to vector<16xi32>
    %swap3A_83 = arith.constant 16 : index
    %swap3A_84 = tpu.vector_load %arg17[%swap3A_83] {strides = array<i32>} : memref<80xi32, #tpu.memory_space<vmem>>, vector<16xi32>,
    %swap3A_85 = vector.shape_cast %swap3A_84 : vector<16xi32> to vector<16xi32>
    %swap3A_86 = vector.shape_cast %get3A_82 : vector<16xi32> to vector<16xi32>
    tpu.vector_store %arg17[%swap3A_83], %swap3A_86 {strides = array<i32>} : memref<80xi32, #tpu.memory_space<vmem>>, vector<16xi32>,
    %min3A_87 = arith.minsi %get3A_82, %broadcast_in_dim3A_2 : vector<16xi32>
    %add3A_88 = arith.addi %min3A_87, %broadcast_in_dim3A : vector<16xi32>
    %swap3A_89 = arith.constant 16 : index
    %swap3A_90 = tpu.vector_load %arg15[%swap3A_89] {strides = array<i32>} : memref<80xi32, #tpu.memory_space<vmem>>, vector<16xi32>,
    %swap3A_91 = vector.shape_cast %swap3A_90 : vector<16xi32> to vector<16xi32>
    %swap3A_92 = vector.shape_cast %add3A_88 : vector<16xi32> to vector<16xi32>
    tpu.vector_store %arg15[%swap3A_89], %swap3A_92 {strides = array<i32>} : memref<80xi32, #tpu.memory_space<vmem>>, vector<16xi32>,
    %get3A_93 = arith.constant 32 : index
    %get3A_94 = tpu.vector_load %arg9[%get3A_93] {strides = array<i32>} : memref<80xi32, #tpu.memory_space<vmem>>, vector<16xi32>,
    %get3A_95 = vector.shape_cast %get3A_94 : vector<16xi32> to vector<16xi32>
    %add3A_96 = arith.addi %get3A_95, %broadcast_in_dim3A : vector<16xi32>
    %swap3A_97 = arith.constant 32 : index
    %swap3A_98 = tpu.vector_load %arg13[%swap3A_97] {strides = array<i32>} : memref<80xi32, #tpu.memory_space<vmem>>, vector<16xi32>,
    %swap3A_99 = vector.shape_cast %swap3A_98 : vector<16xi32> to vector<16xi32>
    %swap3A_100 = vector.shape_cast %add3A_96 : vector<16xi32> to vector<16xi32>
    tpu.vector_store %arg13[%swap3A_97], %swap3A_100 {strides = array<i32>} : memref<80xi32, #tpu.memory_space<vmem>>, vector<16xi32>,
    %get3A_101 = arith.constant 32 : index
    %get3A_102 = tpu.vector_load %arg11[%get3A_101] {strides = array<i32>} : memref<80xi32, #tpu.memory_space<vmem>>, vector<16xi32>,
    %get3A_103 = vector.shape_cast %get3A_102 : vector<16xi32> to vector<16xi32>
    %swap3A_104 = arith.constant 32 : index
    %swap3A_105 = tpu.vector_load %arg17[%swap3A_104] {strides = array<i32>} : memref<80xi32, #tpu.memory_space<vmem>>, vector<16xi32>,
    %swap3A_106 = vector.shape_cast %swap3A_105 : vector<16xi32> to vector<16xi32>
    %swap3A_107 = vector.shape_cast %get3A_103 : vector<16xi32> to vector<16xi32>
    tpu.vector_store %arg17[%swap3A_104], %swap3A_107 {strides = array<i32>} : memref<80xi32, #tpu.memory_space<vmem>>, vector<16xi32>,
    %min3A_108 = arith.minsi %get3A_103, %broadcast_in_dim3A_2 : vector<16xi32>
    %add3A_109 = arith.addi %min3A_108, %broadcast_in_dim3A : vector<16xi32>
    %swap3A_110 = arith.constant 32 : index
    %swap3A_111 = tpu.vector_load %arg15[%swap3A_110] {strides = array<i32>} : memref<80xi32, #tpu.memory_space<vmem>>, vector<16xi32>,
    %swap3A_112 = vector.shape_cast %swap3A_111 : vector<16xi32> to vector<16xi32>
    %swap3A_113 = vector.shape_cast %add3A_109 : vector<16xi32> to vector<16xi32>
    tpu.vector_store %arg15[%swap3A_110], %swap3A_113 {strides = array<i32>} : memref<80xi32, #tpu.memory_space<vmem>>, vector<16xi32>,
    %get3A_114 = arith.constant 48 : index
    %get3A_115 = tpu.vector_load %arg9[%get3A_114] {strides = array<i32>} : memref<80xi32, #tpu.memory_space<vmem>>, vector<16xi32>,
    %get3A_116 = vector.shape_cast %get3A_115 : vector<16xi32> to vector<16xi32>
    %add3A_117 = arith.addi %get3A_116, %broadcast_in_dim3A : vector<16xi32>
    %swap3A_118 = arith.constant 48 : index
    %swap3A_119 = tpu.vector_load %arg13[%swap3A_118] {strides = array<i32>} : memref<80xi32, #tpu.memory_space<vmem>>, vector<16xi32>,
    %swap3A_120 = vector.shape_cast %swap3A_119 : vector<16xi32> to vector<16xi32>
    %swap3A_121 = vector.shape_cast %add3A_117 : vector<16xi32> to vector<16xi32>
    tpu.vector_store %arg13[%swap3A_118], %swap3A_121 {strides = array<i32>} : memref<80xi32, #tpu.memory_space<vmem>>, vector<16xi32>,
    %get3A_122 = arith.constant 48 : index
    %get3A_123 = tpu.vector_load %arg11[%get3A_122] {strides = array<i32>} : memref<80xi32, #tpu.memory_space<vmem>>, vector<16xi32>,
    %get3A_124 = vector.shape_cast %get3A_123 : vector<16xi32> to vector<16xi32>
    %swap3A_125 = arith.constant 48 : index
    %swap3A_126 = tpu.vector_load %arg17[%swap3A_125] {strides = array<i32>} : memref<80xi32, #tpu.memory_space<vmem>>, vector<16xi32>,
    %swap3A_127 = vector.shape_cast %swap3A_126 : vector<16xi32> to vector<16xi32>
    %swap3A_128 = vector.shape_cast %get3A_124 : vector<16xi32> to vector<16xi32>
    tpu.vector_store %arg17[%swap3A_125], %swap3A_128 {strides = array<i32>} : memref<80xi32, #tpu.memory_space<vmem>>, vector<16xi32>,
    %min3A_129 = arith.minsi %get3A_124, %broadcast_in_dim3A_2 : vector<16xi32>
    %add3A_130 = arith.addi %min3A_129, %broadcast_in_dim3A : vector<16xi32>
    %swap3A_131 = arith.constant 48 : index
    %swap3A_132 = tpu.vector_load %arg15[%swap3A_131] {strides = array<i32>} : memref<80xi32, #tpu.memory_space<vmem>>, vector<16xi32>,
    %swap3A_133 = vector.shape_cast %swap3A_132 : vector<16xi32> to vector<16xi32>
    %swap3A_134 = vector.shape_cast %add3A_130 : vector<16xi32> to vector<16xi32>
    tpu.vector_store %arg15[%swap3A_131], %swap3A_134 {strides = array<i32>} : memref<80xi32, #tpu.memory_space<vmem>>, vector<16xi32>,
    %get3A_135 = arith.constant 64 : index
    %get3A_136 = tpu.vector_load %arg9[%get3A_135] {strides = array<i32>} : memref<80xi32, #tpu.memory_space<vmem>>, vector<16xi32>,
    %get3A_137 = vector.shape_cast %get3A_136 : vector<16xi32> to vector<16xi32>
    %add3A_138 = arith.addi %get3A_137, %broadcast_in_dim3A : vector<16xi32>
    %swap3A_139 = arith.constant 64 : index
    %swap3A_140 = tpu.vector_load %arg13[%swap3A_139] {strides = array<i32>} : memref<80xi32, #tpu.memory_space<vmem>>, vector<16xi32>,
    %swap3A_141 = vector.shape_cast %swap3A_140 : vector<16xi32> to vector<16xi32>
    %swap3A_142 = vector.shape_cast %add3A_138 : vector<16xi32> to vector<16xi32>
    tpu.vector_store %arg13[%swap3A_139], %swap3A_142 {strides = array<i32>} : memref<80xi32, #tpu.memory_space<vmem>>, vector<16xi32>,
    %get3A_143 = arith.constant 64 : index
    %get3A_144 = tpu.vector_load %arg11[%get3A_143] {strides = array<i32>} : memref<80xi32, #tpu.memory_space<vmem>>, vector<16xi32>,
    %get3A_145 = vector.shape_cast %get3A_144 : vector<16xi32> to vector<16xi32>
    %swap3A_146 = arith.constant 64 : index
    %swap3A_147 = tpu.vector_load %arg17[%swap3A_146] {strides = array<i32>} : memref<80xi32, #tpu.memory_space<vmem>>, vector<16xi32>,
    %swap3A_148 = vector.shape_cast %swap3A_147 : vector<16xi32> to vector<16xi32>
    %swap3A_149 = vector.shape_cast %get3A_145 : vector<16xi32> to vector<16xi32>
    tpu.vector_store %arg17[%swap3A_146], %swap3A_149 {strides = array<i32>} : memref<80xi32, #tpu.memory_space<vmem>>, vector<16xi32>,
    %min3A_150 = arith.minsi %get3A_145, %broadcast_in_dim3A_2 : vector<16xi32>
    %add3A_151 = arith.addi %min3A_150, %broadcast_in_dim3A : vector<16xi32>
    %swap3A_152 = arith.constant 64 : index
    %swap3A_153 = tpu.vector_load %arg15[%swap3A_152] {strides = array<i32>} : memref<80xi32, #tpu.memory_space<vmem>>, vector<16xi32>,
    %swap3A_154 = vector.shape_cast %swap3A_153 : vector<16xi32> to vector<16xi32>
    %swap3A_155 = vector.shape_cast %add3A_151 : vector<16xi32> to vector<16xi32>
    tpu.vector_store %arg15[%swap3A_152], %swap3A_155 {strides = array<i32>} : memref<80xi32, #tpu.memory_space<vmem>>, vector<16xi32>,
    %dma_start3A_156 = arith.constant 0 : i32
    %dma_start3A_157 = arith.constant 0 : i32
    %dma_start3A_158 = tpu.memref_slice %arg3[%dma_start3A_156, %dma_start3A_157] : memref<20000x16xf32, #tpu.memory_space<hbm>> -> memref<20000x16xf32, #tpu.memory_space<hbm>>
    tpu.enqueue_indirect_dma source(%dma_start3A_158 : memref<20000x16xf32, #tpu.memory_space<hbm>>) target(%arg19 : memref<80x16xf32, #tpu.memory_space<vmem>>) offsets(%arg13 : memref<80xi32, #tpu.memory_space<vmem>>) semaphore(%arg33 : memref<!tpu.dma_semaphore, #tpu.memory_space<semaphore_mem>>)
    %dma_start3A_159 = arith.constant 0 : i32
    %dma_start3A_160 = arith.constant 0 : i32
    %dma_start3A_161 = tpu.memref_slice %arg4[%dma_start3A_159, %dma_start3A_160] : memref<20000x16xf32, #tpu.memory_space<hbm>> -> memref<20000x16xf32, #tpu.memory_space<hbm>>
    tpu.enqueue_indirect_dma source(%dma_start3A_161 : memref<20000x16xf32, #tpu.memory_space<hbm>>) target(%arg21 : memref<80x16xf32, #tpu.memory_space<vmem>>) offsets(%arg15 : memref<80xi32, #tpu.memory_space<vmem>>) semaphore(%arg35 : memref<!tpu.dma_semaphore, #tpu.memory_space<semaphore_mem>>)
    %dma_start3A_162 = arith.constant 0 : i32
    %dma_start3A_163 = arith.constant 0 : i32
    %dma_start3A_164 = tpu.memref_slice %arg2[%dma_start3A_162, %dma_start3A_163] : memref<20000x128xf32, #tpu.memory_space<hbm>> -> memref<20000x128xf32, #tpu.memory_space<hbm>>
    tpu.enqueue_indirect_dma source(%dma_start3A_164 : memref<20000x128xf32, #tpu.memory_space<hbm>>) target(%arg25 : memref<80x128xf32, #tpu.memory_space<vmem>>) offsets(%arg13 : memref<80xi32, #tpu.memory_space<vmem>>) semaphore(%arg37 : memref<!tpu.dma_semaphore, #tpu.memory_space<semaphore_mem>>)
    %add3A_165 = arith.constant 80 : i32
    %add3A_166 = arith.addi %mul3A_6, %add3A_165 : i32
    %dma_start3A_167 = tpu.memref_slice %arg5[%add3A_166] : memref<160000xi32, #tpu.memory_space<hbm>> -> memref<80xi32, #tpu.memory_space<hbm>>
    %dma_start3A_168 = tpu.memref_slice %arg5[%add3A_166] : memref<160000xi32, #tpu.memory_space<hbm>> -> memref<80xi32, #tpu.memory_space<hbm>>
    tpu.enqueue_dma source(%dma_start3A_168 : memref<80xi32, #tpu.memory_space<hbm>>) target(%arg10 : memref<80xi32, #tpu.memory_space<vmem>>) target_semaphore(%arg30 : memref<!tpu.dma_semaphore, #tpu.memory_space<semaphore_mem>>)
    %dma_start3A_169 = tpu.memref_slice %arg6[%add3A_166] : memref<160000xi32, #tpu.memory_space<hbm>> -> memref<80xi32, #tpu.memory_space<hbm>>
    %dma_start3A_170 = tpu.memref_slice %arg6[%add3A_166] : memref<160000xi32, #tpu.memory_space<hbm>> -> memref<80xi32, #tpu.memory_space<hbm>>
    tpu.enqueue_dma source(%dma_start3A_170 : memref<80xi32, #tpu.memory_space<hbm>>) target(%arg12 : memref<80xi32, #tpu.memory_space<vmem>>) target_semaphore(%arg32 : memref<!tpu.dma_semaphore, #tpu.memory_space<semaphore_mem>>)
    %scan3A_171 = arith.constant 0 : i32
    %scan3A_172 = arith.constant 0 : i32
    %scan3A_173 = arith.constant 62 : i32
    %scan3A_174 = arith.addi %scan3A_172, %scan3A_173 : i32
    %scan3A_175 = arith.constant 1 : i32
    %scan3A_176 = scf.for %scan3A_229 = %scan3A_172 to %scan3A_174 step %scan3A_175 iter_args(%scan3A_230 = %scan3A_171) -> (i32)  : i32 {
      %mul3A_231 = arith.constant 2 : i32
      %mul3A_232 = arith.muli %mul3A_231, %scan3A_229 : i32
      %dma_wait3A_233 = arith.constant 0 : i32
      %dma_wait3A_234 = arith.constant 0 : i32
      %dma_wait3A_235 = tpu.memref_slice %arg3[%dma_wait3A_233, %dma_wait3A_234] : memref<20000x16xf32, #tpu.memory_space<hbm>> -> memref<20000x16xf32, #tpu.memory_space<hbm>>
      tpu.wait_indirect_dma semaphore(%arg33 : memref<!tpu.dma_semaphore, #tpu.memory_space<semaphore_mem>>) src(%dma_wait3A_235 : memref<20000x16xf32, #tpu.memory_space<hbm>>) dst(%arg19 : memref<80x16xf32, #tpu.memory_space<vmem>>)
      %dma_wait3A_236 = arith.constant 0 : i32
      %dma_wait3A_237 = arith.constant 0 : i32
      %dma_wait3A_238 = tpu.memref_slice %arg4[%dma_wait3A_236, %dma_wait3A_237] : memref<20000x16xf32, #tpu.memory_space<hbm>> -> memref<20000x16xf32, #tpu.memory_space<hbm>>
      tpu.wait_indirect_dma semaphore(%arg35 : memref<!tpu.dma_semaphore, #tpu.memory_space<semaphore_mem>>) src(%dma_wait3A_238 : memref<20000x16xf32, #tpu.memory_space<hbm>>) dst(%arg21 : memref<80x16xf32, #tpu.memory_space<vmem>>)
      %add3A_239 = arith.constant 2 : i32
      %add3A_240 = arith.addi %mul3A_232, %add3A_239 : i32
      %lt3A_241 = arith.constant 125 : i32
      %lt3A_242 = arith.cmpi slt, %add3A_240, %lt3A_241 : i32
      %convert_element_type3A_243 = arith.extui %lt3A_242 : i1 to i32
      %cond3A_244 = arith.constant 0 : i32
      %cond3A_245 = arith.cmpi ne, %convert_element_type3A_243, %cond3A_244 : i32
      scf.if %cond3A_245 {
        %add3A_565 = arith.constant 2 : i32
        %add3A_566 = arith.addi %mul3A_232, %add3A_565 : i32
        %mul3A_567 = arith.constant 80 : i32
        %mul3A_568 = arith.muli %add3A_566, %mul3A_567 : i32
        %add3A_569 = arith.addi %mul3A_6, %mul3A_568 : i32
        %dma_start3A_570 = tpu.memref_slice %arg5[%add3A_569] : memref<160000xi32, #tpu.memory_space<hbm>> -> memref<80xi32, #tpu.memory_space<hbm>>
        %dma_start3A_571 = tpu.memref_slice %arg5[%add3A_569] : memref<160000xi32, #tpu.memory_space<hbm>> -> memref<80xi32, #tpu.memory_space<hbm>>
        tpu.enqueue_dma source(%dma_start3A_571 : memref<80xi32, #tpu.memory_space<hbm>>) target(%arg9 : memref<80xi32, #tpu.memory_space<vmem>>) target_semaphore(%arg29 : memref<!tpu.dma_semaphore, #tpu.memory_space<semaphore_mem>>)
        %dma_start3A_572 = tpu.memref_slice %arg6[%add3A_569] : memref<160000xi32, #tpu.memory_space<hbm>> -> memref<80xi32, #tpu.memory_space<hbm>>
        %dma_start3A_573 = tpu.memref_slice %arg6[%add3A_569] : memref<160000xi32, #tpu.memory_space<hbm>> -> memref<80xi32, #tpu.memory_space<hbm>>
        tpu.enqueue_dma source(%dma_start3A_573 : memref<80xi32, #tpu.memory_space<hbm>>) target(%arg11 : memref<80xi32, #tpu.memory_space<vmem>>) target_semaphore(%arg31 : memref<!tpu.dma_semaphore, #tpu.memory_space<semaphore_mem>>)
      } else {
      }
      %add3A_246 = arith.constant 1 : i32
      %add3A_247 = arith.addi %mul3A_232, %add3A_246 : i32
      %mul3A_248 = arith.constant 80 : i32
      %mul3A_249 = arith.muli %add3A_247, %mul3A_248 : i32
      %add3A_250 = arith.addi %mul3A_6, %mul3A_249 : i32
      %dma_wait3A_251 = tpu.memref_slice %arg5[%add3A_250] : memref<160000xi32, #tpu.memory_space<hbm>> -> memref<80xi32, #tpu.memory_space<hbm>>
      %dma_wait3A_252 = tpu.memref_slice %arg5[%add3A_250] : memref<160000xi32, #tpu.memory_space<hbm>> -> memref<80xi32, #tpu.memory_space<hbm>>
      tpu.wait_dma2 semaphore(%arg30 : memref<!tpu.dma_semaphore, #tpu.memory_space<semaphore_mem>>) src(%dma_wait3A_252 : memref<80xi32, #tpu.memory_space<hbm>>) dst(%arg10 : memref<80xi32, #tpu.memory_space<vmem>>)
      %dma_wait3A_253 = tpu.memref_slice %arg6[%add3A_250] : memref<160000xi32, #tpu.memory_space<hbm>> -> memref<80xi32, #tpu.memory_space<hbm>>
      %dma_wait3A_254 = tpu.memref_slice %arg6[%add3A_250] : memref<160000xi32, #tpu.memory_space<hbm>> -> memref<80xi32, #tpu.memory_space<hbm>>
      tpu.wait_dma2 semaphore(%arg32 : memref<!tpu.dma_semaphore, #tpu.memory_space<semaphore_mem>>) src(%dma_wait3A_254 : memref<80xi32, #tpu.memory_space<hbm>>) dst(%arg12 : memref<80xi32, #tpu.memory_space<vmem>>)
      %ge3A = arith.constant 1 : i32
      %ge3A_255 = arith.cmpi sge, %mul3A_232, %ge3A : i32
      %convert_element_type3A_256 = arith.extui %ge3A_255 : i1 to i32
      %cond3A_257 = arith.constant 0 : i32
      %cond3A_258 = arith.cmpi ne, %convert_element_type3A_256, %cond3A_257 : i32
      scf.if %cond3A_258 {
        %dma_wait3A_565 = arith.constant 0 : i32
        %dma_wait3A_566 = arith.constant 0 : i32
        %dma_wait3A_567 = tpu.memref_slice %arg28[%dma_wait3A_565, %dma_wait3A_566] : memref<10016x16xf32, #tpu.memory_space<vmem_shared>> -> memref<10016x16xf32, #tpu.memory_space<vmem_shared>>
        tpu.wait_indirect_dma semaphore(%arg40 : memref<!tpu.dma_semaphore, #tpu.memory_space<semaphore_mem>>) src(%arg24 : memref<80x16xf32, #tpu.memory_space<vmem>>) dst(%dma_wait3A_567 : memref<10016x16xf32, #tpu.memory_space<vmem_shared>>)
        %dma_wait3A_568 = arith.constant 0 : i32
        %dma_wait3A_569 = arith.constant 0 : i32
        %dma_wait3A_570 = tpu.memref_slice %arg27[%dma_wait3A_568, %dma_wait3A_569] : memref<10016x128xf32, #tpu.memory_space<vmem_shared>> -> memref<10016x128xf32, #tpu.memory_space<vmem_shared>>
        tpu.wait_indirect_dma semaphore(%arg42 : memref<!tpu.dma_semaphore, #tpu.memory_space<semaphore_mem>>) src(%arg26 : memref<80x128xf32, #tpu.memory_space<vmem>>) dst(%dma_wait3A_570 : memref<10016x128xf32, #tpu.memory_space<vmem_shared>>)
      } else {
      }
      %get3A_259 = arith.constant 0 : index
      %get3A_260 = tpu.vector_load %arg10[%get3A_259] {strides = array<i32>} : memref<80xi32, #tpu.memory_space<vmem>>, vector<16xi32>,
      %get3A_261 = vector.shape_cast %get3A_260 : vector<16xi32> to vector<16xi32>
      %add3A_262 = arith.addi %get3A_261, %broadcast_in_dim3A : vector<16xi32>
      %swap3A_263 = arith.constant 0 : index
      %swap3A_264 = tpu.vector_load %arg14[%swap3A_263] {strides = array<i32>} : memref<80xi32, #tpu.memory_space<vmem>>, vector<16xi32>,
      %swap3A_265 = vector.shape_cast %swap3A_264 : vector<16xi32> to vector<16xi32>
      %swap3A_266 = vector.shape_cast %add3A_262 : vector<16xi32> to vector<16xi32>
      tpu.vector_store %arg14[%swap3A_263], %swap3A_266 {strides = array<i32>} : memref<80xi32, #tpu.memory_space<vmem>>, vector<16xi32>,
      %get3A_267 = arith.constant 0 : index
      %get3A_268 = tpu.vector_load %arg12[%get3A_267] {strides = array<i32>} : memref<80xi32, #tpu.memory_space<vmem>>, vector<16xi32>,
      %get3A_269 = vector.shape_cast %get3A_268 : vector<16xi32> to vector<16xi32>
      %swap3A_270 = arith.constant 0 : index
      %swap3A_271 = tpu.vector_load %arg18[%swap3A_270] {strides = array<i32>} : memref<80xi32, #tpu.memory_space<vmem>>, vector<16xi32>,
      %swap3A_272 = vector.shape_cast %swap3A_271 : vector<16xi32> to vector<16xi32>
      %swap3A_273 = vector.shape_cast %get3A_269 : vector<16xi32> to vector<16xi32>
      tpu.vector_store %arg18[%swap3A_270], %swap3A_273 {strides = array<i32>} : memref<80xi32, #tpu.memory_space<vmem>>, vector<16xi32>,
      %min3A_274 = arith.minsi %get3A_269, %broadcast_in_dim3A_2 : vector<16xi32>
      %add3A_275 = arith.addi %min3A_274, %broadcast_in_dim3A : vector<16xi32>
      %swap3A_276 = arith.constant 0 : index
      %swap3A_277 = tpu.vector_load %arg16[%swap3A_276] {strides = array<i32>} : memref<80xi32, #tpu.memory_space<vmem>>, vector<16xi32>,
      %swap3A_278 = vector.shape_cast %swap3A_277 : vector<16xi32> to vector<16xi32>
      %swap3A_279 = vector.shape_cast %add3A_275 : vector<16xi32> to vector<16xi32>
      tpu.vector_store %arg16[%swap3A_276], %swap3A_279 {strides = array<i32>} : memref<80xi32, #tpu.memory_space<vmem>>, vector<16xi32>,
      %get3A_280 = arith.constant 16 : index
      %get3A_281 = tpu.vector_load %arg10[%get3A_280] {strides = array<i32>} : memref<80xi32, #tpu.memory_space<vmem>>, vector<16xi32>,
      %get3A_282 = vector.shape_cast %get3A_281 : vector<16xi32> to vector<16xi32>
      %add3A_283 = arith.addi %get3A_282, %broadcast_in_dim3A : vector<16xi32>
      %swap3A_284 = arith.constant 16 : index
      %swap3A_285 = tpu.vector_load %arg14[%swap3A_284] {strides = array<i32>} : memref<80xi32, #tpu.memory_space<vmem>>, vector<16xi32>,
      %swap3A_286 = vector.shape_cast %swap3A_285 : vector<16xi32> to vector<16xi32>
      %swap3A_287 = vector.shape_cast %add3A_283 : vector<16xi32> to vector<16xi32>
      tpu.vector_store %arg14[%swap3A_284], %swap3A_287 {strides = array<i32>} : memref<80xi32, #tpu.memory_space<vmem>>, vector<16xi32>,
      %get3A_288 = arith.constant 16 : index
      %get3A_289 = tpu.vector_load %arg12[%get3A_288] {strides = array<i32>} : memref<80xi32, #tpu.memory_space<vmem>>, vector<16xi32>,
      %get3A_290 = vector.shape_cast %get3A_289 : vector<16xi32> to vector<16xi32>
      %swap3A_291 = arith.constant 16 : index
      %swap3A_292 = tpu.vector_load %arg18[%swap3A_291] {strides = array<i32>} : memref<80xi32, #tpu.memory_space<vmem>>, vector<16xi32>,
      %swap3A_293 = vector.shape_cast %swap3A_292 : vector<16xi32> to vector<16xi32>
      %swap3A_294 = vector.shape_cast %get3A_290 : vector<16xi32> to vector<16xi32>
      tpu.vector_store %arg18[%swap3A_291], %swap3A_294 {strides = array<i32>} : memref<80xi32, #tpu.memory_space<vmem>>, vector<16xi32>,
      %min3A_295 = arith.minsi %get3A_290, %broadcast_in_dim3A_2 : vector<16xi32>
      %add3A_296 = arith.addi %min3A_295, %broadcast_in_dim3A : vector<16xi32>
      %swap3A_297 = arith.constant 16 : index
      %swap3A_298 = tpu.vector_load %arg16[%swap3A_297] {strides = array<i32>} : memref<80xi32, #tpu.memory_space<vmem>>, vector<16xi32>,
      %swap3A_299 = vector.shape_cast %swap3A_298 : vector<16xi32> to vector<16xi32>
      %swap3A_300 = vector.shape_cast %add3A_296 : vector<16xi32> to vector<16xi32>
      tpu.vector_store %arg16[%swap3A_297], %swap3A_300 {strides = array<i32>} : memref<80xi32, #tpu.memory_space<vmem>>, vector<16xi32>,
      %get3A_301 = arith.constant 32 : index
      %get3A_302 = tpu.vector_load %arg10[%get3A_301] {strides = array<i32>} : memref<80xi32, #tpu.memory_space<vmem>>, vector<16xi32>,
      %get3A_303 = vector.shape_cast %get3A_302 : vector<16xi32> to vector<16xi32>
      %add3A_304 = arith.addi %get3A_303, %broadcast_in_dim3A : vector<16xi32>
      %swap3A_305 = arith.constant 32 : index
      %swap3A_306 = tpu.vector_load %arg14[%swap3A_305] {strides = array<i32>} : memref<80xi32, #tpu.memory_space<vmem>>, vector<16xi32>,
      %swap3A_307 = vector.shape_cast %swap3A_306 : vector<16xi32> to vector<16xi32>
      %swap3A_308 = vector.shape_cast %add3A_304 : vector<16xi32> to vector<16xi32>
      tpu.vector_store %arg14[%swap3A_305], %swap3A_308 {strides = array<i32>} : memref<80xi32, #tpu.memory_space<vmem>>, vector<16xi32>,
      %get3A_309 = arith.constant 32 : index
      %get3A_310 = tpu.vector_load %arg12[%get3A_309] {strides = array<i32>} : memref<80xi32, #tpu.memory_space<vmem>>, vector<16xi32>,
      %get3A_311 = vector.shape_cast %get3A_310 : vector<16xi32> to vector<16xi32>
      %swap3A_312 = arith.constant 32 : index
      %swap3A_313 = tpu.vector_load %arg18[%swap3A_312] {strides = array<i32>} : memref<80xi32, #tpu.memory_space<vmem>>, vector<16xi32>,
      %swap3A_314 = vector.shape_cast %swap3A_313 : vector<16xi32> to vector<16xi32>
      %swap3A_315 = vector.shape_cast %get3A_311 : vector<16xi32> to vector<16xi32>
      tpu.vector_store %arg18[%swap3A_312], %swap3A_315 {strides = array<i32>} : memref<80xi32, #tpu.memory_space<vmem>>, vector<16xi32>,
      %min3A_316 = arith.minsi %get3A_311, %broadcast_in_dim3A_2 : vector<16xi32>
      %add3A_317 = arith.addi %min3A_316, %broadcast_in_dim3A : vector<16xi32>
      %swap3A_318 = arith.constant 32 : index
      %swap3A_319 = tpu.vector_load %arg16[%swap3A_318] {strides = array<i32>} : memref<80xi32, #tpu.memory_space<vmem>>, vector<16xi32>,
      %swap3A_320 = vector.shape_cast %swap3A_319 : vector<16xi32> to vector<16xi32>
      %swap3A_321 = vector.shape_cast %add3A_317 : vector<16xi32> to vector<16xi32>
      tpu.vector_store %arg16[%swap3A_318], %swap3A_321 {strides = array<i32>} : memref<80xi32, #tpu.memory_space<vmem>>, vector<16xi32>,
      %get3A_322 = arith.constant 48 : index
      %get3A_323 = tpu.vector_load %arg10[%get3A_322] {strides = array<i32>} : memref<80xi32, #tpu.memory_space<vmem>>, vector<16xi32>,
      %get3A_324 = vector.shape_cast %get3A_323 : vector<16xi32> to vector<16xi32>
      %add3A_325 = arith.addi %get3A_324, %broadcast_in_dim3A : vector<16xi32>
      %swap3A_326 = arith.constant 48 : index
      %swap3A_327 = tpu.vector_load %arg14[%swap3A_326] {strides = array<i32>} : memref<80xi32, #tpu.memory_space<vmem>>, vector<16xi32>,
      %swap3A_328 = vector.shape_cast %swap3A_327 : vector<16xi32> to vector<16xi32>
      %swap3A_329 = vector.shape_cast %add3A_325 : vector<16xi32> to vector<16xi32>
      tpu.vector_store %arg14[%swap3A_326], %swap3A_329 {strides = array<i32>} : memref<80xi32, #tpu.memory_space<vmem>>, vector<16xi32>,
      %get3A_330 = arith.constant 48 : index
      %get3A_331 = tpu.vector_load %arg12[%get3A_330] {strides = array<i32>} : memref<80xi32, #tpu.memory_space<vmem>>, vector<16xi32>,
      %get3A_332 = vector.shape_cast %get3A_331 : vector<16xi32> to vector<16xi32>
      %swap3A_333 = arith.constant 48 : index
      %swap3A_334 = tpu.vector_load %arg18[%swap3A_333] {strides = array<i32>} : memref<80xi32, #tpu.memory_space<vmem>>, vector<16xi32>,
      %swap3A_335 = vector.shape_cast %swap3A_334 : vector<16xi32> to vector<16xi32>
      %swap3A_336 = vector.shape_cast %get3A_332 : vector<16xi32> to vector<16xi32>
      tpu.vector_store %arg18[%swap3A_333], %swap3A_336 {strides = array<i32>} : memref<80xi32, #tpu.memory_space<vmem>>, vector<16xi32>,
      %min3A_337 = arith.minsi %get3A_332, %broadcast_in_dim3A_2 : vector<16xi32>
      %add3A_338 = arith.addi %min3A_337, %broadcast_in_dim3A : vector<16xi32>
      %swap3A_339 = arith.constant 48 : index
      %swap3A_340 = tpu.vector_load %arg16[%swap3A_339] {strides = array<i32>} : memref<80xi32, #tpu.memory_space<vmem>>, vector<16xi32>,
      %swap3A_341 = vector.shape_cast %swap3A_340 : vector<16xi32> to vector<16xi32>
      %swap3A_342 = vector.shape_cast %add3A_338 : vector<16xi32> to vector<16xi32>
      tpu.vector_store %arg16[%swap3A_339], %swap3A_342 {strides = array<i32>} : memref<80xi32, #tpu.memory_space<vmem>>, vector<16xi32>,
      %get3A_343 = arith.constant 64 : index
      %get3A_344 = tpu.vector_load %arg10[%get3A_343] {strides = array<i32>} : memref<80xi32, #tpu.memory_space<vmem>>, vector<16xi32>,
      %get3A_345 = vector.shape_cast %get3A_344 : vector<16xi32> to vector<16xi32>
      %add3A_346 = arith.addi %get3A_345, %broadcast_in_dim3A : vector<16xi32>
      %swap3A_347 = arith.constant 64 : index
      %swap3A_348 = tpu.vector_load %arg14[%swap3A_347] {strides = array<i32>} : memref<80xi32, #tpu.memory_space<vmem>>, vector<16xi32>,
      %swap3A_349 = vector.shape_cast %swap3A_348 : vector<16xi32> to vector<16xi32>
      %swap3A_350 = vector.shape_cast %add3A_346 : vector<16xi32> to vector<16xi32>
      tpu.vector_store %arg14[%swap3A_347], %swap3A_350 {strides = array<i32>} : memref<80xi32, #tpu.memory_space<vmem>>, vector<16xi32>,
      %get3A_351 = arith.constant 64 : index
      %get3A_352 = tpu.vector_load %arg12[%get3A_351] {strides = array<i32>} : memref<80xi32, #tpu.memory_space<vmem>>, vector<16xi32>,
      %get3A_353 = vector.shape_cast %get3A_352 : vector<16xi32> to vector<16xi32>
      %swap3A_354 = arith.constant 64 : index
      %swap3A_355 = tpu.vector_load %arg18[%swap3A_354] {strides = array<i32>} : memref<80xi32, #tpu.memory_space<vmem>>, vector<16xi32>,
      %swap3A_356 = vector.shape_cast %swap3A_355 : vector<16xi32> to vector<16xi32>
      %swap3A_357 = vector.shape_cast %get3A_353 : vector<16xi32> to vector<16xi32>
      tpu.vector_store %arg18[%swap3A_354], %swap3A_357 {strides = array<i32>} : memref<80xi32, #tpu.memory_space<vmem>>, vector<16xi32>,
      %min3A_358 = arith.minsi %get3A_353, %broadcast_in_dim3A_2 : vector<16xi32>
      %add3A_359 = arith.addi %min3A_358, %broadcast_in_dim3A : vector<16xi32>
      %swap3A_360 = arith.constant 64 : index
      %swap3A_361 = tpu.vector_load %arg16[%swap3A_360] {strides = array<i32>} : memref<80xi32, #tpu.memory_space<vmem>>, vector<16xi32>,
      %swap3A_362 = vector.shape_cast %swap3A_361 : vector<16xi32> to vector<16xi32>
      %swap3A_363 = vector.shape_cast %add3A_359 : vector<16xi32> to vector<16xi32>
      tpu.vector_store %arg16[%swap3A_360], %swap3A_363 {strides = array<i32>} : memref<80xi32, #tpu.memory_space<vmem>>, vector<16xi32>,
      %dma_start3A_364 = arith.constant 0 : i32
      %dma_start3A_365 = arith.constant 0 : i32
      %dma_start3A_366 = tpu.memref_slice %arg3[%dma_start3A_364, %dma_start3A_365] : memref<20000x16xf32, #tpu.memory_space<hbm>> -> memref<20000x16xf32, #tpu.memory_space<hbm>>
      tpu.enqueue_indirect_dma source(%dma_start3A_366 : memref<20000x16xf32, #tpu.memory_space<hbm>>) target(%arg20 : memref<80x16xf32, #tpu.memory_space<vmem>>) offsets(%arg14 : memref<80xi32, #tpu.memory_space<vmem>>) semaphore(%arg34 : memref<!tpu.dma_semaphore, #tpu.memory_space<semaphore_mem>>)
      %dma_start3A_367 = arith.constant 0 : i32
      %dma_start3A_368 = arith.constant 0 : i32
      %dma_start3A_369 = tpu.memref_slice %arg4[%dma_start3A_367, %dma_start3A_368] : memref<20000x16xf32, #tpu.memory_space<hbm>> -> memref<20000x16xf32, #tpu.memory_space<hbm>>
      tpu.enqueue_indirect_dma source(%dma_start3A_369 : memref<20000x16xf32, #tpu.memory_space<hbm>>) target(%arg22 : memref<80x16xf32, #tpu.memory_space<vmem>>) offsets(%arg16 : memref<80xi32, #tpu.memory_space<vmem>>) semaphore(%arg36 : memref<!tpu.dma_semaphore, #tpu.memory_space<semaphore_mem>>)
      %dma_start3A_370 = arith.constant 0 : i32
      %dma_start3A_371 = arith.constant 0 : i32
      %dma_start3A_372 = tpu.memref_slice %arg2[%dma_start3A_370, %dma_start3A_371] : memref<20000x128xf32, #tpu.memory_space<hbm>> -> memref<20000x128xf32, #tpu.memory_space<hbm>>
      tpu.enqueue_indirect_dma source(%dma_start3A_372 : memref<20000x128xf32, #tpu.memory_space<hbm>>) target(%arg26 : memref<80x128xf32, #tpu.memory_space<vmem>>) offsets(%arg14 : memref<80xi32, #tpu.memory_space<vmem>>) semaphore(%arg38 : memref<!tpu.dma_semaphore, #tpu.memory_space<semaphore_mem>>)
      %scan3A_373 = arith.constant 0 : i32
      %scan3A_374 = arith.constant 0 : i32
      %scan3A_375 = arith.constant 40 : i32
      %scan3A_376 = arith.addi %scan3A_374, %scan3A_375 : i32
      %scan3A_377 = arith.constant 1 : i32
      %scan3A_378 = scf.for %scan3A_565 = %scan3A_374 to %scan3A_376 step %scan3A_377 iter_args(%scan3A_566 = %scan3A_373) -> (i32)  : i32 {
        %mul3A_567 = arith.constant 2 : i32
        %mul3A_568 = arith.muli %mul3A_567, %scan3A_565 : i32
        %add3A_569 = arith.constant 0 : i32
        %add3A_570 = arith.addi %mul3A_568, %add3A_569 : i32
        %get3A_571 = arith.index_cast %add3A_570 : i32 to index
        %get3A_572 = arith.constant 0 : index
        %get3A_573 = tpu.vector_load %arg19[%get3A_571, %get3A_572] {strides = array<i32>} : memref<80x16xf32, #tpu.memory_space<vmem>>, vector<1x16xf32>,
        %get3A_574 = vector.shape_cast %get3A_573 : vector<1x16xf32> to vector<16xf32>
        %get3A_575 = arith.index_cast %add3A_570 : i32 to index
        %get3A_576 = arith.constant 0 : index
        %get3A_577 = tpu.vector_load %arg21[%get3A_575, %get3A_576] {strides = array<i32>} : memref<80x16xf32, #tpu.memory_space<vmem>>, vector<1x16xf32>,
        %get3A_578 = vector.shape_cast %get3A_577 : vector<1x16xf32> to vector<16xf32>
        %add3A_579 = arith.addf %get3A_574, %get3A_578 : vector<16xf32>
        %gt3A = arith.constant 0.000000e+00 : f32
        %gt3A_580 = vector.broadcast %gt3A : f32 to vector<16xf32>
        %gt3A_581 = arith.cmpf ogt, %add3A_579, %gt3A_580 : vector<16xf32>
        %mul3A_582 = arith.constant 2.000000e-01 : f32
        %mul3A_583 = vector.broadcast %mul3A_582 : f32 to vector<16xf32>
        %mul3A_584 = arith.mulf %mul3A_583, %add3A_579 : vector<16xf32>
        %select_n3A = arith.select %gt3A_581, %add3A_579, %mul3A_584 : vector<16xi1>, vector<16xf32>
        %exp3A = math.exp %select_n3A : vector<16xf32>
        %swap3A_585 = arith.index_cast %add3A_570 : i32 to index
        %swap3A_586 = arith.constant 0 : index
        %swap3A_587 = tpu.vector_load %arg23[%swap3A_585, %swap3A_586] {strides = array<i32>} : memref<80x16xf32, #tpu.memory_space<vmem>>, vector<1x16xf32>,
        %swap3A_588 = vector.shape_cast %swap3A_587 : vector<1x16xf32> to vector<16xf32>
        %swap3A_589 = vector.shape_cast %exp3A : vector<16xf32> to vector<1x16xf32>
        tpu.vector_store %arg23[%swap3A_585, %swap3A_586], %swap3A_589 {strides = array<i32>} : memref<80x16xf32, #tpu.memory_space<vmem>>, vector<1x16xf32>,
        %mul3A_590 = arith.constant 2 : i32
        %mul3A_591 = arith.muli %mul3A_590, %scan3A_565 : i32
        %add3A_592 = arith.constant 1 : i32
        %add3A_593 = arith.addi %mul3A_591, %add3A_592 : i32
        %get3A_594 = arith.index_cast %add3A_593 : i32 to index
        %get3A_595 = arith.constant 0 : index
        %get3A_596 = tpu.vector_load %arg19[%get3A_594, %get3A_595] {strides = array<i32>} : memref<80x16xf32, #tpu.memory_space<vmem>>, vector<1x16xf32>,
        %get3A_597 = vector.shape_cast %get3A_596 : vector<1x16xf32> to vector<16xf32>
        %get3A_598 = arith.index_cast %add3A_593 : i32 to index
        %get3A_599 = arith.constant 0 : index
        %get3A_600 = tpu.vector_load %arg21[%get3A_598, %get3A_599] {strides = array<i32>} : memref<80x16xf32, #tpu.memory_space<vmem>>, vector<1x16xf32>,
        %get3A_601 = vector.shape_cast %get3A_600 : vector<1x16xf32> to vector<16xf32>
        %add3A_602 = arith.addf %get3A_597, %get3A_601 : vector<16xf32>
        %gt3A_603 = arith.constant 0.000000e+00 : f32
        %gt3A_604 = vector.broadcast %gt3A_603 : f32 to vector<16xf32>
        %gt3A_605 = arith.cmpf ogt, %add3A_602, %gt3A_604 : vector<16xf32>
        %mul3A_606 = arith.constant 2.000000e-01 : f32
        %mul3A_607 = vector.broadcast %mul3A_606 : f32 to vector<16xf32>
        %mul3A_608 = arith.mulf %mul3A_607, %add3A_602 : vector<16xf32>
        %select_n3A_609 = arith.select %gt3A_605, %add3A_602, %mul3A_608 : vector<16xi1>, vector<16xf32>
        %exp3A_610 = math.exp %select_n3A_609 : vector<16xf32>
        %swap3A_611 = arith.index_cast %add3A_593 : i32 to index
        %swap3A_612 = arith.constant 0 : index
        %swap3A_613 = tpu.vector_load %arg23[%swap3A_611, %swap3A_612] {strides = array<i32>} : memref<80x16xf32, #tpu.memory_space<vmem>>, vector<1x16xf32>,
        %swap3A_614 = vector.shape_cast %swap3A_613 : vector<1x16xf32> to vector<16xf32>
        %swap3A_615 = vector.shape_cast %exp3A_610 : vector<16xf32> to vector<1x16xf32>
        tpu.vector_store %arg23[%swap3A_611, %swap3A_612], %swap3A_615 {strides = array<i32>} : memref<80x16xf32, #tpu.memory_space<vmem>>, vector<1x16xf32>,
        %scan3A_616 = arith.constant 0 : i32
        scf.yield %scan3A_616 : i32
      }
      %scan3A_379 = arith.constant 40 : i32
      %dma_start3A_380 = arith.constant 0 : i32
      %dma_start3A_381 = arith.constant 0 : i32
      %dma_start3A_382 = tpu.memref_slice %arg28[%dma_start3A_380, %dma_start3A_381] : memref<10016x16xf32, #tpu.memory_space<vmem_shared>> -> memref<10016x16xf32, #tpu.memory_space<vmem_shared>>
      tpu.enqueue_indirect_dma source(%arg23 : memref<80x16xf32, #tpu.memory_space<vmem>>) target(%dma_start3A_382 : memref<10016x16xf32, #tpu.memory_space<vmem_shared>>) offsets(%arg17 : memref<80xi32, #tpu.memory_space<vmem>>) semaphore(%arg39 : memref<!tpu.dma_semaphore, #tpu.memory_space<semaphore_mem>>) {add = true}
      %dma_wait3A_383 = arith.constant 0 : i32
      %dma_wait3A_384 = arith.constant 0 : i32
      %dma_wait3A_385 = tpu.memref_slice %arg2[%dma_wait3A_383, %dma_wait3A_384] : memref<20000x128xf32, #tpu.memory_space<hbm>> -> memref<20000x128xf32, #tpu.memory_space<hbm>>
      tpu.wait_indirect_dma semaphore(%arg37 : memref<!tpu.dma_semaphore, #tpu.memory_space<semaphore_mem>>) src(%dma_wait3A_385 : memref<20000x128xf32, #tpu.memory_space<hbm>>) dst(%arg25 : memref<80x128xf32, #tpu.memory_space<vmem>>)
      %scan3A_386 = arith.constant 0 : i32
      %scan3A_387 = arith.constant 0 : i32
      %scan3A_388 = arith.constant 40 : i32
      %scan3A_389 = arith.addi %scan3A_387, %scan3A_388 : i32
      %scan3A_390 = arith.constant 1 : i32
      %scan3A_391 = scf.for %scan3A_565 = %scan3A_387 to %scan3A_389 step %scan3A_390 iter_args(%scan3A_566 = %scan3A_386) -> (i32)  : i32 {
        %mul3A_567 = arith.constant 2 : i32
        %mul3A_568 = arith.muli %mul3A_567, %scan3A_565 : i32
        %add3A_569 = arith.constant 0 : i32
        %add3A_570 = arith.addi %mul3A_568, %add3A_569 : i32
        %get3A_571 = arith.index_cast %add3A_570 : i32 to index
        %get3A_572 = arith.constant 0 : index
        %get3A_573 = tpu.vector_load %arg23[%get3A_571, %get3A_572] {strides = array<i32>} : memref<80x16xf32, #tpu.memory_space<vmem>>, vector<1x16xf32>,
        %get3A_574 = vector.shape_cast %get3A_573 : vector<1x16xf32> to vector<16xf32>
        %get3A_575 = arith.index_cast %add3A_570 : i32 to index
        %get3A_576 = arith.constant 0 : index
        %get3A_577 = tpu.vector_load %arg25[%get3A_575, %get3A_576] {strides = array<i32>} : memref<80x128xf32, #tpu.memory_space<vmem>>, vector<1x16xf32>,
        %get3A_578 = vector.shape_cast %get3A_577 : vector<1x16xf32> to vector<16xf32>
        %mul3A_579 = arith.mulf %get3A_578, %get3A_574 : vector<16xf32>
        %swap3A_580 = arith.index_cast %add3A_570 : i32 to index
        %swap3A_581 = arith.constant 0 : index
        %swap3A_582 = tpu.vector_load %arg25[%swap3A_580, %swap3A_581] {strides = array<i32>} : memref<80x128xf32, #tpu.memory_space<vmem>>, vector<1x16xf32>,
        %swap3A_583 = vector.shape_cast %swap3A_582 : vector<1x16xf32> to vector<16xf32>
        %swap3A_584 = vector.shape_cast %mul3A_579 : vector<16xf32> to vector<1x16xf32>
        tpu.vector_store %arg25[%swap3A_580, %swap3A_581], %swap3A_584 {strides = array<i32>} : memref<80x128xf32, #tpu.memory_space<vmem>>, vector<1x16xf32>,
        %get3A_585 = arith.index_cast %add3A_570 : i32 to index
        %get3A_586 = arith.constant 16 : index
        %get3A_587 = tpu.vector_load %arg25[%get3A_585, %get3A_586] {strides = array<i32>} : memref<80x128xf32, #tpu.memory_space<vmem>>, vector<1x16xf32>,
        %get3A_588 = vector.shape_cast %get3A_587 : vector<1x16xf32> to vector<16xf32>
        %mul3A_589 = arith.mulf %get3A_588, %get3A_574 : vector<16xf32>
        %swap3A_590 = arith.index_cast %add3A_570 : i32 to index
        %swap3A_591 = arith.constant 16 : index
        %swap3A_592 = tpu.vector_load %arg25[%swap3A_590, %swap3A_591] {strides = array<i32>} : memref<80x128xf32, #tpu.memory_space<vmem>>, vector<1x16xf32>,
        %swap3A_593 = vector.shape_cast %swap3A_592 : vector<1x16xf32> to vector<16xf32>
        %swap3A_594 = vector.shape_cast %mul3A_589 : vector<16xf32> to vector<1x16xf32>
        tpu.vector_store %arg25[%swap3A_590, %swap3A_591], %swap3A_594 {strides = array<i32>} : memref<80x128xf32, #tpu.memory_space<vmem>>, vector<1x16xf32>,
        %get3A_595 = arith.index_cast %add3A_570 : i32 to index
        %get3A_596 = arith.constant 32 : index
        %get3A_597 = tpu.vector_load %arg25[%get3A_595, %get3A_596] {strides = array<i32>} : memref<80x128xf32, #tpu.memory_space<vmem>>, vector<1x16xf32>,
        %get3A_598 = vector.shape_cast %get3A_597 : vector<1x16xf32> to vector<16xf32>
        %mul3A_599 = arith.mulf %get3A_598, %get3A_574 : vector<16xf32>
        %swap3A_600 = arith.index_cast %add3A_570 : i32 to index
        %swap3A_601 = arith.constant 32 : index
        %swap3A_602 = tpu.vector_load %arg25[%swap3A_600, %swap3A_601] {strides = array<i32>} : memref<80x128xf32, #tpu.memory_space<vmem>>, vector<1x16xf32>,
        %swap3A_603 = vector.shape_cast %swap3A_602 : vector<1x16xf32> to vector<16xf32>
        %swap3A_604 = vector.shape_cast %mul3A_599 : vector<16xf32> to vector<1x16xf32>
        tpu.vector_store %arg25[%swap3A_600, %swap3A_601], %swap3A_604 {strides = array<i32>} : memref<80x128xf32, #tpu.memory_space<vmem>>, vector<1x16xf32>,
        %get3A_605 = arith.index_cast %add3A_570 : i32 to index
        %get3A_606 = arith.constant 48 : index
        %get3A_607 = tpu.vector_load %arg25[%get3A_605, %get3A_606] {strides = array<i32>} : memref<80x128xf32, #tpu.memory_space<vmem>>, vector<1x16xf32>,
        %get3A_608 = vector.shape_cast %get3A_607 : vector<1x16xf32> to vector<16xf32>
        %mul3A_609 = arith.mulf %get3A_608, %get3A_574 : vector<16xf32>
        %swap3A_610 = arith.index_cast %add3A_570 : i32 to index
        %swap3A_611 = arith.constant 48 : index
        %swap3A_612 = tpu.vector_load %arg25[%swap3A_610, %swap3A_611] {strides = array<i32>} : memref<80x128xf32, #tpu.memory_space<vmem>>, vector<1x16xf32>,
        %swap3A_613 = vector.shape_cast %swap3A_612 : vector<1x16xf32> to vector<16xf32>
        %swap3A_614 = vector.shape_cast %mul3A_609 : vector<16xf32> to vector<1x16xf32>
        tpu.vector_store %arg25[%swap3A_610, %swap3A_611], %swap3A_614 {strides = array<i32>} : memref<80x128xf32, #tpu.memory_space<vmem>>, vector<1x16xf32>,
        %get3A_615 = arith.index_cast %add3A_570 : i32 to index
        %get3A_616 = arith.constant 64 : index
        %get3A_617 = tpu.vector_load %arg25[%get3A_615, %get3A_616] {strides = array<i32>} : memref<80x128xf32, #tpu.memory_space<vmem>>, vector<1x16xf32>,
        %get3A_618 = vector.shape_cast %get3A_617 : vector<1x16xf32> to vector<16xf32>
        %mul3A_619 = arith.mulf %get3A_618, %get3A_574 : vector<16xf32>
        %swap3A_620 = arith.index_cast %add3A_570 : i32 to index
        %swap3A_621 = arith.constant 64 : index
        %swap3A_622 = tpu.vector_load %arg25[%swap3A_620, %swap3A_621] {strides = array<i32>} : memref<80x128xf32, #tpu.memory_space<vmem>>, vector<1x16xf32>,
        %swap3A_623 = vector.shape_cast %swap3A_622 : vector<1x16xf32> to vector<16xf32>
        %swap3A_624 = vector.shape_cast %mul3A_619 : vector<16xf32> to vector<1x16xf32>
        tpu.vector_store %arg25[%swap3A_620, %swap3A_621], %swap3A_624 {strides = array<i32>} : memref<80x128xf32, #tpu.memory_space<vmem>>, vector<1x16xf32>,
        %get3A_625 = arith.index_cast %add3A_570 : i32 to index
        %get3A_626 = arith.constant 80 : index
        %get3A_627 = tpu.vector_load %arg25[%get3A_625, %get3A_626] {strides = array<i32>} : memref<80x128xf32, #tpu.memory_space<vmem>>, vector<1x16xf32>,
        %get3A_628 = vector.shape_cast %get3A_627 : vector<1x16xf32> to vector<16xf32>
        %mul3A_629 = arith.mulf %get3A_628, %get3A_574 : vector<16xf32>
        %swap3A_630 = arith.index_cast %add3A_570 : i32 to index
        %swap3A_631 = arith.constant 80 : index
        %swap3A_632 = tpu.vector_load %arg25[%swap3A_630, %swap3A_631] {strides = array<i32>} : memref<80x128xf32, #tpu.memory_space<vmem>>, vector<1x16xf32>,
        %swap3A_633 = vector.shape_cast %swap3A_632 : vector<1x16xf32> to vector<16xf32>
        %swap3A_634 = vector.shape_cast %mul3A_629 : vector<16xf32> to vector<1x16xf32>
        tpu.vector_store %arg25[%swap3A_630, %swap3A_631], %swap3A_634 {strides = array<i32>} : memref<80x128xf32, #tpu.memory_space<vmem>>, vector<1x16xf32>,
        %get3A_635 = arith.index_cast %add3A_570 : i32 to index
        %get3A_636 = arith.constant 96 : index
        %get3A_637 = tpu.vector_load %arg25[%get3A_635, %get3A_636] {strides = array<i32>} : memref<80x128xf32, #tpu.memory_space<vmem>>, vector<1x16xf32>,
        %get3A_638 = vector.shape_cast %get3A_637 : vector<1x16xf32> to vector<16xf32>
        %mul3A_639 = arith.mulf %get3A_638, %get3A_574 : vector<16xf32>
        %swap3A_640 = arith.index_cast %add3A_570 : i32 to index
        %swap3A_641 = arith.constant 96 : index
        %swap3A_642 = tpu.vector_load %arg25[%swap3A_640, %swap3A_641] {strides = array<i32>} : memref<80x128xf32, #tpu.memory_space<vmem>>, vector<1x16xf32>,
        %swap3A_643 = vector.shape_cast %swap3A_642 : vector<1x16xf32> to vector<16xf32>
        %swap3A_644 = vector.shape_cast %mul3A_639 : vector<16xf32> to vector<1x16xf32>
        tpu.vector_store %arg25[%swap3A_640, %swap3A_641], %swap3A_644 {strides = array<i32>} : memref<80x128xf32, #tpu.memory_space<vmem>>, vector<1x16xf32>,
        %get3A_645 = arith.index_cast %add3A_570 : i32 to index
        %get3A_646 = arith.constant 112 : index
        %get3A_647 = tpu.vector_load %arg25[%get3A_645, %get3A_646] {strides = array<i32>} : memref<80x128xf32, #tpu.memory_space<vmem>>, vector<1x16xf32>,
        %get3A_648 = vector.shape_cast %get3A_647 : vector<1x16xf32> to vector<16xf32>
        %mul3A_649 = arith.mulf %get3A_648, %get3A_574 : vector<16xf32>
        %swap3A_650 = arith.index_cast %add3A_570 : i32 to index
        %swap3A_651 = arith.constant 112 : index
        %swap3A_652 = tpu.vector_load %arg25[%swap3A_650, %swap3A_651] {strides = array<i32>} : memref<80x128xf32, #tpu.memory_space<vmem>>, vector<1x16xf32>,
        %swap3A_653 = vector.shape_cast %swap3A_652 : vector<1x16xf32> to vector<16xf32>
        %swap3A_654 = vector.shape_cast %mul3A_649 : vector<16xf32> to vector<1x16xf32>
        tpu.vector_store %arg25[%swap3A_650, %swap3A_651], %swap3A_654 {strides = array<i32>} : memref<80x128xf32, #tpu.memory_space<vmem>>, vector<1x16xf32>,
        %mul3A_655 = arith.constant 2 : i32
        %mul3A_656 = arith.muli %mul3A_655, %scan3A_565 : i32
        %add3A_657 = arith.constant 1 : i32
        %add3A_658 = arith.addi %mul3A_656, %add3A_657 : i32
        %get3A_659 = arith.index_cast %add3A_658 : i32 to index
        %get3A_660 = arith.constant 0 : index
        %get3A_661 = tpu.vector_load %arg23[%get3A_659, %get3A_660] {strides = array<i32>} : memref<80x16xf32, #tpu.memory_space<vmem>>, vector<1x16xf32>,
        %get3A_662 = vector.shape_cast %get3A_661 : vector<1x16xf32> to vector<16xf32>
        %get3A_663 = arith.index_cast %add3A_658 : i32 to index
        %get3A_664 = arith.constant 0 : index
        %get3A_665 = tpu.vector_load %arg25[%get3A_663, %get3A_664] {strides = array<i32>} : memref<80x128xf32, #tpu.memory_space<vmem>>, vector<1x16xf32>,
        %get3A_666 = vector.shape_cast %get3A_665 : vector<1x16xf32> to vector<16xf32>
        %mul3A_667 = arith.mulf %get3A_666, %get3A_662 : vector<16xf32>
        %swap3A_668 = arith.index_cast %add3A_658 : i32 to index
        %swap3A_669 = arith.constant 0 : index
        %swap3A_670 = tpu.vector_load %arg25[%swap3A_668, %swap3A_669] {strides = array<i32>} : memref<80x128xf32, #tpu.memory_space<vmem>>, vector<1x16xf32>,
        %swap3A_671 = vector.shape_cast %swap3A_670 : vector<1x16xf32> to vector<16xf32>
        %swap3A_672 = vector.shape_cast %mul3A_667 : vector<16xf32> to vector<1x16xf32>
        tpu.vector_store %arg25[%swap3A_668, %swap3A_669], %swap3A_672 {strides = array<i32>} : memref<80x128xf32, #tpu.memory_space<vmem>>, vector<1x16xf32>,
        %get3A_673 = arith.index_cast %add3A_658 : i32 to index
        %get3A_674 = arith.constant 16 : index
        %get3A_675 = tpu.vector_load %arg25[%get3A_673, %get3A_674] {strides = array<i32>} : memref<80x128xf32, #tpu.memory_space<vmem>>, vector<1x16xf32>,
        %get3A_676 = vector.shape_cast %get3A_675 : vector<1x16xf32> to vector<16xf32>
        %mul3A_677 = arith.mulf %get3A_676, %get3A_662 : vector<16xf32>
        %swap3A_678 = arith.index_cast %add3A_658 : i32 to index
        %swap3A_679 = arith.constant 16 : index
        %swap3A_680 = tpu.vector_load %arg25[%swap3A_678, %swap3A_679] {strides = array<i32>} : memref<80x128xf32, #tpu.memory_space<vmem>>, vector<1x16xf32>,
        %swap3A_681 = vector.shape_cast %swap3A_680 : vector<1x16xf32> to vector<16xf32>
        %swap3A_682 = vector.shape_cast %mul3A_677 : vector<16xf32> to vector<1x16xf32>
        tpu.vector_store %arg25[%swap3A_678, %swap3A_679], %swap3A_682 {strides = array<i32>} : memref<80x128xf32, #tpu.memory_space<vmem>>, vector<1x16xf32>,
        %get3A_683 = arith.index_cast %add3A_658 : i32 to index
        %get3A_684 = arith.constant 32 : index
        %get3A_685 = tpu.vector_load %arg25[%get3A_683, %get3A_684] {strides = array<i32>} : memref<80x128xf32, #tpu.memory_space<vmem>>, vector<1x16xf32>,
        %get3A_686 = vector.shape_cast %get3A_685 : vector<1x16xf32> to vector<16xf32>
        %mul3A_687 = arith.mulf %get3A_686, %get3A_662 : vector<16xf32>
        %swap3A_688 = arith.index_cast %add3A_658 : i32 to index
        %swap3A_689 = arith.constant 32 : index
        %swap3A_690 = tpu.vector_load %arg25[%swap3A_688, %swap3A_689] {strides = array<i32>} : memref<80x128xf32, #tpu.memory_space<vmem>>, vector<1x16xf32>,
        %swap3A_691 = vector.shape_cast %swap3A_690 : vector<1x16xf32> to vector<16xf32>
        %swap3A_692 = vector.shape_cast %mul3A_687 : vector<16xf32> to vector<1x16xf32>
        tpu.vector_store %arg25[%swap3A_688, %swap3A_689], %swap3A_692 {strides = array<i32>} : memref<80x128xf32, #tpu.memory_space<vmem>>, vector<1x16xf32>,
        %get3A_693 = arith.index_cast %add3A_658 : i32 to index
        %get3A_694 = arith.constant 48 : index
        %get3A_695 = tpu.vector_load %arg25[%get3A_693, %get3A_694] {strides = array<i32>} : memref<80x128xf32, #tpu.memory_space<vmem>>, vector<1x16xf32>,
        %get3A_696 = vector.shape_cast %get3A_695 : vector<1x16xf32> to vector<16xf32>
        %mul3A_697 = arith.mulf %get3A_696, %get3A_662 : vector<16xf32>
        %swap3A_698 = arith.index_cast %add3A_658 : i32 to index
        %swap3A_699 = arith.constant 48 : index
        %swap3A_700 = tpu.vector_load %arg25[%swap3A_698, %swap3A_699] {strides = array<i32>} : memref<80x128xf32, #tpu.memory_space<vmem>>, vector<1x16xf32>,
        %swap3A_701 = vector.shape_cast %swap3A_700 : vector<1x16xf32> to vector<16xf32>
        %swap3A_702 = vector.shape_cast %mul3A_697 : vector<16xf32> to vector<1x16xf32>
        tpu.vector_store %arg25[%swap3A_698, %swap3A_699], %swap3A_702 {strides = array<i32>} : memref<80x128xf32, #tpu.memory_space<vmem>>, vector<1x16xf32>,
        %get3A_703 = arith.index_cast %add3A_658 : i32 to index
        %get3A_704 = arith.constant 64 : index
        %get3A_705 = tpu.vector_load %arg25[%get3A_703, %get3A_704] {strides = array<i32>} : memref<80x128xf32, #tpu.memory_space<vmem>>, vector<1x16xf32>,
        %get3A_706 = vector.shape_cast %get3A_705 : vector<1x16xf32> to vector<16xf32>
        %mul3A_707 = arith.mulf %get3A_706, %get3A_662 : vector<16xf32>
        %swap3A_708 = arith.index_cast %add3A_658 : i32 to index
        %swap3A_709 = arith.constant 64 : index
        %swap3A_710 = tpu.vector_load %arg25[%swap3A_708, %swap3A_709] {strides = array<i32>} : memref<80x128xf32, #tpu.memory_space<vmem>>, vector<1x16xf32>,
        %swap3A_711 = vector.shape_cast %swap3A_710 : vector<1x16xf32> to vector<16xf32>
        %swap3A_712 = vector.shape_cast %mul3A_707 : vector<16xf32> to vector<1x16xf32>
        tpu.vector_store %arg25[%swap3A_708, %swap3A_709], %swap3A_712 {strides = array<i32>} : memref<80x128xf32, #tpu.memory_space<vmem>>, vector<1x16xf32>,
        %get3A_713 = arith.index_cast %add3A_658 : i32 to index
        %get3A_714 = arith.constant 80 : index
        %get3A_715 = tpu.vector_load %arg25[%get3A_713, %get3A_714] {strides = array<i32>} : memref<80x128xf32, #tpu.memory_space<vmem>>, vector<1x16xf32>,
        %get3A_716 = vector.shape_cast %get3A_715 : vector<1x16xf32> to vector<16xf32>
        %mul3A_717 = arith.mulf %get3A_716, %get3A_662 : vector<16xf32>
        %swap3A_718 = arith.index_cast %add3A_658 : i32 to index
        %swap3A_719 = arith.constant 80 : index
        %swap3A_720 = tpu.vector_load %arg25[%swap3A_718, %swap3A_719] {strides = array<i32>} : memref<80x128xf32, #tpu.memory_space<vmem>>, vector<1x16xf32>,
        %swap3A_721 = vector.shape_cast %swap3A_720 : vector<1x16xf32> to vector<16xf32>
        %swap3A_722 = vector.shape_cast %mul3A_717 : vector<16xf32> to vector<1x16xf32>
        tpu.vector_store %arg25[%swap3A_718, %swap3A_719], %swap3A_722 {strides = array<i32>} : memref<80x128xf32, #tpu.memory_space<vmem>>, vector<1x16xf32>,
        %get3A_723 = arith.index_cast %add3A_658 : i32 to index
        %get3A_724 = arith.constant 96 : index
        %get3A_725 = tpu.vector_load %arg25[%get3A_723, %get3A_724] {strides = array<i32>} : memref<80x128xf32, #tpu.memory_space<vmem>>, vector<1x16xf32>,
        %get3A_726 = vector.shape_cast %get3A_725 : vector<1x16xf32> to vector<16xf32>
        %mul3A_727 = arith.mulf %get3A_726, %get3A_662 : vector<16xf32>
        %swap3A_728 = arith.index_cast %add3A_658 : i32 to index
        %swap3A_729 = arith.constant 96 : index
        %swap3A_730 = tpu.vector_load %arg25[%swap3A_728, %swap3A_729] {strides = array<i32>} : memref<80x128xf32, #tpu.memory_space<vmem>>, vector<1x16xf32>,
        %swap3A_731 = vector.shape_cast %swap3A_730 : vector<1x16xf32> to vector<16xf32>
        %swap3A_732 = vector.shape_cast %mul3A_727 : vector<16xf32> to vector<1x16xf32>
        tpu.vector_store %arg25[%swap3A_728, %swap3A_729], %swap3A_732 {strides = array<i32>} : memref<80x128xf32, #tpu.memory_space<vmem>>, vector<1x16xf32>,
        %get3A_733 = arith.index_cast %add3A_658 : i32 to index
        %get3A_734 = arith.constant 112 : index
        %get3A_735 = tpu.vector_load %arg25[%get3A_733, %get3A_734] {strides = array<i32>} : memref<80x128xf32, #tpu.memory_space<vmem>>, vector<1x16xf32>,
        %get3A_736 = vector.shape_cast %get3A_735 : vector<1x16xf32> to vector<16xf32>
        %mul3A_737 = arith.mulf %get3A_736, %get3A_662 : vector<16xf32>
        %swap3A_738 = arith.index_cast %add3A_658 : i32 to index
        %swap3A_739 = arith.constant 112 : index
        %swap3A_740 = tpu.vector_load %arg25[%swap3A_738, %swap3A_739] {strides = array<i32>} : memref<80x128xf32, #tpu.memory_space<vmem>>, vector<1x16xf32>,
        %swap3A_741 = vector.shape_cast %swap3A_740 : vector<1x16xf32> to vector<16xf32>
        %swap3A_742 = vector.shape_cast %mul3A_737 : vector<16xf32> to vector<1x16xf32>
        tpu.vector_store %arg25[%swap3A_738, %swap3A_739], %swap3A_742 {strides = array<i32>} : memref<80x128xf32, #tpu.memory_space<vmem>>, vector<1x16xf32>,
        %scan3A_743 = arith.constant 0 : i32
        scf.yield %scan3A_743 : i32
      }
      %scan3A_392 = arith.constant 40 : i32
      %dma_start3A_393 = arith.constant 0 : i32
      %dma_start3A_394 = arith.constant 0 : i32
      %dma_start3A_395 = tpu.memref_slice %arg27[%dma_start3A_393, %dma_start3A_394] : memref<10016x128xf32, #tpu.memory_space<vmem_shared>> -> memref<10016x128xf32, #tpu.memory_space<vmem_shared>>
      tpu.enqueue_indirect_dma source(%arg25 : memref<80x128xf32, #tpu.memory_space<vmem>>) target(%dma_start3A_395 : memref<10016x128xf32, #tpu.memory_space<vmem_shared>>) offsets(%arg17 : memref<80xi32, #tpu.memory_space<vmem>>) semaphore(%arg41 : memref<!tpu.dma_semaphore, #tpu.memory_space<semaphore_mem>>) {add = true}
      %mul3A_396 = arith.constant 2 : i32
      %mul3A_397 = arith.muli %mul3A_396, %scan3A_229 : i32
      %add3A_398 = arith.constant 1 : i32
      %add3A_399 = arith.addi %mul3A_397, %add3A_398 : i32
      %dma_wait3A_400 = arith.constant 0 : i32
      %dma_wait3A_401 = arith.constant 0 : i32
      %dma_wait3A_402 = tpu.memref_slice %arg3[%dma_wait3A_400, %dma_wait3A_401] : memref<20000x16xf32, #tpu.memory_space<hbm>> -> memref<20000x16xf32, #tpu.memory_space<hbm>>
      tpu.wait_indirect_dma semaphore(%arg34 : memref<!tpu.dma_semaphore, #tpu.memory_space<semaphore_mem>>) src(%dma_wait3A_402 : memref<20000x16xf32, #tpu.memory_space<hbm>>) dst(%arg20 : memref<80x16xf32, #tpu.memory_space<vmem>>)
      %dma_wait3A_403 = arith.constant 0 : i32
      %dma_wait3A_404 = arith.constant 0 : i32
      %dma_wait3A_405 = tpu.memref_slice %arg4[%dma_wait3A_403, %dma_wait3A_404] : memref<20000x16xf32, #tpu.memory_space<hbm>> -> memref<20000x16xf32, #tpu.memory_space<hbm>>
      tpu.wait_indirect_dma semaphore(%arg36 : memref<!tpu.dma_semaphore, #tpu.memory_space<semaphore_mem>>) src(%dma_wait3A_405 : memref<20000x16xf32, #tpu.memory_space<hbm>>) dst(%arg22 : memref<80x16xf32, #tpu.memory_space<vmem>>)
      %add3A_406 = arith.constant 2 : i32
      %add3A_407 = arith.addi %add3A_399, %add3A_406 : i32
      %lt3A_408 = arith.constant 125 : i32
      %lt3A_409 = arith.cmpi slt, %add3A_407, %lt3A_408 : i32
      %convert_element_type3A_410 = arith.extui %lt3A_409 : i1 to i32
      %cond3A_411 = arith.constant 0 : i32
      %cond3A_412 = arith.cmpi ne, %convert_element_type3A_410, %cond3A_411 : i32
      scf.if %cond3A_412 {
        %add3A_565 = arith.constant 2 : i32
        %add3A_566 = arith.addi %add3A_399, %add3A_565 : i32
        %mul3A_567 = arith.constant 80 : i32
        %mul3A_568 = arith.muli %add3A_566, %mul3A_567 : i32
        %add3A_569 = arith.addi %mul3A_6, %mul3A_568 : i32
        %dma_start3A_570 = tpu.memref_slice %arg5[%add3A_569] : memref<160000xi32, #tpu.memory_space<hbm>> -> memref<80xi32, #tpu.memory_space<hbm>>
        %dma_start3A_571 = tpu.memref_slice %arg5[%add3A_569] : memref<160000xi32, #tpu.memory_space<hbm>> -> memref<80xi32, #tpu.memory_space<hbm>>
        tpu.enqueue_dma source(%dma_start3A_571 : memref<80xi32, #tpu.memory_space<hbm>>) target(%arg10 : memref<80xi32, #tpu.memory_space<vmem>>) target_semaphore(%arg30 : memref<!tpu.dma_semaphore, #tpu.memory_space<semaphore_mem>>)
        %dma_start3A_572 = tpu.memref_slice %arg6[%add3A_569] : memref<160000xi32, #tpu.memory_space<hbm>> -> memref<80xi32, #tpu.memory_space<hbm>>
        %dma_start3A_573 = tpu.memref_slice %arg6[%add3A_569] : memref<160000xi32, #tpu.memory_space<hbm>> -> memref<80xi32, #tpu.memory_space<hbm>>
        tpu.enqueue_dma source(%dma_start3A_573 : memref<80xi32, #tpu.memory_space<hbm>>) target(%arg12 : memref<80xi32, #tpu.memory_space<vmem>>) target_semaphore(%arg32 : memref<!tpu.dma_semaphore, #tpu.memory_space<semaphore_mem>>)
      } else {
      }
      %add3A_413 = arith.constant 1 : i32
      %add3A_414 = arith.addi %add3A_399, %add3A_413 : i32
      %mul3A_415 = arith.constant 80 : i32
      %mul3A_416 = arith.muli %add3A_414, %mul3A_415 : i32
      %add3A_417 = arith.addi %mul3A_6, %mul3A_416 : i32
      %dma_wait3A_418 = tpu.memref_slice %arg5[%add3A_417] : memref<160000xi32, #tpu.memory_space<hbm>> -> memref<80xi32, #tpu.memory_space<hbm>>
      %dma_wait3A_419 = tpu.memref_slice %arg5[%add3A_417] : memref<160000xi32, #tpu.memory_space<hbm>> -> memref<80xi32, #tpu.memory_space<hbm>>
      tpu.wait_dma2 semaphore(%arg29 : memref<!tpu.dma_semaphore, #tpu.memory_space<semaphore_mem>>) src(%dma_wait3A_419 : memref<80xi32, #tpu.memory_space<hbm>>) dst(%arg9 : memref<80xi32, #tpu.memory_space<vmem>>)
      %dma_wait3A_420 = tpu.memref_slice %arg6[%add3A_417] : memref<160000xi32, #tpu.memory_space<hbm>> -> memref<80xi32, #tpu.memory_space<hbm>>
      %dma_wait3A_421 = tpu.memref_slice %arg6[%add3A_417] : memref<160000xi32, #tpu.memory_space<hbm>> -> memref<80xi32, #tpu.memory_space<hbm>>
      tpu.wait_dma2 semaphore(%arg31 : memref<!tpu.dma_semaphore, #tpu.memory_space<semaphore_mem>>) src(%dma_wait3A_421 : memref<80xi32, #tpu.memory_space<hbm>>) dst(%arg11 : memref<80xi32, #tpu.memory_space<vmem>>)
      %ge3A_422 = arith.constant 1 : i32
      %ge3A_423 = arith.cmpi sge, %add3A_399, %ge3A_422 : i32
      %convert_element_type3A_424 = arith.extui %ge3A_423 : i1 to i32
      %cond3A_425 = arith.constant 0 : i32
      %cond3A_426 = arith.cmpi ne, %convert_element_type3A_424, %cond3A_425 : i32
      scf.if %cond3A_426 {
        %dma_wait3A_565 = arith.constant 0 : i32
        %dma_wait3A_566 = arith.constant 0 : i32
        %dma_wait3A_567 = tpu.memref_slice %arg28[%dma_wait3A_565, %dma_wait3A_566] : memref<10016x16xf32, #tpu.memory_space<vmem_shared>> -> memref<10016x16xf32, #tpu.memory_space<vmem_shared>>
        tpu.wait_indirect_dma semaphore(%arg39 : memref<!tpu.dma_semaphore, #tpu.memory_space<semaphore_mem>>) src(%arg23 : memref<80x16xf32, #tpu.memory_space<vmem>>) dst(%dma_wait3A_567 : memref<10016x16xf32, #tpu.memory_space<vmem_shared>>)
        %dma_wait3A_568 = arith.constant 0 : i32
        %dma_wait3A_569 = arith.constant 0 : i32
        %dma_wait3A_570 = tpu.memref_slice %arg27[%dma_wait3A_568, %dma_wait3A_569] : memref<10016x128xf32, #tpu.memory_space<vmem_shared>> -> memref<10016x128xf32, #tpu.memory_space<vmem_shared>>
        tpu.wait_indirect_dma semaphore(%arg41 : memref<!tpu.dma_semaphore, #tpu.memory_space<semaphore_mem>>) src(%arg25 : memref<80x128xf32, #tpu.memory_space<vmem>>) dst(%dma_wait3A_570 : memref<10016x128xf32, #tpu.memory_space<vmem_shared>>)
      } else {
      }
      %get3A_427 = arith.constant 0 : index
      %get3A_428 = tpu.vector_load %arg9[%get3A_427] {strides = array<i32>} : memref<80xi32, #tpu.memory_space<vmem>>, vector<16xi32>,
      %get3A_429 = vector.shape_cast %get3A_428 : vector<16xi32> to vector<16xi32>
      %add3A_430 = arith.addi %get3A_429, %broadcast_in_dim3A : vector<16xi32>
      %swap3A_431 = arith.constant 0 : index
      %swap3A_432 = tpu.vector_load %arg13[%swap3A_431] {strides = array<i32>} : memref<80xi32, #tpu.memory_space<vmem>>, vector<16xi32>,
      %swap3A_433 = vector.shape_cast %swap3A_432 : vector<16xi32> to vector<16xi32>
      %swap3A_434 = vector.shape_cast %add3A_430 : vector<16xi32> to vector<16xi32>
      tpu.vector_store %arg13[%swap3A_431], %swap3A_434 {strides = array<i32>} : memref<80xi32, #tpu.memory_space<vmem>>, vector<16xi32>,
      %get3A_435 = arith.constant 0 : index
      %get3A_436 = tpu.vector_load %arg11[%get3A_435] {strides = array<i32>} : memref<80xi32, #tpu.memory_space<vmem>>, vector<16xi32>,
      %get3A_437 = vector.shape_cast %get3A_436 : vector<16xi32> to vector<16xi32>
      %swap3A_438 = arith.constant 0 : index
      %swap3A_439 = tpu.vector_load %arg17[%swap3A_438] {strides = array<i32>} : memref<80xi32, #tpu.memory_space<vmem>>, vector<16xi32>,
      %swap3A_440 = vector.shape_cast %swap3A_439 : vector<16xi32> to vector<16xi32>
      %swap3A_441 = vector.shape_cast %get3A_437 : vector<16xi32> to vector<16xi32>
      tpu.vector_store %arg17[%swap3A_438], %swap3A_441 {strides = array<i32>} : memref<80xi32, #tpu.memory_space<vmem>>, vector<16xi32>,
      %min3A_442 = arith.minsi %get3A_437, %broadcast_in_dim3A_2 : vector<16xi32>
      %add3A_443 = arith.addi %min3A_442, %broadcast_in_dim3A : vector<16xi32>
      %swap3A_444 = arith.constant 0 : index
      %swap3A_445 = tpu.vector_load %arg15[%swap3A_444] {strides = array<i32>} : memref<80xi32, #tpu.memory_space<vmem>>, vector<16xi32>,
      %swap3A_446 = vector.shape_cast %swap3A_445 : vector<16xi32> to vector<16xi32>
      %swap3A_447 = vector.shape_cast %add3A_443 : vector<16xi32> to vector<16xi32>
      tpu.vector_store %arg15[%swap3A_444], %swap3A_447 {strides = array<i32>} : memref<80xi32, #tpu.memory_space<vmem>>, vector<16xi32>,
      %get3A_448 = arith.constant 16 : index
      %get3A_449 = tpu.vector_load %arg9[%get3A_448] {strides = array<i32>} : memref<80xi32, #tpu.memory_space<vmem>>, vector<16xi32>,
      %get3A_450 = vector.shape_cast %get3A_449 : vector<16xi32> to vector<16xi32>
      %add3A_451 = arith.addi %get3A_450, %broadcast_in_dim3A : vector<16xi32>
      %swap3A_452 = arith.constant 16 : index
      %swap3A_453 = tpu.vector_load %arg13[%swap3A_452] {strides = array<i32>} : memref<80xi32, #tpu.memory_space<vmem>>, vector<16xi32>,
      %swap3A_454 = vector.shape_cast %swap3A_453 : vector<16xi32> to vector<16xi32>
      %swap3A_455 = vector.shape_cast %add3A_451 : vector<16xi32> to vector<16xi32>
      tpu.vector_store %arg13[%swap3A_452], %swap3A_455 {strides = array<i32>} : memref<80xi32, #tpu.memory_space<vmem>>, vector<16xi32>,
      %get3A_456 = arith.constant 16 : index
      %get3A_457 = tpu.vector_load %arg11[%get3A_456] {strides = array<i32>} : memref<80xi32, #tpu.memory_space<vmem>>, vector<16xi32>,
      %get3A_458 = vector.shape_cast %get3A_457 : vector<16xi32> to vector<16xi32>
      %swap3A_459 = arith.constant 16 : index
      %swap3A_460 = tpu.vector_load %arg17[%swap3A_459] {strides = array<i32>} : memref<80xi32, #tpu.memory_space<vmem>>, vector<16xi32>,
      %swap3A_461 = vector.shape_cast %swap3A_460 : vector<16xi32> to vector<16xi32>
      %swap3A_462 = vector.shape_cast %get3A_458 : vector<16xi32> to vector<16xi32>
      tpu.vector_store %arg17[%swap3A_459], %swap3A_462 {strides = array<i32>} : memref<80xi32, #tpu.memory_space<vmem>>, vector<16xi32>,
      %min3A_463 = arith.minsi %get3A_458, %broadcast_in_dim3A_2 : vector<16xi32>
      %add3A_464 = arith.addi %min3A_463, %broadcast_in_dim3A : vector<16xi32>
      %swap3A_465 = arith.constant 16 : index
      %swap3A_466 = tpu.vector_load %arg15[%swap3A_465] {strides = array<i32>} : memref<80xi32, #tpu.memory_space<vmem>>, vector<16xi32>,
      %swap3A_467 = vector.shape_cast %swap3A_466 : vector<16xi32> to vector<16xi32>
      %swap3A_468 = vector.shape_cast %add3A_464 : vector<16xi32> to vector<16xi32>
      tpu.vector_store %arg15[%swap3A_465], %swap3A_468 {strides = array<i32>} : memref<80xi32, #tpu.memory_space<vmem>>, vector<16xi32>,
      %get3A_469 = arith.constant 32 : index
      %get3A_470 = tpu.vector_load %arg9[%get3A_469] {strides = array<i32>} : memref<80xi32, #tpu.memory_space<vmem>>, vector<16xi32>,
      %get3A_471 = vector.shape_cast %get3A_470 : vector<16xi32> to vector<16xi32>
      %add3A_472 = arith.addi %get3A_471, %broadcast_in_dim3A : vector<16xi32>
      %swap3A_473 = arith.constant 32 : index
      %swap3A_474 = tpu.vector_load %arg13[%swap3A_473] {strides = array<i32>} : memref<80xi32, #tpu.memory_space<vmem>>, vector<16xi32>,
      %swap3A_475 = vector.shape_cast %swap3A_474 : vector<16xi32> to vector<16xi32>
      %swap3A_476 = vector.shape_cast %add3A_472 : vector<16xi32> to vector<16xi32>
      tpu.vector_store %arg13[%swap3A_473], %swap3A_476 {strides = array<i32>} : memref<80xi32, #tpu.memory_space<vmem>>, vector<16xi32>,
      %get3A_477 = arith.constant 32 : index
      %get3A_478 = tpu.vector_load %arg11[%get3A_477] {strides = array<i32>} : memref<80xi32, #tpu.memory_space<vmem>>, vector<16xi32>,
      %get3A_479 = vector.shape_cast %get3A_478 : vector<16xi32> to vector<16xi32>
      %swap3A_480 = arith.constant 32 : index
      %swap3A_481 = tpu.vector_load %arg17[%swap3A_480] {strides = array<i32>} : memref<80xi32, #tpu.memory_space<vmem>>, vector<16xi32>,
      %swap3A_482 = vector.shape_cast %swap3A_481 : vector<16xi32> to vector<16xi32>
      %swap3A_483 = vector.shape_cast %get3A_479 : vector<16xi32> to vector<16xi32>
      tpu.vector_store %arg17[%swap3A_480], %swap3A_483 {strides = array<i32>} : memref<80xi32, #tpu.memory_space<vmem>>, vector<16xi32>,
      %min3A_484 = arith.minsi %get3A_479, %broadcast_in_dim3A_2 : vector<16xi32>
      %add3A_485 = arith.addi %min3A_484, %broadcast_in_dim3A : vector<16xi32>
      %swap3A_486 = arith.constant 32 : index
      %swap3A_487 = tpu.vector_load %arg15[%swap3A_486] {strides = array<i32>} : memref<80xi32, #tpu.memory_space<vmem>>, vector<16xi32>,
      %swap3A_488 = vector.shape_cast %swap3A_487 : vector<16xi32> to vector<16xi32>
      %swap3A_489 = vector.shape_cast %add3A_485 : vector<16xi32> to vector<16xi32>
      tpu.vector_store %arg15[%swap3A_486], %swap3A_489 {strides = array<i32>} : memref<80xi32, #tpu.memory_space<vmem>>, vector<16xi32>,
      %get3A_490 = arith.constant 48 : index
      %get3A_491 = tpu.vector_load %arg9[%get3A_490] {strides = array<i32>} : memref<80xi32, #tpu.memory_space<vmem>>, vector<16xi32>,
      %get3A_492 = vector.shape_cast %get3A_491 : vector<16xi32> to vector<16xi32>
      %add3A_493 = arith.addi %get3A_492, %broadcast_in_dim3A : vector<16xi32>
      %swap3A_494 = arith.constant 48 : index
      %swap3A_495 = tpu.vector_load %arg13[%swap3A_494] {strides = array<i32>} : memref<80xi32, #tpu.memory_space<vmem>>, vector<16xi32>,
      %swap3A_496 = vector.shape_cast %swap3A_495 : vector<16xi32> to vector<16xi32>
      %swap3A_497 = vector.shape_cast %add3A_493 : vector<16xi32> to vector<16xi32>
      tpu.vector_store %arg13[%swap3A_494], %swap3A_497 {strides = array<i32>} : memref<80xi32, #tpu.memory_space<vmem>>, vector<16xi32>,
      %get3A_498 = arith.constant 48 : index
      %get3A_499 = tpu.vector_load %arg11[%get3A_498] {strides = array<i32>} : memref<80xi32, #tpu.memory_space<vmem>>, vector<16xi32>,
      %get3A_500 = vector.shape_cast %get3A_499 : vector<16xi32> to vector<16xi32>
      %swap3A_501 = arith.constant 48 : index
      %swap3A_502 = tpu.vector_load %arg17[%swap3A_501] {strides = array<i32>} : memref<80xi32, #tpu.memory_space<vmem>>, vector<16xi32>,
      %swap3A_503 = vector.shape_cast %swap3A_502 : vector<16xi32> to vector<16xi32>
      %swap3A_504 = vector.shape_cast %get3A_500 : vector<16xi32> to vector<16xi32>
      tpu.vector_store %arg17[%swap3A_501], %swap3A_504 {strides = array<i32>} : memref<80xi32, #tpu.memory_space<vmem>>, vector<16xi32>,
      %min3A_505 = arith.minsi %get3A_500, %broadcast_in_dim3A_2 : vector<16xi32>
      %add3A_506 = arith.addi %min3A_505, %broadcast_in_dim3A : vector<16xi32>
      %swap3A_507 = arith.constant 48 : index
      %swap3A_508 = tpu.vector_load %arg15[%swap3A_507] {strides = array<i32>} : memref<80xi32, #tpu.memory_space<vmem>>, vector<16xi32>,
      %swap3A_509 = vector.shape_cast %swap3A_508 : vector<16xi32> to vector<16xi32>
      %swap3A_510 = vector.shape_cast %add3A_506 : vector<16xi32> to vector<16xi32>
      tpu.vector_store %arg15[%swap3A_507], %swap3A_510 {strides = array<i32>} : memref<80xi32, #tpu.memory_space<vmem>>, vector<16xi32>,
      %get3A_511 = arith.constant 64 : index
      %get3A_512 = tpu.vector_load %arg9[%get3A_511] {strides = array<i32>} : memref<80xi32, #tpu.memory_space<vmem>>, vector<16xi32>,
      %get3A_513 = vector.shape_cast %get3A_512 : vector<16xi32> to vector<16xi32>
      %add3A_514 = arith.addi %get3A_513, %broadcast_in_dim3A : vector<16xi32>
      %swap3A_515 = arith.constant 64 : index
      %swap3A_516 = tpu.vector_load %arg13[%swap3A_515] {strides = array<i32>} : memref<80xi32, #tpu.memory_space<vmem>>, vector<16xi32>,
      %swap3A_517 = vector.shape_cast %swap3A_516 : vector<16xi32> to vector<16xi32>
      %swap3A_518 = vector.shape_cast %add3A_514 : vector<16xi32> to vector<16xi32>
      tpu.vector_store %arg13[%swap3A_515], %swap3A_518 {strides = array<i32>} : memref<80xi32, #tpu.memory_space<vmem>>, vector<16xi32>,
      %get3A_519 = arith.constant 64 : index
      %get3A_520 = tpu.vector_load %arg11[%get3A_519] {strides = array<i32>} : memref<80xi32, #tpu.memory_space<vmem>>, vector<16xi32>,
      %get3A_521 = vector.shape_cast %get3A_520 : vector<16xi32> to vector<16xi32>
      %swap3A_522 = arith.constant 64 : index
      %swap3A_523 = tpu.vector_load %arg17[%swap3A_522] {strides = array<i32>} : memref<80xi32, #tpu.memory_space<vmem>>, vector<16xi32>,
      %swap3A_524 = vector.shape_cast %swap3A_523 : vector<16xi32> to vector<16xi32>
      %swap3A_525 = vector.shape_cast %get3A_521 : vector<16xi32> to vector<16xi32>
      tpu.vector_store %arg17[%swap3A_522], %swap3A_525 {strides = array<i32>} : memref<80xi32, #tpu.memory_space<vmem>>, vector<16xi32>,
      %min3A_526 = arith.minsi %get3A_521, %broadcast_in_dim3A_2 : vector<16xi32>
      %add3A_527 = arith.addi %min3A_526, %broadcast_in_dim3A : vector<16xi32>
      %swap3A_528 = arith.constant 64 : index
      %swap3A_529 = tpu.vector_load %arg15[%swap3A_528] {strides = array<i32>} : memref<80xi32, #tpu.memory_space<vmem>>, vector<16xi32>,
      %swap3A_530 = vector.shape_cast %swap3A_529 : vector<16xi32> to vector<16xi32>
      %swap3A_531 = vector.shape_cast %add3A_527 : vector<16xi32> to vector<16xi32>
      tpu.vector_store %arg15[%swap3A_528], %swap3A_531 {strides = array<i32>} : memref<80xi32, #tpu.memory_space<vmem>>, vector<16xi32>,
      %dma_start3A_532 = arith.constant 0 : i32
      %dma_start3A_533 = arith.constant 0 : i32
      %dma_start3A_534 = tpu.memref_slice %arg3[%dma_start3A_532, %dma_start3A_533] : memref<20000x16xf32, #tpu.memory_space<hbm>> -> memref<20000x16xf32, #tpu.memory_space<hbm>>
      tpu.enqueue_indirect_dma source(%dma_start3A_534 : memref<20000x16xf32, #tpu.memory_space<hbm>>) target(%arg19 : memref<80x16xf32, #tpu.memory_space<vmem>>) offsets(%arg13 : memref<80xi32, #tpu.memory_space<vmem>>) semaphore(%arg33 : memref<!tpu.dma_semaphore, #tpu.memory_space<semaphore_mem>>)
      %dma_start3A_535 = arith.constant 0 : i32
      %dma_start3A_536 = arith.constant 0 : i32
      %dma_start3A_537 = tpu.memref_slice %arg4[%dma_start3A_535, %dma_start3A_536] : memref<20000x16xf32, #tpu.memory_space<hbm>> -> memref<20000x16xf32, #tpu.memory_space<hbm>>
      tpu.enqueue_indirect_dma source(%dma_start3A_537 : memref<20000x16xf32, #tpu.memory_space<hbm>>) target(%arg21 : memref<80x16xf32, #tpu.memory_space<vmem>>) offsets(%arg15 : memref<80xi32, #tpu.memory_space<vmem>>) semaphore(%arg35 : memref<!tpu.dma_semaphore, #tpu.memory_space<semaphore_mem>>)
      %dma_start3A_538 = arith.constant 0 : i32
      %dma_start3A_539 = arith.constant 0 : i32
      %dma_start3A_540 = tpu.memref_slice %arg2[%dma_start3A_538, %dma_start3A_539] : memref<20000x128xf32, #tpu.memory_space<hbm>> -> memref<20000x128xf32, #tpu.memory_space<hbm>>
      tpu.enqueue_indirect_dma source(%dma_start3A_540 : memref<20000x128xf32, #tpu.memory_space<hbm>>) target(%arg25 : memref<80x128xf32, #tpu.memory_space<vmem>>) offsets(%arg13 : memref<80xi32, #tpu.memory_space<vmem>>) semaphore(%arg37 : memref<!tpu.dma_semaphore, #tpu.memory_space<semaphore_mem>>)
      %scan3A_541 = arith.constant 0 : i32
      %scan3A_542 = arith.constant 0 : i32
      %scan3A_543 = arith.constant 40 : i32
      %scan3A_544 = arith.addi %scan3A_542, %scan3A_543 : i32
      %scan3A_545 = arith.constant 1 : i32
      %scan3A_546 = scf.for %scan3A_565 = %scan3A_542 to %scan3A_544 step %scan3A_545 iter_args(%scan3A_566 = %scan3A_541) -> (i32)  : i32 {
        %mul3A_567 = arith.constant 2 : i32
        %mul3A_568 = arith.muli %mul3A_567, %scan3A_565 : i32
        %add3A_569 = arith.constant 0 : i32
        %add3A_570 = arith.addi %mul3A_568, %add3A_569 : i32
        %get3A_571 = arith.index_cast %add3A_570 : i32 to index
        %get3A_572 = arith.constant 0 : index
        %get3A_573 = tpu.vector_load %arg20[%get3A_571, %get3A_572] {strides = array<i32>} : memref<80x16xf32, #tpu.memory_space<vmem>>, vector<1x16xf32>,
        %get3A_574 = vector.shape_cast %get3A_573 : vector<1x16xf32> to vector<16xf32>
        %get3A_575 = arith.index_cast %add3A_570 : i32 to index
        %get3A_576 = arith.constant 0 : index
        %get3A_577 = tpu.vector_load %arg22[%get3A_575, %get3A_576] {strides = array<i32>} : memref<80x16xf32, #tpu.memory_space<vmem>>, vector<1x16xf32>,
        %get3A_578 = vector.shape_cast %get3A_577 : vector<1x16xf32> to vector<16xf32>
        %add3A_579 = arith.addf %get3A_574, %get3A_578 : vector<16xf32>
        %gt3A = arith.constant 0.000000e+00 : f32
        %gt3A_580 = vector.broadcast %gt3A : f32 to vector<16xf32>
        %gt3A_581 = arith.cmpf ogt, %add3A_579, %gt3A_580 : vector<16xf32>
        %mul3A_582 = arith.constant 2.000000e-01 : f32
        %mul3A_583 = vector.broadcast %mul3A_582 : f32 to vector<16xf32>
        %mul3A_584 = arith.mulf %mul3A_583, %add3A_579 : vector<16xf32>
        %select_n3A = arith.select %gt3A_581, %add3A_579, %mul3A_584 : vector<16xi1>, vector<16xf32>
        %exp3A = math.exp %select_n3A : vector<16xf32>
        %swap3A_585 = arith.index_cast %add3A_570 : i32 to index
        %swap3A_586 = arith.constant 0 : index
        %swap3A_587 = tpu.vector_load %arg24[%swap3A_585, %swap3A_586] {strides = array<i32>} : memref<80x16xf32, #tpu.memory_space<vmem>>, vector<1x16xf32>,
        %swap3A_588 = vector.shape_cast %swap3A_587 : vector<1x16xf32> to vector<16xf32>
        %swap3A_589 = vector.shape_cast %exp3A : vector<16xf32> to vector<1x16xf32>
        tpu.vector_store %arg24[%swap3A_585, %swap3A_586], %swap3A_589 {strides = array<i32>} : memref<80x16xf32, #tpu.memory_space<vmem>>, vector<1x16xf32>,
        %mul3A_590 = arith.constant 2 : i32
        %mul3A_591 = arith.muli %mul3A_590, %scan3A_565 : i32
        %add3A_592 = arith.constant 1 : i32
        %add3A_593 = arith.addi %mul3A_591, %add3A_592 : i32
        %get3A_594 = arith.index_cast %add3A_593 : i32 to index
        %get3A_595 = arith.constant 0 : index
        %get3A_596 = tpu.vector_load %arg20[%get3A_594, %get3A_595] {strides = array<i32>} : memref<80x16xf32, #tpu.memory_space<vmem>>, vector<1x16xf32>,
        %get3A_597 = vector.shape_cast %get3A_596 : vector<1x16xf32> to vector<16xf32>
        %get3A_598 = arith.index_cast %add3A_593 : i32 to index
        %get3A_599 = arith.constant 0 : index
        %get3A_600 = tpu.vector_load %arg22[%get3A_598, %get3A_599] {strides = array<i32>} : memref<80x16xf32, #tpu.memory_space<vmem>>, vector<1x16xf32>,
        %get3A_601 = vector.shape_cast %get3A_600 : vector<1x16xf32> to vector<16xf32>
        %add3A_602 = arith.addf %get3A_597, %get3A_601 : vector<16xf32>
        %gt3A_603 = arith.constant 0.000000e+00 : f32
        %gt3A_604 = vector.broadcast %gt3A_603 : f32 to vector<16xf32>
        %gt3A_605 = arith.cmpf ogt, %add3A_602, %gt3A_604 : vector<16xf32>
        %mul3A_606 = arith.constant 2.000000e-01 : f32
        %mul3A_607 = vector.broadcast %mul3A_606 : f32 to vector<16xf32>
        %mul3A_608 = arith.mulf %mul3A_607, %add3A_602 : vector<16xf32>
        %select_n3A_609 = arith.select %gt3A_605, %add3A_602, %mul3A_608 : vector<16xi1>, vector<16xf32>
        %exp3A_610 = math.exp %select_n3A_609 : vector<16xf32>
        %swap3A_611 = arith.index_cast %add3A_593 : i32 to index
        %swap3A_612 = arith.constant 0 : index
        %swap3A_613 = tpu.vector_load %arg24[%swap3A_611, %swap3A_612] {strides = array<i32>} : memref<80x16xf32, #tpu.memory_space<vmem>>, vector<1x16xf32>,
        %swap3A_614 = vector.shape_cast %swap3A_613 : vector<1x16xf32> to vector<16xf32>
        %swap3A_615 = vector.shape_cast %exp3A_610 : vector<16xf32> to vector<1x16xf32>
        tpu.vector_store %arg24[%swap3A_611, %swap3A_612], %swap3A_615 {strides = array<i32>} : memref<80x16xf32, #tpu.memory_space<vmem>>, vector<1x16xf32>,
        %scan3A_616 = arith.constant 0 : i32
        scf.yield %scan3A_616 : i32
      }
      %scan3A_547 = arith.constant 40 : i32
      %dma_start3A_548 = arith.constant 0 : i32
      %dma_start3A_549 = arith.constant 0 : i32
      %dma_start3A_550 = tpu.memref_slice %arg28[%dma_start3A_548, %dma_start3A_549] : memref<10016x16xf32, #tpu.memory_space<vmem_shared>> -> memref<10016x16xf32, #tpu.memory_space<vmem_shared>>
      tpu.enqueue_indirect_dma source(%arg24 : memref<80x16xf32, #tpu.memory_space<vmem>>) target(%dma_start3A_550 : memref<10016x16xf32, #tpu.memory_space<vmem_shared>>) offsets(%arg18 : memref<80xi32, #tpu.memory_space<vmem>>) semaphore(%arg40 : memref<!tpu.dma_semaphore, #tpu.memory_space<semaphore_mem>>) {add = true}
      %dma_wait3A_551 = arith.constant 0 : i32
      %dma_wait3A_552 = arith.constant 0 : i32
      %dma_wait3A_553 = tpu.memref_slice %arg2[%dma_wait3A_551, %dma_wait3A_552] : memref<20000x128xf32, #tpu.memory_space<hbm>> -> memref<20000x128xf32, #tpu.memory_space<hbm>>
      tpu.wait_indirect_dma semaphore(%arg38 : memref<!tpu.dma_semaphore, #tpu.memory_space<semaphore_mem>>) src(%dma_wait3A_553 : memref<20000x128xf32, #tpu.memory_space<hbm>>) dst(%arg26 : memref<80x128xf32, #tpu.memory_space<vmem>>)
      %scan3A_554 = arith.constant 0 : i32
      %scan3A_555 = arith.constant 0 : i32
      %scan3A_556 = arith.constant 40 : i32
      %scan3A_557 = arith.addi %scan3A_555, %scan3A_556 : i32
      %scan3A_558 = arith.constant 1 : i32
      %scan3A_559 = scf.for %scan3A_565 = %scan3A_555 to %scan3A_557 step %scan3A_558 iter_args(%scan3A_566 = %scan3A_554) -> (i32)  : i32 {
        %mul3A_567 = arith.constant 2 : i32
        %mul3A_568 = arith.muli %mul3A_567, %scan3A_565 : i32
        %add3A_569 = arith.constant 0 : i32
        %add3A_570 = arith.addi %mul3A_568, %add3A_569 : i32
        %get3A_571 = arith.index_cast %add3A_570 : i32 to index
        %get3A_572 = arith.constant 0 : index
        %get3A_573 = tpu.vector_load %arg24[%get3A_571, %get3A_572] {strides = array<i32>} : memref<80x16xf32, #tpu.memory_space<vmem>>, vector<1x16xf32>,
        %get3A_574 = vector.shape_cast %get3A_573 : vector<1x16xf32> to vector<16xf32>
        %get3A_575 = arith.index_cast %add3A_570 : i32 to index
        %get3A_576 = arith.constant 0 : index
        %get3A_577 = tpu.vector_load %arg26[%get3A_575, %get3A_576] {strides = array<i32>} : memref<80x128xf32, #tpu.memory_space<vmem>>, vector<1x16xf32>,
        %get3A_578 = vector.shape_cast %get3A_577 : vector<1x16xf32> to vector<16xf32>
        %mul3A_579 = arith.mulf %get3A_578, %get3A_574 : vector<16xf32>
        %swap3A_580 = arith.index_cast %add3A_570 : i32 to index
        %swap3A_581 = arith.constant 0 : index
        %swap3A_582 = tpu.vector_load %arg26[%swap3A_580, %swap3A_581] {strides = array<i32>} : memref<80x128xf32, #tpu.memory_space<vmem>>, vector<1x16xf32>,
        %swap3A_583 = vector.shape_cast %swap3A_582 : vector<1x16xf32> to vector<16xf32>
        %swap3A_584 = vector.shape_cast %mul3A_579 : vector<16xf32> to vector<1x16xf32>
        tpu.vector_store %arg26[%swap3A_580, %swap3A_581], %swap3A_584 {strides = array<i32>} : memref<80x128xf32, #tpu.memory_space<vmem>>, vector<1x16xf32>,
        %get3A_585 = arith.index_cast %add3A_570 : i32 to index
        %get3A_586 = arith.constant 16 : index
        %get3A_587 = tpu.vector_load %arg26[%get3A_585, %get3A_586] {strides = array<i32>} : memref<80x128xf32, #tpu.memory_space<vmem>>, vector<1x16xf32>,
        %get3A_588 = vector.shape_cast %get3A_587 : vector<1x16xf32> to vector<16xf32>
        %mul3A_589 = arith.mulf %get3A_588, %get3A_574 : vector<16xf32>
        %swap3A_590 = arith.index_cast %add3A_570 : i32 to index
        %swap3A_591 = arith.constant 16 : index
        %swap3A_592 = tpu.vector_load %arg26[%swap3A_590, %swap3A_591] {strides = array<i32>} : memref<80x128xf32, #tpu.memory_space<vmem>>, vector<1x16xf32>,
        %swap3A_593 = vector.shape_cast %swap3A_592 : vector<1x16xf32> to vector<16xf32>
        %swap3A_594 = vector.shape_cast %mul3A_589 : vector<16xf32> to vector<1x16xf32>
        tpu.vector_store %arg26[%swap3A_590, %swap3A_591], %swap3A_594 {strides = array<i32>} : memref<80x128xf32, #tpu.memory_space<vmem>>, vector<1x16xf32>,
        %get3A_595 = arith.index_cast %add3A_570 : i32 to index
        %get3A_596 = arith.constant 32 : index
        %get3A_597 = tpu.vector_load %arg26[%get3A_595, %get3A_596] {strides = array<i32>} : memref<80x128xf32, #tpu.memory_space<vmem>>, vector<1x16xf32>,
        %get3A_598 = vector.shape_cast %get3A_597 : vector<1x16xf32> to vector<16xf32>
        %mul3A_599 = arith.mulf %get3A_598, %get3A_574 : vector<16xf32>
        %swap3A_600 = arith.index_cast %add3A_570 : i32 to index
        %swap3A_601 = arith.constant 32 : index
        %swap3A_602 = tpu.vector_load %arg26[%swap3A_600, %swap3A_601] {strides = array<i32>} : memref<80x128xf32, #tpu.memory_space<vmem>>, vector<1x16xf32>,
        %swap3A_603 = vector.shape_cast %swap3A_602 : vector<1x16xf32> to vector<16xf32>
        %swap3A_604 = vector.shape_cast %mul3A_599 : vector<16xf32> to vector<1x16xf32>
        tpu.vector_store %arg26[%swap3A_600, %swap3A_601], %swap3A_604 {strides = array<i32>} : memref<80x128xf32, #tpu.memory_space<vmem>>, vector<1x16xf32>,
        %get3A_605 = arith.index_cast %add3A_570 : i32 to index
        %get3A_606 = arith.constant 48 : index
        %get3A_607 = tpu.vector_load %arg26[%get3A_605, %get3A_606] {strides = array<i32>} : memref<80x128xf32, #tpu.memory_space<vmem>>, vector<1x16xf32>,
        %get3A_608 = vector.shape_cast %get3A_607 : vector<1x16xf32> to vector<16xf32>
        %mul3A_609 = arith.mulf %get3A_608, %get3A_574 : vector<16xf32>
        %swap3A_610 = arith.index_cast %add3A_570 : i32 to index
        %swap3A_611 = arith.constant 48 : index
        %swap3A_612 = tpu.vector_load %arg26[%swap3A_610, %swap3A_611] {strides = array<i32>} : memref<80x128xf32, #tpu.memory_space<vmem>>, vector<1x16xf32>,
        %swap3A_613 = vector.shape_cast %swap3A_612 : vector<1x16xf32> to vector<16xf32>
        %swap3A_614 = vector.shape_cast %mul3A_609 : vector<16xf32> to vector<1x16xf32>
        tpu.vector_store %arg26[%swap3A_610, %swap3A_611], %swap3A_614 {strides = array<i32>} : memref<80x128xf32, #tpu.memory_space<vmem>>, vector<1x16xf32>,
        %get3A_615 = arith.index_cast %add3A_570 : i32 to index
        %get3A_616 = arith.constant 64 : index
        %get3A_617 = tpu.vector_load %arg26[%get3A_615, %get3A_616] {strides = array<i32>} : memref<80x128xf32, #tpu.memory_space<vmem>>, vector<1x16xf32>,
        %get3A_618 = vector.shape_cast %get3A_617 : vector<1x16xf32> to vector<16xf32>
        %mul3A_619 = arith.mulf %get3A_618, %get3A_574 : vector<16xf32>
        %swap3A_620 = arith.index_cast %add3A_570 : i32 to index
        %swap3A_621 = arith.constant 64 : index
        %swap3A_622 = tpu.vector_load %arg26[%swap3A_620, %swap3A_621] {strides = array<i32>} : memref<80x128xf32, #tpu.memory_space<vmem>>, vector<1x16xf32>,
        %swap3A_623 = vector.shape_cast %swap3A_622 : vector<1x16xf32> to vector<16xf32>
        %swap3A_624 = vector.shape_cast %mul3A_619 : vector<16xf32> to vector<1x16xf32>
        tpu.vector_store %arg26[%swap3A_620, %swap3A_621], %swap3A_624 {strides = array<i32>} : memref<80x128xf32, #tpu.memory_space<vmem>>, vector<1x16xf32>,
        %get3A_625 = arith.index_cast %add3A_570 : i32 to index
        %get3A_626 = arith.constant 80 : index
        %get3A_627 = tpu.vector_load %arg26[%get3A_625, %get3A_626] {strides = array<i32>} : memref<80x128xf32, #tpu.memory_space<vmem>>, vector<1x16xf32>,
        %get3A_628 = vector.shape_cast %get3A_627 : vector<1x16xf32> to vector<16xf32>
        %mul3A_629 = arith.mulf %get3A_628, %get3A_574 : vector<16xf32>
        %swap3A_630 = arith.index_cast %add3A_570 : i32 to index
        %swap3A_631 = arith.constant 80 : index
        %swap3A_632 = tpu.vector_load %arg26[%swap3A_630, %swap3A_631] {strides = array<i32>} : memref<80x128xf32, #tpu.memory_space<vmem>>, vector<1x16xf32>,
        %swap3A_633 = vector.shape_cast %swap3A_632 : vector<1x16xf32> to vector<16xf32>
        %swap3A_634 = vector.shape_cast %mul3A_629 : vector<16xf32> to vector<1x16xf32>
        tpu.vector_store %arg26[%swap3A_630, %swap3A_631], %swap3A_634 {strides = array<i32>} : memref<80x128xf32, #tpu.memory_space<vmem>>, vector<1x16xf32>,
        %get3A_635 = arith.index_cast %add3A_570 : i32 to index
        %get3A_636 = arith.constant 96 : index
        %get3A_637 = tpu.vector_load %arg26[%get3A_635, %get3A_636] {strides = array<i32>} : memref<80x128xf32, #tpu.memory_space<vmem>>, vector<1x16xf32>,
        %get3A_638 = vector.shape_cast %get3A_637 : vector<1x16xf32> to vector<16xf32>
        %mul3A_639 = arith.mulf %get3A_638, %get3A_574 : vector<16xf32>
        %swap3A_640 = arith.index_cast %add3A_570 : i32 to index
        %swap3A_641 = arith.constant 96 : index
        %swap3A_642 = tpu.vector_load %arg26[%swap3A_640, %swap3A_641] {strides = array<i32>} : memref<80x128xf32, #tpu.memory_space<vmem>>, vector<1x16xf32>,
        %swap3A_643 = vector.shape_cast %swap3A_642 : vector<1x16xf32> to vector<16xf32>
        %swap3A_644 = vector.shape_cast %mul3A_639 : vector<16xf32> to vector<1x16xf32>
        tpu.vector_store %arg26[%swap3A_640, %swap3A_641], %swap3A_644 {strides = array<i32>} : memref<80x128xf32, #tpu.memory_space<vmem>>, vector<1x16xf32>,
        %get3A_645 = arith.index_cast %add3A_570 : i32 to index
        %get3A_646 = arith.constant 112 : index
        %get3A_647 = tpu.vector_load %arg26[%get3A_645, %get3A_646] {strides = array<i32>} : memref<80x128xf32, #tpu.memory_space<vmem>>, vector<1x16xf32>,
        %get3A_648 = vector.shape_cast %get3A_647 : vector<1x16xf32> to vector<16xf32>
        %mul3A_649 = arith.mulf %get3A_648, %get3A_574 : vector<16xf32>
        %swap3A_650 = arith.index_cast %add3A_570 : i32 to index
        %swap3A_651 = arith.constant 112 : index
        %swap3A_652 = tpu.vector_load %arg26[%swap3A_650, %swap3A_651] {strides = array<i32>} : memref<80x128xf32, #tpu.memory_space<vmem>>, vector<1x16xf32>,
        %swap3A_653 = vector.shape_cast %swap3A_652 : vector<1x16xf32> to vector<16xf32>
        %swap3A_654 = vector.shape_cast %mul3A_649 : vector<16xf32> to vector<1x16xf32>
        tpu.vector_store %arg26[%swap3A_650, %swap3A_651], %swap3A_654 {strides = array<i32>} : memref<80x128xf32, #tpu.memory_space<vmem>>, vector<1x16xf32>,
        %mul3A_655 = arith.constant 2 : i32
        %mul3A_656 = arith.muli %mul3A_655, %scan3A_565 : i32
        %add3A_657 = arith.constant 1 : i32
        %add3A_658 = arith.addi %mul3A_656, %add3A_657 : i32
        %get3A_659 = arith.index_cast %add3A_658 : i32 to index
        %get3A_660 = arith.constant 0 : index
        %get3A_661 = tpu.vector_load %arg24[%get3A_659, %get3A_660] {strides = array<i32>} : memref<80x16xf32, #tpu.memory_space<vmem>>, vector<1x16xf32>,
        %get3A_662 = vector.shape_cast %get3A_661 : vector<1x16xf32> to vector<16xf32>
        %get3A_663 = arith.index_cast %add3A_658 : i32 to index
        %get3A_664 = arith.constant 0 : index
        %get3A_665 = tpu.vector_load %arg26[%get3A_663, %get3A_664] {strides = array<i32>} : memref<80x128xf32, #tpu.memory_space<vmem>>, vector<1x16xf32>,
        %get3A_666 = vector.shape_cast %get3A_665 : vector<1x16xf32> to vector<16xf32>
        %mul3A_667 = arith.mulf %get3A_666, %get3A_662 : vector<16xf32>
        %swap3A_668 = arith.index_cast %add3A_658 : i32 to index
        %swap3A_669 = arith.constant 0 : index
        %swap3A_670 = tpu.vector_load %arg26[%swap3A_668, %swap3A_669] {strides = array<i32>} : memref<80x128xf32, #tpu.memory_space<vmem>>, vector<1x16xf32>,
        %swap3A_671 = vector.shape_cast %swap3A_670 : vector<1x16xf32> to vector<16xf32>
        %swap3A_672 = vector.shape_cast %mul3A_667 : vector<16xf32> to vector<1x16xf32>
        tpu.vector_store %arg26[%swap3A_668, %swap3A_669], %swap3A_672 {strides = array<i32>} : memref<80x128xf32, #tpu.memory_space<vmem>>, vector<1x16xf32>,
        %get3A_673 = arith.index_cast %add3A_658 : i32 to index
        %get3A_674 = arith.constant 16 : index
        %get3A_675 = tpu.vector_load %arg26[%get3A_673, %get3A_674] {strides = array<i32>} : memref<80x128xf32, #tpu.memory_space<vmem>>, vector<1x16xf32>,
        %get3A_676 = vector.shape_cast %get3A_675 : vector<1x16xf32> to vector<16xf32>
        %mul3A_677 = arith.mulf %get3A_676, %get3A_662 : vector<16xf32>
        %swap3A_678 = arith.index_cast %add3A_658 : i32 to index
        %swap3A_679 = arith.constant 16 : index
        %swap3A_680 = tpu.vector_load %arg26[%swap3A_678, %swap3A_679] {strides = array<i32>} : memref<80x128xf32, #tpu.memory_space<vmem>>, vector<1x16xf32>,
        %swap3A_681 = vector.shape_cast %swap3A_680 : vector<1x16xf32> to vector<16xf32>
        %swap3A_682 = vector.shape_cast %mul3A_677 : vector<16xf32> to vector<1x16xf32>
        tpu.vector_store %arg26[%swap3A_678, %swap3A_679], %swap3A_682 {strides = array<i32>} : memref<80x128xf32, #tpu.memory_space<vmem>>, vector<1x16xf32>,
        %get3A_683 = arith.index_cast %add3A_658 : i32 to index
        %get3A_684 = arith.constant 32 : index
        %get3A_685 = tpu.vector_load %arg26[%get3A_683, %get3A_684] {strides = array<i32>} : memref<80x128xf32, #tpu.memory_space<vmem>>, vector<1x16xf32>,
        %get3A_686 = vector.shape_cast %get3A_685 : vector<1x16xf32> to vector<16xf32>
        %mul3A_687 = arith.mulf %get3A_686, %get3A_662 : vector<16xf32>
        %swap3A_688 = arith.index_cast %add3A_658 : i32 to index
        %swap3A_689 = arith.constant 32 : index
        %swap3A_690 = tpu.vector_load %arg26[%swap3A_688, %swap3A_689] {strides = array<i32>} : memref<80x128xf32, #tpu.memory_space<vmem>>, vector<1x16xf32>,
        %swap3A_691 = vector.shape_cast %swap3A_690 : vector<1x16xf32> to vector<16xf32>
        %swap3A_692 = vector.shape_cast %mul3A_687 : vector<16xf32> to vector<1x16xf32>
        tpu.vector_store %arg26[%swap3A_688, %swap3A_689], %swap3A_692 {strides = array<i32>} : memref<80x128xf32, #tpu.memory_space<vmem>>, vector<1x16xf32>,
        %get3A_693 = arith.index_cast %add3A_658 : i32 to index
        %get3A_694 = arith.constant 48 : index
        %get3A_695 = tpu.vector_load %arg26[%get3A_693, %get3A_694] {strides = array<i32>} : memref<80x128xf32, #tpu.memory_space<vmem>>, vector<1x16xf32>,
        %get3A_696 = vector.shape_cast %get3A_695 : vector<1x16xf32> to vector<16xf32>
        %mul3A_697 = arith.mulf %get3A_696, %get3A_662 : vector<16xf32>
        %swap3A_698 = arith.index_cast %add3A_658 : i32 to index
        %swap3A_699 = arith.constant 48 : index
        %swap3A_700 = tpu.vector_load %arg26[%swap3A_698, %swap3A_699] {strides = array<i32>} : memref<80x128xf32, #tpu.memory_space<vmem>>, vector<1x16xf32>,
        %swap3A_701 = vector.shape_cast %swap3A_700 : vector<1x16xf32> to vector<16xf32>
        %swap3A_702 = vector.shape_cast %mul3A_697 : vector<16xf32> to vector<1x16xf32>
        tpu.vector_store %arg26[%swap3A_698, %swap3A_699], %swap3A_702 {strides = array<i32>} : memref<80x128xf32, #tpu.memory_space<vmem>>, vector<1x16xf32>,
        %get3A_703 = arith.index_cast %add3A_658 : i32 to index
        %get3A_704 = arith.constant 64 : index
        %get3A_705 = tpu.vector_load %arg26[%get3A_703, %get3A_704] {strides = array<i32>} : memref<80x128xf32, #tpu.memory_space<vmem>>, vector<1x16xf32>,
        %get3A_706 = vector.shape_cast %get3A_705 : vector<1x16xf32> to vector<16xf32>
        %mul3A_707 = arith.mulf %get3A_706, %get3A_662 : vector<16xf32>
        %swap3A_708 = arith.index_cast %add3A_658 : i32 to index
        %swap3A_709 = arith.constant 64 : index
        %swap3A_710 = tpu.vector_load %arg26[%swap3A_708, %swap3A_709] {strides = array<i32>} : memref<80x128xf32, #tpu.memory_space<vmem>>, vector<1x16xf32>,
        %swap3A_711 = vector.shape_cast %swap3A_710 : vector<1x16xf32> to vector<16xf32>
        %swap3A_712 = vector.shape_cast %mul3A_707 : vector<16xf32> to vector<1x16xf32>
        tpu.vector_store %arg26[%swap3A_708, %swap3A_709], %swap3A_712 {strides = array<i32>} : memref<80x128xf32, #tpu.memory_space<vmem>>, vector<1x16xf32>,
        %get3A_713 = arith.index_cast %add3A_658 : i32 to index
        %get3A_714 = arith.constant 80 : index
        %get3A_715 = tpu.vector_load %arg26[%get3A_713, %get3A_714] {strides = array<i32>} : memref<80x128xf32, #tpu.memory_space<vmem>>, vector<1x16xf32>,
        %get3A_716 = vector.shape_cast %get3A_715 : vector<1x16xf32> to vector<16xf32>
        %mul3A_717 = arith.mulf %get3A_716, %get3A_662 : vector<16xf32>
        %swap3A_718 = arith.index_cast %add3A_658 : i32 to index
        %swap3A_719 = arith.constant 80 : index
        %swap3A_720 = tpu.vector_load %arg26[%swap3A_718, %swap3A_719] {strides = array<i32>} : memref<80x128xf32, #tpu.memory_space<vmem>>, vector<1x16xf32>,
        %swap3A_721 = vector.shape_cast %swap3A_720 : vector<1x16xf32> to vector<16xf32>
        %swap3A_722 = vector.shape_cast %mul3A_717 : vector<16xf32> to vector<1x16xf32>
        tpu.vector_store %arg26[%swap3A_718, %swap3A_719], %swap3A_722 {strides = array<i32>} : memref<80x128xf32, #tpu.memory_space<vmem>>, vector<1x16xf32>,
        %get3A_723 = arith.index_cast %add3A_658 : i32 to index
        %get3A_724 = arith.constant 96 : index
        %get3A_725 = tpu.vector_load %arg26[%get3A_723, %get3A_724] {strides = array<i32>} : memref<80x128xf32, #tpu.memory_space<vmem>>, vector<1x16xf32>,
        %get3A_726 = vector.shape_cast %get3A_725 : vector<1x16xf32> to vector<16xf32>
        %mul3A_727 = arith.mulf %get3A_726, %get3A_662 : vector<16xf32>
        %swap3A_728 = arith.index_cast %add3A_658 : i32 to index
        %swap3A_729 = arith.constant 96 : index
        %swap3A_730 = tpu.vector_load %arg26[%swap3A_728, %swap3A_729] {strides = array<i32>} : memref<80x128xf32, #tpu.memory_space<vmem>>, vector<1x16xf32>,
        %swap3A_731 = vector.shape_cast %swap3A_730 : vector<1x16xf32> to vector<16xf32>
        %swap3A_732 = vector.shape_cast %mul3A_727 : vector<16xf32> to vector<1x16xf32>
        tpu.vector_store %arg26[%swap3A_728, %swap3A_729], %swap3A_732 {strides = array<i32>} : memref<80x128xf32, #tpu.memory_space<vmem>>, vector<1x16xf32>,
        %get3A_733 = arith.index_cast %add3A_658 : i32 to index
        %get3A_734 = arith.constant 112 : index
        %get3A_735 = tpu.vector_load %arg26[%get3A_733, %get3A_734] {strides = array<i32>} : memref<80x128xf32, #tpu.memory_space<vmem>>, vector<1x16xf32>,
        %get3A_736 = vector.shape_cast %get3A_735 : vector<1x16xf32> to vector<16xf32>
        %mul3A_737 = arith.mulf %get3A_736, %get3A_662 : vector<16xf32>
        %swap3A_738 = arith.index_cast %add3A_658 : i32 to index
        %swap3A_739 = arith.constant 112 : index
        %swap3A_740 = tpu.vector_load %arg26[%swap3A_738, %swap3A_739] {strides = array<i32>} : memref<80x128xf32, #tpu.memory_space<vmem>>, vector<1x16xf32>,
        %swap3A_741 = vector.shape_cast %swap3A_740 : vector<1x16xf32> to vector<16xf32>
        %swap3A_742 = vector.shape_cast %mul3A_737 : vector<16xf32> to vector<1x16xf32>
        tpu.vector_store %arg26[%swap3A_738, %swap3A_739], %swap3A_742 {strides = array<i32>} : memref<80x128xf32, #tpu.memory_space<vmem>>, vector<1x16xf32>,
        %scan3A_743 = arith.constant 0 : i32
        scf.yield %scan3A_743 : i32
      }
      %scan3A_560 = arith.constant 40 : i32
      %dma_start3A_561 = arith.constant 0 : i32
      %dma_start3A_562 = arith.constant 0 : i32
      %dma_start3A_563 = tpu.memref_slice %arg27[%dma_start3A_561, %dma_start3A_562] : memref<10016x128xf32, #tpu.memory_space<vmem_shared>> -> memref<10016x128xf32, #tpu.memory_space<vmem_shared>>
      tpu.enqueue_indirect_dma source(%arg26 : memref<80x128xf32, #tpu.memory_space<vmem>>) target(%dma_start3A_563 : memref<10016x128xf32, #tpu.memory_space<vmem_shared>>) offsets(%arg18 : memref<80xi32, #tpu.memory_space<vmem>>) semaphore(%arg42 : memref<!tpu.dma_semaphore, #tpu.memory_space<semaphore_mem>>) {add = true}
      %scan3A_564 = arith.constant 0 : i32
      scf.yield %scan3A_564 : i32
    }
    %scan3A_177 = arith.constant 62 : i32
    %dma_wait3A_178 = arith.constant 0 : i32
    %dma_wait3A_179 = arith.constant 0 : i32
    %dma_wait3A_180 = tpu.memref_slice %arg3[%dma_wait3A_178, %dma_wait3A_179] : memref<20000x16xf32, #tpu.memory_space<hbm>> -> memref<20000x16xf32, #tpu.memory_space<hbm>>
    tpu.wait_indirect_dma semaphore(%arg33 : memref<!tpu.dma_semaphore, #tpu.memory_space<semaphore_mem>>) src(%dma_wait3A_180 : memref<20000x16xf32, #tpu.memory_space<hbm>>) dst(%arg19 : memref<80x16xf32, #tpu.memory_space<vmem>>)
    %dma_wait3A_181 = arith.constant 0 : i32
    %dma_wait3A_182 = arith.constant 0 : i32
    %dma_wait3A_183 = tpu.memref_slice %arg4[%dma_wait3A_181, %dma_wait3A_182] : memref<20000x16xf32, #tpu.memory_space<hbm>> -> memref<20000x16xf32, #tpu.memory_space<hbm>>
    tpu.wait_indirect_dma semaphore(%arg35 : memref<!tpu.dma_semaphore, #tpu.memory_space<semaphore_mem>>) src(%dma_wait3A_183 : memref<20000x16xf32, #tpu.memory_space<hbm>>) dst(%arg21 : memref<80x16xf32, #tpu.memory_space<vmem>>)
    %dma_wait3A_184 = arith.constant 0 : i32
    %dma_wait3A_185 = arith.constant 0 : i32
    %dma_wait3A_186 = tpu.memref_slice %arg28[%dma_wait3A_184, %dma_wait3A_185] : memref<10016x16xf32, #tpu.memory_space<vmem_shared>> -> memref<10016x16xf32, #tpu.memory_space<vmem_shared>>
    tpu.wait_indirect_dma semaphore(%arg40 : memref<!tpu.dma_semaphore, #tpu.memory_space<semaphore_mem>>) src(%arg24 : memref<80x16xf32, #tpu.memory_space<vmem>>) dst(%dma_wait3A_186 : memref<10016x16xf32, #tpu.memory_space<vmem_shared>>)
    %dma_wait3A_187 = arith.constant 0 : i32
    %dma_wait3A_188 = arith.constant 0 : i32
    %dma_wait3A_189 = tpu.memref_slice %arg27[%dma_wait3A_187, %dma_wait3A_188] : memref<10016x128xf32, #tpu.memory_space<vmem_shared>> -> memref<10016x128xf32, #tpu.memory_space<vmem_shared>>
    tpu.wait_indirect_dma semaphore(%arg42 : memref<!tpu.dma_semaphore, #tpu.memory_space<semaphore_mem>>) src(%arg26 : memref<80x128xf32, #tpu.memory_space<vmem>>) dst(%dma_wait3A_189 : memref<10016x128xf32, #tpu.memory_space<vmem_shared>>)
    %scan3A_190 = arith.constant 0 : i32
    %scan3A_191 = arith.constant 0 : i32
    %scan3A_192 = arith.constant 40 : i32
    %scan3A_193 = arith.addi %scan3A_191, %scan3A_192 : i32
    %scan3A_194 = arith.constant 1 : i32
    %scan3A_195 = scf.for %scan3A_229 = %scan3A_191 to %scan3A_193 step %scan3A_194 iter_args(%scan3A_230 = %scan3A_190) -> (i32)  : i32 {
      %mul3A_231 = arith.constant 2 : i32
      %mul3A_232 = arith.muli %mul3A_231, %scan3A_229 : i32
      %add3A_233 = arith.constant 0 : i32
      %add3A_234 = arith.addi %mul3A_232, %add3A_233 : i32
      %get3A_235 = arith.index_cast %add3A_234 : i32 to index
      %get3A_236 = arith.constant 0 : index
      %get3A_237 = tpu.vector_load %arg19[%get3A_235, %get3A_236] {strides = array<i32>} : memref<80x16xf32, #tpu.memory_space<vmem>>, vector<1x16xf32>,
      %get3A_238 = vector.shape_cast %get3A_237 : vector<1x16xf32> to vector<16xf32>
      %get3A_239 = arith.index_cast %add3A_234 : i32 to index
      %get3A_240 = arith.constant 0 : index
      %get3A_241 = tpu.vector_load %arg21[%get3A_239, %get3A_240] {strides = array<i32>} : memref<80x16xf32, #tpu.memory_space<vmem>>, vector<1x16xf32>,
      %get3A_242 = vector.shape_cast %get3A_241 : vector<1x16xf32> to vector<16xf32>
      %add3A_243 = arith.addf %get3A_238, %get3A_242 : vector<16xf32>
      %gt3A = arith.constant 0.000000e+00 : f32
      %gt3A_244 = vector.broadcast %gt3A : f32 to vector<16xf32>
      %gt3A_245 = arith.cmpf ogt, %add3A_243, %gt3A_244 : vector<16xf32>
      %mul3A_246 = arith.constant 2.000000e-01 : f32
      %mul3A_247 = vector.broadcast %mul3A_246 : f32 to vector<16xf32>
      %mul3A_248 = arith.mulf %mul3A_247, %add3A_243 : vector<16xf32>
      %select_n3A = arith.select %gt3A_245, %add3A_243, %mul3A_248 : vector<16xi1>, vector<16xf32>
      %exp3A = math.exp %select_n3A : vector<16xf32>
      %swap3A_249 = arith.index_cast %add3A_234 : i32 to index
      %swap3A_250 = arith.constant 0 : index
      %swap3A_251 = tpu.vector_load %arg23[%swap3A_249, %swap3A_250] {strides = array<i32>} : memref<80x16xf32, #tpu.memory_space<vmem>>, vector<1x16xf32>,
      %swap3A_252 = vector.shape_cast %swap3A_251 : vector<1x16xf32> to vector<16xf32>
      %swap3A_253 = vector.shape_cast %exp3A : vector<16xf32> to vector<1x16xf32>
      tpu.vector_store %arg23[%swap3A_249, %swap3A_250], %swap3A_253 {strides = array<i32>} : memref<80x16xf32, #tpu.memory_space<vmem>>, vector<1x16xf32>,
      %mul3A_254 = arith.constant 2 : i32
      %mul3A_255 = arith.muli %mul3A_254, %scan3A_229 : i32
      %add3A_256 = arith.constant 1 : i32
      %add3A_257 = arith.addi %mul3A_255, %add3A_256 : i32
      %get3A_258 = arith.index_cast %add3A_257 : i32 to index
      %get3A_259 = arith.constant 0 : index
      %get3A_260 = tpu.vector_load %arg19[%get3A_258, %get3A_259] {strides = array<i32>} : memref<80x16xf32, #tpu.memory_space<vmem>>, vector<1x16xf32>,
      %get3A_261 = vector.shape_cast %get3A_260 : vector<1x16xf32> to vector<16xf32>
      %get3A_262 = arith.index_cast %add3A_257 : i32 to index
      %get3A_263 = arith.constant 0 : index
      %get3A_264 = tpu.vector_load %arg21[%get3A_262, %get3A_263] {strides = array<i32>} : memref<80x16xf32, #tpu.memory_space<vmem>>, vector<1x16xf32>,
      %get3A_265 = vector.shape_cast %get3A_264 : vector<1x16xf32> to vector<16xf32>
      %add3A_266 = arith.addf %get3A_261, %get3A_265 : vector<16xf32>
      %gt3A_267 = arith.constant 0.000000e+00 : f32
      %gt3A_268 = vector.broadcast %gt3A_267 : f32 to vector<16xf32>
      %gt3A_269 = arith.cmpf ogt, %add3A_266, %gt3A_268 : vector<16xf32>
      %mul3A_270 = arith.constant 2.000000e-01 : f32
      %mul3A_271 = vector.broadcast %mul3A_270 : f32 to vector<16xf32>
      %mul3A_272 = arith.mulf %mul3A_271, %add3A_266 : vector<16xf32>
      %select_n3A_273 = arith.select %gt3A_269, %add3A_266, %mul3A_272 : vector<16xi1>, vector<16xf32>
      %exp3A_274 = math.exp %select_n3A_273 : vector<16xf32>
      %swap3A_275 = arith.index_cast %add3A_257 : i32 to index
      %swap3A_276 = arith.constant 0 : index
      %swap3A_277 = tpu.vector_load %arg23[%swap3A_275, %swap3A_276] {strides = array<i32>} : memref<80x16xf32, #tpu.memory_space<vmem>>, vector<1x16xf32>,
      %swap3A_278 = vector.shape_cast %swap3A_277 : vector<1x16xf32> to vector<16xf32>
      %swap3A_279 = vector.shape_cast %exp3A_274 : vector<16xf32> to vector<1x16xf32>
      tpu.vector_store %arg23[%swap3A_275, %swap3A_276], %swap3A_279 {strides = array<i32>} : memref<80x16xf32, #tpu.memory_space<vmem>>, vector<1x16xf32>,
      %scan3A_280 = arith.constant 0 : i32
      scf.yield %scan3A_280 : i32
    }
    %scan3A_196 = arith.constant 40 : i32
    %dma_start3A_197 = arith.constant 0 : i32
    %dma_start3A_198 = arith.constant 0 : i32
    %dma_start3A_199 = tpu.memref_slice %arg28[%dma_start3A_197, %dma_start3A_198] : memref<10016x16xf32, #tpu.memory_space<vmem_shared>> -> memref<10016x16xf32, #tpu.memory_space<vmem_shared>>
    tpu.enqueue_indirect_dma source(%arg23 : memref<80x16xf32, #tpu.memory_space<vmem>>) target(%dma_start3A_199 : memref<10016x16xf32, #tpu.memory_space<vmem_shared>>) offsets(%arg17 : memref<80xi32, #tpu.memory_space<vmem>>) semaphore(%arg39 : memref<!tpu.dma_semaphore, #tpu.memory_space<semaphore_mem>>) {add = true}
    %dma_wait3A_200 = arith.constant 0 : i32
    %dma_wait3A_201 = arith.constant 0 : i32
    %dma_wait3A_202 = tpu.memref_slice %arg2[%dma_wait3A_200, %dma_wait3A_201] : memref<20000x128xf32, #tpu.memory_space<hbm>> -> memref<20000x128xf32, #tpu.memory_space<hbm>>
    tpu.wait_indirect_dma semaphore(%arg37 : memref<!tpu.dma_semaphore, #tpu.memory_space<semaphore_mem>>) src(%dma_wait3A_202 : memref<20000x128xf32, #tpu.memory_space<hbm>>) dst(%arg25 : memref<80x128xf32, #tpu.memory_space<vmem>>)
    %scan3A_203 = arith.constant 0 : i32
    %scan3A_204 = arith.constant 0 : i32
    %scan3A_205 = arith.constant 40 : i32
    %scan3A_206 = arith.addi %scan3A_204, %scan3A_205 : i32
    %scan3A_207 = arith.constant 1 : i32
    %scan3A_208 = scf.for %scan3A_229 = %scan3A_204 to %scan3A_206 step %scan3A_207 iter_args(%scan3A_230 = %scan3A_203) -> (i32)  : i32 {
      %mul3A_231 = arith.constant 2 : i32
      %mul3A_232 = arith.muli %mul3A_231, %scan3A_229 : i32
      %add3A_233 = arith.constant 0 : i32
      %add3A_234 = arith.addi %mul3A_232, %add3A_233 : i32
      %get3A_235 = arith.index_cast %add3A_234 : i32 to index
      %get3A_236 = arith.constant 0 : index
      %get3A_237 = tpu.vector_load %arg23[%get3A_235, %get3A_236] {strides = array<i32>} : memref<80x16xf32, #tpu.memory_space<vmem>>, vector<1x16xf32>,
      %get3A_238 = vector.shape_cast %get3A_237 : vector<1x16xf32> to vector<16xf32>
      %get3A_239 = arith.index_cast %add3A_234 : i32 to index
      %get3A_240 = arith.constant 0 : index
      %get3A_241 = tpu.vector_load %arg25[%get3A_239, %get3A_240] {strides = array<i32>} : memref<80x128xf32, #tpu.memory_space<vmem>>, vector<1x16xf32>,
      %get3A_242 = vector.shape_cast %get3A_241 : vector<1x16xf32> to vector<16xf32>
      %mul3A_243 = arith.mulf %get3A_242, %get3A_238 : vector<16xf32>
      %swap3A_244 = arith.index_cast %add3A_234 : i32 to index
      %swap3A_245 = arith.constant 0 : index
      %swap3A_246 = tpu.vector_load %arg25[%swap3A_244, %swap3A_245] {strides = array<i32>} : memref<80x128xf32, #tpu.memory_space<vmem>>, vector<1x16xf32>,
      %swap3A_247 = vector.shape_cast %swap3A_246 : vector<1x16xf32> to vector<16xf32>
      %swap3A_248 = vector.shape_cast %mul3A_243 : vector<16xf32> to vector<1x16xf32>
      tpu.vector_store %arg25[%swap3A_244, %swap3A_245], %swap3A_248 {strides = array<i32>} : memref<80x128xf32, #tpu.memory_space<vmem>>, vector<1x16xf32>,
      %get3A_249 = arith.index_cast %add3A_234 : i32 to index
      %get3A_250 = arith.constant 16 : index
      %get3A_251 = tpu.vector_load %arg25[%get3A_249, %get3A_250] {strides = array<i32>} : memref<80x128xf32, #tpu.memory_space<vmem>>, vector<1x16xf32>,
      %get3A_252 = vector.shape_cast %get3A_251 : vector<1x16xf32> to vector<16xf32>
      %mul3A_253 = arith.mulf %get3A_252, %get3A_238 : vector<16xf32>
      %swap3A_254 = arith.index_cast %add3A_234 : i32 to index
      %swap3A_255 = arith.constant 16 : index
      %swap3A_256 = tpu.vector_load %arg25[%swap3A_254, %swap3A_255] {strides = array<i32>} : memref<80x128xf32, #tpu.memory_space<vmem>>, vector<1x16xf32>,
      %swap3A_257 = vector.shape_cast %swap3A_256 : vector<1x16xf32> to vector<16xf32>
      %swap3A_258 = vector.shape_cast %mul3A_253 : vector<16xf32> to vector<1x16xf32>
      tpu.vector_store %arg25[%swap3A_254, %swap3A_255], %swap3A_258 {strides = array<i32>} : memref<80x128xf32, #tpu.memory_space<vmem>>, vector<1x16xf32>,
      %get3A_259 = arith.index_cast %add3A_234 : i32 to index
      %get3A_260 = arith.constant 32 : index
      %get3A_261 = tpu.vector_load %arg25[%get3A_259, %get3A_260] {strides = array<i32>} : memref<80x128xf32, #tpu.memory_space<vmem>>, vector<1x16xf32>,
      %get3A_262 = vector.shape_cast %get3A_261 : vector<1x16xf32> to vector<16xf32>
      %mul3A_263 = arith.mulf %get3A_262, %get3A_238 : vector<16xf32>
      %swap3A_264 = arith.index_cast %add3A_234 : i32 to index
      %swap3A_265 = arith.constant 32 : index
      %swap3A_266 = tpu.vector_load %arg25[%swap3A_264, %swap3A_265] {strides = array<i32>} : memref<80x128xf32, #tpu.memory_space<vmem>>, vector<1x16xf32>,
      %swap3A_267 = vector.shape_cast %swap3A_266 : vector<1x16xf32> to vector<16xf32>
      %swap3A_268 = vector.shape_cast %mul3A_263 : vector<16xf32> to vector<1x16xf32>
      tpu.vector_store %arg25[%swap3A_264, %swap3A_265], %swap3A_268 {strides = array<i32>} : memref<80x128xf32, #tpu.memory_space<vmem>>, vector<1x16xf32>,
      %get3A_269 = arith.index_cast %add3A_234 : i32 to index
      %get3A_270 = arith.constant 48 : index
      %get3A_271 = tpu.vector_load %arg25[%get3A_269, %get3A_270] {strides = array<i32>} : memref<80x128xf32, #tpu.memory_space<vmem>>, vector<1x16xf32>,
      %get3A_272 = vector.shape_cast %get3A_271 : vector<1x16xf32> to vector<16xf32>
      %mul3A_273 = arith.mulf %get3A_272, %get3A_238 : vector<16xf32>
      %swap3A_274 = arith.index_cast %add3A_234 : i32 to index
      %swap3A_275 = arith.constant 48 : index
      %swap3A_276 = tpu.vector_load %arg25[%swap3A_274, %swap3A_275] {strides = array<i32>} : memref<80x128xf32, #tpu.memory_space<vmem>>, vector<1x16xf32>,
      %swap3A_277 = vector.shape_cast %swap3A_276 : vector<1x16xf32> to vector<16xf32>
      %swap3A_278 = vector.shape_cast %mul3A_273 : vector<16xf32> to vector<1x16xf32>
      tpu.vector_store %arg25[%swap3A_274, %swap3A_275], %swap3A_278 {strides = array<i32>} : memref<80x128xf32, #tpu.memory_space<vmem>>, vector<1x16xf32>,
      %get3A_279 = arith.index_cast %add3A_234 : i32 to index
      %get3A_280 = arith.constant 64 : index
      %get3A_281 = tpu.vector_load %arg25[%get3A_279, %get3A_280] {strides = array<i32>} : memref<80x128xf32, #tpu.memory_space<vmem>>, vector<1x16xf32>,
      %get3A_282 = vector.shape_cast %get3A_281 : vector<1x16xf32> to vector<16xf32>
      %mul3A_283 = arith.mulf %get3A_282, %get3A_238 : vector<16xf32>
      %swap3A_284 = arith.index_cast %add3A_234 : i32 to index
      %swap3A_285 = arith.constant 64 : index
      %swap3A_286 = tpu.vector_load %arg25[%swap3A_284, %swap3A_285] {strides = array<i32>} : memref<80x128xf32, #tpu.memory_space<vmem>>, vector<1x16xf32>,
      %swap3A_287 = vector.shape_cast %swap3A_286 : vector<1x16xf32> to vector<16xf32>
      %swap3A_288 = vector.shape_cast %mul3A_283 : vector<16xf32> to vector<1x16xf32>
      tpu.vector_store %arg25[%swap3A_284, %swap3A_285], %swap3A_288 {strides = array<i32>} : memref<80x128xf32, #tpu.memory_space<vmem>>, vector<1x16xf32>,
      %get3A_289 = arith.index_cast %add3A_234 : i32 to index
      %get3A_290 = arith.constant 80 : index
      %get3A_291 = tpu.vector_load %arg25[%get3A_289, %get3A_290] {strides = array<i32>} : memref<80x128xf32, #tpu.memory_space<vmem>>, vector<1x16xf32>,
      %get3A_292 = vector.shape_cast %get3A_291 : vector<1x16xf32> to vector<16xf32>
      %mul3A_293 = arith.mulf %get3A_292, %get3A_238 : vector<16xf32>
      %swap3A_294 = arith.index_cast %add3A_234 : i32 to index
      %swap3A_295 = arith.constant 80 : index
      %swap3A_296 = tpu.vector_load %arg25[%swap3A_294, %swap3A_295] {strides = array<i32>} : memref<80x128xf32, #tpu.memory_space<vmem>>, vector<1x16xf32>,
      %swap3A_297 = vector.shape_cast %swap3A_296 : vector<1x16xf32> to vector<16xf32>
      %swap3A_298 = vector.shape_cast %mul3A_293 : vector<16xf32> to vector<1x16xf32>
      tpu.vector_store %arg25[%swap3A_294, %swap3A_295], %swap3A_298 {strides = array<i32>} : memref<80x128xf32, #tpu.memory_space<vmem>>, vector<1x16xf32>,
      %get3A_299 = arith.index_cast %add3A_234 : i32 to index
      %get3A_300 = arith.constant 96 : index
      %get3A_301 = tpu.vector_load %arg25[%get3A_299, %get3A_300] {strides = array<i32>} : memref<80x128xf32, #tpu.memory_space<vmem>>, vector<1x16xf32>,
      %get3A_302 = vector.shape_cast %get3A_301 : vector<1x16xf32> to vector<16xf32>
      %mul3A_303 = arith.mulf %get3A_302, %get3A_238 : vector<16xf32>
      %swap3A_304 = arith.index_cast %add3A_234 : i32 to index
      %swap3A_305 = arith.constant 96 : index
      %swap3A_306 = tpu.vector_load %arg25[%swap3A_304, %swap3A_305] {strides = array<i32>} : memref<80x128xf32, #tpu.memory_space<vmem>>, vector<1x16xf32>,
      %swap3A_307 = vector.shape_cast %swap3A_306 : vector<1x16xf32> to vector<16xf32>
      %swap3A_308 = vector.shape_cast %mul3A_303 : vector<16xf32> to vector<1x16xf32>
      tpu.vector_store %arg25[%swap3A_304, %swap3A_305], %swap3A_308 {strides = array<i32>} : memref<80x128xf32, #tpu.memory_space<vmem>>, vector<1x16xf32>,
      %get3A_309 = arith.index_cast %add3A_234 : i32 to index
      %get3A_310 = arith.constant 112 : index
      %get3A_311 = tpu.vector_load %arg25[%get3A_309, %get3A_310] {strides = array<i32>} : memref<80x128xf32, #tpu.memory_space<vmem>>, vector<1x16xf32>,
      %get3A_312 = vector.shape_cast %get3A_311 : vector<1x16xf32> to vector<16xf32>
      %mul3A_313 = arith.mulf %get3A_312, %get3A_238 : vector<16xf32>
      %swap3A_314 = arith.index_cast %add3A_234 : i32 to index
      %swap3A_315 = arith.constant 112 : index
      %swap3A_316 = tpu.vector_load %arg25[%swap3A_314, %swap3A_315] {strides = array<i32>} : memref<80x128xf32, #tpu.memory_space<vmem>>, vector<1x16xf32>,
      %swap3A_317 = vector.shape_cast %swap3A_316 : vector<1x16xf32> to vector<16xf32>
      %swap3A_318 = vector.shape_cast %mul3A_313 : vector<16xf32> to vector<1x16xf32>
      tpu.vector_store %arg25[%swap3A_314, %swap3A_315], %swap3A_318 {strides = array<i32>} : memref<80x128xf32, #tpu.memory_space<vmem>>, vector<1x16xf32>,
      %mul3A_319 = arith.constant 2 : i32
      %mul3A_320 = arith.muli %mul3A_319, %scan3A_229 : i32
      %add3A_321 = arith.constant 1 : i32
      %add3A_322 = arith.addi %mul3A_320, %add3A_321 : i32
      %get3A_323 = arith.index_cast %add3A_322 : i32 to index
      %get3A_324 = arith.constant 0 : index
      %get3A_325 = tpu.vector_load %arg23[%get3A_323, %get3A_324] {strides = array<i32>} : memref<80x16xf32, #tpu.memory_space<vmem>>, vector<1x16xf32>,
      %get3A_326 = vector.shape_cast %get3A_325 : vector<1x16xf32> to vector<16xf32>
      %get3A_327 = arith.index_cast %add3A_322 : i32 to index
      %get3A_328 = arith.constant 0 : index
      %get3A_329 = tpu.vector_load %arg25[%get3A_327, %get3A_328] {strides = array<i32>} : memref<80x128xf32, #tpu.memory_space<vmem>>, vector<1x16xf32>,
      %get3A_330 = vector.shape_cast %get3A_329 : vector<1x16xf32> to vector<16xf32>
      %mul3A_331 = arith.mulf %get3A_330, %get3A_326 : vector<16xf32>
      %swap3A_332 = arith.index_cast %add3A_322 : i32 to index
      %swap3A_333 = arith.constant 0 : index
      %swap3A_334 = tpu.vector_load %arg25[%swap3A_332, %swap3A_333] {strides = array<i32>} : memref<80x128xf32, #tpu.memory_space<vmem>>, vector<1x16xf32>,
      %swap3A_335 = vector.shape_cast %swap3A_334 : vector<1x16xf32> to vector<16xf32>
      %swap3A_336 = vector.shape_cast %mul3A_331 : vector<16xf32> to vector<1x16xf32>
      tpu.vector_store %arg25[%swap3A_332, %swap3A_333], %swap3A_336 {strides = array<i32>} : memref<80x128xf32, #tpu.memory_space<vmem>>, vector<1x16xf32>,
      %get3A_337 = arith.index_cast %add3A_322 : i32 to index
      %get3A_338 = arith.constant 16 : index
      %get3A_339 = tpu.vector_load %arg25[%get3A_337, %get3A_338] {strides = array<i32>} : memref<80x128xf32, #tpu.memory_space<vmem>>, vector<1x16xf32>,
      %get3A_340 = vector.shape_cast %get3A_339 : vector<1x16xf32> to vector<16xf32>
      %mul3A_341 = arith.mulf %get3A_340, %get3A_326 : vector<16xf32>
      %swap3A_342 = arith.index_cast %add3A_322 : i32 to index
      %swap3A_343 = arith.constant 16 : index
      %swap3A_344 = tpu.vector_load %arg25[%swap3A_342, %swap3A_343] {strides = array<i32>} : memref<80x128xf32, #tpu.memory_space<vmem>>, vector<1x16xf32>,
      %swap3A_345 = vector.shape_cast %swap3A_344 : vector<1x16xf32> to vector<16xf32>
      %swap3A_346 = vector.shape_cast %mul3A_341 : vector<16xf32> to vector<1x16xf32>
      tpu.vector_store %arg25[%swap3A_342, %swap3A_343], %swap3A_346 {strides = array<i32>} : memref<80x128xf32, #tpu.memory_space<vmem>>, vector<1x16xf32>,
      %get3A_347 = arith.index_cast %add3A_322 : i32 to index
      %get3A_348 = arith.constant 32 : index
      %get3A_349 = tpu.vector_load %arg25[%get3A_347, %get3A_348] {strides = array<i32>} : memref<80x128xf32, #tpu.memory_space<vmem>>, vector<1x16xf32>,
      %get3A_350 = vector.shape_cast %get3A_349 : vector<1x16xf32> to vector<16xf32>
      %mul3A_351 = arith.mulf %get3A_350, %get3A_326 : vector<16xf32>
      %swap3A_352 = arith.index_cast %add3A_322 : i32 to index
      %swap3A_353 = arith.constant 32 : index
      %swap3A_354 = tpu.vector_load %arg25[%swap3A_352, %swap3A_353] {strides = array<i32>} : memref<80x128xf32, #tpu.memory_space<vmem>>, vector<1x16xf32>,
      %swap3A_355 = vector.shape_cast %swap3A_354 : vector<1x16xf32> to vector<16xf32>
      %swap3A_356 = vector.shape_cast %mul3A_351 : vector<16xf32> to vector<1x16xf32>
      tpu.vector_store %arg25[%swap3A_352, %swap3A_353], %swap3A_356 {strides = array<i32>} : memref<80x128xf32, #tpu.memory_space<vmem>>, vector<1x16xf32>,
      %get3A_357 = arith.index_cast %add3A_322 : i32 to index
      %get3A_358 = arith.constant 48 : index
      %get3A_359 = tpu.vector_load %arg25[%get3A_357, %get3A_358] {strides = array<i32>} : memref<80x128xf32, #tpu.memory_space<vmem>>, vector<1x16xf32>,
      %get3A_360 = vector.shape_cast %get3A_359 : vector<1x16xf32> to vector<16xf32>
      %mul3A_361 = arith.mulf %get3A_360, %get3A_326 : vector<16xf32>
      %swap3A_362 = arith.index_cast %add3A_322 : i32 to index
      %swap3A_363 = arith.constant 48 : index
      %swap3A_364 = tpu.vector_load %arg25[%swap3A_362, %swap3A_363] {strides = array<i32>} : memref<80x128xf32, #tpu.memory_space<vmem>>, vector<1x16xf32>,
      %swap3A_365 = vector.shape_cast %swap3A_364 : vector<1x16xf32> to vector<16xf32>
      %swap3A_366 = vector.shape_cast %mul3A_361 : vector<16xf32> to vector<1x16xf32>
      tpu.vector_store %arg25[%swap3A_362, %swap3A_363], %swap3A_366 {strides = array<i32>} : memref<80x128xf32, #tpu.memory_space<vmem>>, vector<1x16xf32>,
      %get3A_367 = arith.index_cast %add3A_322 : i32 to index
      %get3A_368 = arith.constant 64 : index
      %get3A_369 = tpu.vector_load %arg25[%get3A_367, %get3A_368] {strides = array<i32>} : memref<80x128xf32, #tpu.memory_space<vmem>>, vector<1x16xf32>,
      %get3A_370 = vector.shape_cast %get3A_369 : vector<1x16xf32> to vector<16xf32>
      %mul3A_371 = arith.mulf %get3A_370, %get3A_326 : vector<16xf32>
      %swap3A_372 = arith.index_cast %add3A_322 : i32 to index
      %swap3A_373 = arith.constant 64 : index
      %swap3A_374 = tpu.vector_load %arg25[%swap3A_372, %swap3A_373] {strides = array<i32>} : memref<80x128xf32, #tpu.memory_space<vmem>>, vector<1x16xf32>,
      %swap3A_375 = vector.shape_cast %swap3A_374 : vector<1x16xf32> to vector<16xf32>
      %swap3A_376 = vector.shape_cast %mul3A_371 : vector<16xf32> to vector<1x16xf32>
      tpu.vector_store %arg25[%swap3A_372, %swap3A_373], %swap3A_376 {strides = array<i32>} : memref<80x128xf32, #tpu.memory_space<vmem>>, vector<1x16xf32>,
      %get3A_377 = arith.index_cast %add3A_322 : i32 to index
      %get3A_378 = arith.constant 80 : index
      %get3A_379 = tpu.vector_load %arg25[%get3A_377, %get3A_378] {strides = array<i32>} : memref<80x128xf32, #tpu.memory_space<vmem>>, vector<1x16xf32>,
      %get3A_380 = vector.shape_cast %get3A_379 : vector<1x16xf32> to vector<16xf32>
      %mul3A_381 = arith.mulf %get3A_380, %get3A_326 : vector<16xf32>
      %swap3A_382 = arith.index_cast %add3A_322 : i32 to index
      %swap3A_383 = arith.constant 80 : index
      %swap3A_384 = tpu.vector_load %arg25[%swap3A_382, %swap3A_383] {strides = array<i32>} : memref<80x128xf32, #tpu.memory_space<vmem>>, vector<1x16xf32>,
      %swap3A_385 = vector.shape_cast %swap3A_384 : vector<1x16xf32> to vector<16xf32>
      %swap3A_386 = vector.shape_cast %mul3A_381 : vector<16xf32> to vector<1x16xf32>
      tpu.vector_store %arg25[%swap3A_382, %swap3A_383], %swap3A_386 {strides = array<i32>} : memref<80x128xf32, #tpu.memory_space<vmem>>, vector<1x16xf32>,
      %get3A_387 = arith.index_cast %add3A_322 : i32 to index
      %get3A_388 = arith.constant 96 : index
      %get3A_389 = tpu.vector_load %arg25[%get3A_387, %get3A_388] {strides = array<i32>} : memref<80x128xf32, #tpu.memory_space<vmem>>, vector<1x16xf32>,
      %get3A_390 = vector.shape_cast %get3A_389 : vector<1x16xf32> to vector<16xf32>
      %mul3A_391 = arith.mulf %get3A_390, %get3A_326 : vector<16xf32>
      %swap3A_392 = arith.index_cast %add3A_322 : i32 to index
      %swap3A_393 = arith.constant 96 : index
      %swap3A_394 = tpu.vector_load %arg25[%swap3A_392, %swap3A_393] {strides = array<i32>} : memref<80x128xf32, #tpu.memory_space<vmem>>, vector<1x16xf32>,
      %swap3A_395 = vector.shape_cast %swap3A_394 : vector<1x16xf32> to vector<16xf32>
      %swap3A_396 = vector.shape_cast %mul3A_391 : vector<16xf32> to vector<1x16xf32>
      tpu.vector_store %arg25[%swap3A_392, %swap3A_393], %swap3A_396 {strides = array<i32>} : memref<80x128xf32, #tpu.memory_space<vmem>>, vector<1x16xf32>,
      %get3A_397 = arith.index_cast %add3A_322 : i32 to index
      %get3A_398 = arith.constant 112 : index
      %get3A_399 = tpu.vector_load %arg25[%get3A_397, %get3A_398] {strides = array<i32>} : memref<80x128xf32, #tpu.memory_space<vmem>>, vector<1x16xf32>,
      %get3A_400 = vector.shape_cast %get3A_399 : vector<1x16xf32> to vector<16xf32>
      %mul3A_401 = arith.mulf %get3A_400, %get3A_326 : vector<16xf32>
      %swap3A_402 = arith.index_cast %add3A_322 : i32 to index
      %swap3A_403 = arith.constant 112 : index
      %swap3A_404 = tpu.vector_load %arg25[%swap3A_402, %swap3A_403] {strides = array<i32>} : memref<80x128xf32, #tpu.memory_space<vmem>>, vector<1x16xf32>,
      %swap3A_405 = vector.shape_cast %swap3A_404 : vector<1x16xf32> to vector<16xf32>
      %swap3A_406 = vector.shape_cast %mul3A_401 : vector<16xf32> to vector<1x16xf32>
      tpu.vector_store %arg25[%swap3A_402, %swap3A_403], %swap3A_406 {strides = array<i32>} : memref<80x128xf32, #tpu.memory_space<vmem>>, vector<1x16xf32>,
      %scan3A_407 = arith.constant 0 : i32
      scf.yield %scan3A_407 : i32
    }
    %scan3A_209 = arith.constant 40 : i32
    %dma_start3A_210 = arith.constant 0 : i32
    %dma_start3A_211 = arith.constant 0 : i32
    %dma_start3A_212 = tpu.memref_slice %arg27[%dma_start3A_210, %dma_start3A_211] : memref<10016x128xf32, #tpu.memory_space<vmem_shared>> -> memref<10016x128xf32, #tpu.memory_space<vmem_shared>>
    tpu.enqueue_indirect_dma source(%arg25 : memref<80x128xf32, #tpu.memory_space<vmem>>) target(%dma_start3A_212 : memref<10016x128xf32, #tpu.memory_space<vmem_shared>>) offsets(%arg17 : memref<80xi32, #tpu.memory_space<vmem>>) semaphore(%arg41 : memref<!tpu.dma_semaphore, #tpu.memory_space<semaphore_mem>>) {add = true}
    %dma_wait3A_213 = arith.constant 0 : i32
    %dma_wait3A_214 = arith.constant 0 : i32
    %dma_wait3A_215 = tpu.memref_slice %arg28[%dma_wait3A_213, %dma_wait3A_214] : memref<10016x16xf32, #tpu.memory_space<vmem_shared>> -> memref<10016x16xf32, #tpu.memory_space<vmem_shared>>
    tpu.wait_indirect_dma semaphore(%arg39 : memref<!tpu.dma_semaphore, #tpu.memory_space<semaphore_mem>>) src(%arg23 : memref<80x16xf32, #tpu.memory_space<vmem>>) dst(%dma_wait3A_215 : memref<10016x16xf32, #tpu.memory_space<vmem_shared>>)
    %dma_wait3A_216 = arith.constant 0 : i32
    %dma_wait3A_217 = arith.constant 0 : i32
    %dma_wait3A_218 = tpu.memref_slice %arg27[%dma_wait3A_216, %dma_wait3A_217] : memref<10016x128xf32, #tpu.memory_space<vmem_shared>> -> memref<10016x128xf32, #tpu.memory_space<vmem_shared>>
    tpu.wait_indirect_dma semaphore(%arg41 : memref<!tpu.dma_semaphore, #tpu.memory_space<semaphore_mem>>) src(%arg25 : memref<80x128xf32, #tpu.memory_space<vmem>>) dst(%dma_wait3A_218 : memref<10016x128xf32, #tpu.memory_space<vmem_shared>>)
    %barrier3A_219 = arith.constant 0 : index
    tpu.barrier barrier_id(%barrier3A_219)
    %mul3A_220 = arith.constant 10000 : i32
    %mul3A_221 = arith.muli %arg0, %mul3A_220 : i32
    %add3A_222 = arith.addi %mul3A_221, %mul3A_14 : i32
    %lt3A = arith.constant 15 : i32
    %lt3A_223 = arith.cmpi slt, %arg1, %lt3A : i32
    %convert_element_type3A = arith.extui %lt3A_223 : i1 to i32
    %cond3A = arith.constant 0 : i32
    %cond3A_224 = arith.cmpi ne, %convert_element_type3A, %cond3A : i32
    scf.if %cond3A_224 {
      "tpu.region"() ({
        %run_scoped3A = tpu.sem_alloc : memref<!tpu.dma_semaphore, #tpu.memory_space<semaphore_mem>>
        %dma_start3A_229 = arith.constant 0 : i32
        %dma_start3A_230 = tpu.memref_slice %arg7[%add3A_222, %dma_start3A_229] : memref<20000x128xf32, #tpu.memory_space<hbm>> -> memref<626x128xf32, #tpu.memory_space<hbm>>
        %dma_start3A_231 = arith.constant 0 : i32
        %dma_start3A_232 = tpu.memref_slice %arg27[%mul3A_14, %dma_start3A_231] : memref<10016x128xf32, #tpu.memory_space<vmem_shared>> -> memref<626x128xf32, #tpu.memory_space<vmem_shared>>
        tpu.enqueue_dma source(%dma_start3A_232 : memref<626x128xf32, #tpu.memory_space<vmem_shared>>) target(%dma_start3A_230 : memref<626x128xf32, #tpu.memory_space<hbm>>) target_semaphore(%run_scoped3A : memref<!tpu.dma_semaphore, #tpu.memory_space<semaphore_mem>>)
        %dma_wait3A_233 = arith.constant 0 : i32
        %dma_wait3A_234 = tpu.memref_slice %arg7[%add3A_222, %dma_wait3A_233] : memref<20000x128xf32, #tpu.memory_space<hbm>> -> memref<626x128xf32, #tpu.memory_space<hbm>>
        %dma_wait3A_235 = arith.constant 0 : i32
        %dma_wait3A_236 = tpu.memref_slice %arg27[%mul3A_14, %dma_wait3A_235] : memref<10016x128xf32, #tpu.memory_space<vmem_shared>> -> memref<626x128xf32, #tpu.memory_space<vmem_shared>>
        tpu.wait_dma2 semaphore(%run_scoped3A : memref<!tpu.dma_semaphore, #tpu.memory_space<semaphore_mem>>) src(%dma_wait3A_236 : memref<626x128xf32, #tpu.memory_space<vmem_shared>>) dst(%dma_wait3A_234 : memref<626x128xf32, #tpu.memory_space<hbm>>)
        tpu.yield
      }) : () -> ()
      "tpu.region"() ({
        %run_scoped3A = tpu.sem_alloc : memref<!tpu.dma_semaphore, #tpu.memory_space<semaphore_mem>>
        %dma_start3A_229 = arith.constant 0 : i32
        %dma_start3A_230 = tpu.memref_slice %arg8[%add3A_222, %dma_start3A_229] : memref<20000x16xf32, #tpu.memory_space<hbm>> -> memref<626x16xf32, #tpu.memory_space<hbm>>
        %dma_start3A_231 = arith.constant 0 : i32
        %dma_start3A_232 = tpu.memref_slice %arg28[%mul3A_14, %dma_start3A_231] : memref<10016x16xf32, #tpu.memory_space<vmem_shared>> -> memref<626x16xf32, #tpu.memory_space<vmem_shared>>
        tpu.enqueue_dma source(%dma_start3A_232 : memref<626x16xf32, #tpu.memory_space<vmem_shared>>) target(%dma_start3A_230 : memref<626x16xf32, #tpu.memory_space<hbm>>) target_semaphore(%run_scoped3A : memref<!tpu.dma_semaphore, #tpu.memory_space<semaphore_mem>>)
        %dma_wait3A_233 = arith.constant 0 : i32
        %dma_wait3A_234 = tpu.memref_slice %arg8[%add3A_222, %dma_wait3A_233] : memref<20000x16xf32, #tpu.memory_space<hbm>> -> memref<626x16xf32, #tpu.memory_space<hbm>>
        %dma_wait3A_235 = arith.constant 0 : i32
        %dma_wait3A_236 = tpu.memref_slice %arg28[%mul3A_14, %dma_wait3A_235] : memref<10016x16xf32, #tpu.memory_space<vmem_shared>> -> memref<626x16xf32, #tpu.memory_space<vmem_shared>>
        tpu.wait_dma2 semaphore(%run_scoped3A : memref<!tpu.dma_semaphore, #tpu.memory_space<semaphore_mem>>) src(%dma_wait3A_236 : memref<626x16xf32, #tpu.memory_space<vmem_shared>>) dst(%dma_wait3A_234 : memref<626x16xf32, #tpu.memory_space<hbm>>)
        tpu.yield
      }) : () -> ()
    } else {
    }
    %eq3A = arith.constant 15 : i32
    %eq3A_225 = arith.cmpi eq, %arg1, %eq3A : i32
    %convert_element_type3A_226 = arith.extui %eq3A_225 : i1 to i32
    %cond3A_227 = arith.constant 0 : i32
    %cond3A_228 = arith.cmpi ne, %convert_element_type3A_226, %cond3A_227 : i32
    scf.if %cond3A_228 {
      "tpu.region"() ({
        %run_scoped3A = tpu.sem_alloc : memref<!tpu.dma_semaphore, #tpu.memory_space<semaphore_mem>>
        %dma_start3A_229 = arith.constant 0 : i32
        %dma_start3A_230 = tpu.memref_slice %arg7[%add3A_222, %dma_start3A_229] : memref<20000x128xf32, #tpu.memory_space<hbm>> -> memref<610x128xf32, #tpu.memory_space<hbm>>
        %dma_start3A_231 = arith.constant 0 : i32
        %dma_start3A_232 = tpu.memref_slice %arg27[%mul3A_14, %dma_start3A_231] : memref<10016x128xf32, #tpu.memory_space<vmem_shared>> -> memref<610x128xf32, #tpu.memory_space<vmem_shared>>
        tpu.enqueue_dma source(%dma_start3A_232 : memref<610x128xf32, #tpu.memory_space<vmem_shared>>) target(%dma_start3A_230 : memref<610x128xf32, #tpu.memory_space<hbm>>) target_semaphore(%run_scoped3A : memref<!tpu.dma_semaphore, #tpu.memory_space<semaphore_mem>>)
        %dma_wait3A_233 = arith.constant 0 : i32
        %dma_wait3A_234 = tpu.memref_slice %arg7[%add3A_222, %dma_wait3A_233] : memref<20000x128xf32, #tpu.memory_space<hbm>> -> memref<610x128xf32, #tpu.memory_space<hbm>>
        %dma_wait3A_235 = arith.constant 0 : i32
        %dma_wait3A_236 = tpu.memref_slice %arg27[%mul3A_14, %dma_wait3A_235] : memref<10016x128xf32, #tpu.memory_space<vmem_shared>> -> memref<610x128xf32, #tpu.memory_space<vmem_shared>>
        tpu.wait_dma2 semaphore(%run_scoped3A : memref<!tpu.dma_semaphore, #tpu.memory_space<semaphore_mem>>) src(%dma_wait3A_236 : memref<610x128xf32, #tpu.memory_space<vmem_shared>>) dst(%dma_wait3A_234 : memref<610x128xf32, #tpu.memory_space<hbm>>)
        tpu.yield
      }) : () -> ()
      "tpu.region"() ({
        %run_scoped3A = tpu.sem_alloc : memref<!tpu.dma_semaphore, #tpu.memory_space<semaphore_mem>>
        %dma_start3A_229 = arith.constant 0 : i32
        %dma_start3A_230 = tpu.memref_slice %arg8[%add3A_222, %dma_start3A_229] : memref<20000x16xf32, #tpu.memory_space<hbm>> -> memref<610x16xf32, #tpu.memory_space<hbm>>
        %dma_start3A_231 = arith.constant 0 : i32
        %dma_start3A_232 = tpu.memref_slice %arg28[%mul3A_14, %dma_start3A_231] : memref<10016x16xf32, #tpu.memory_space<vmem_shared>> -> memref<610x16xf32, #tpu.memory_space<vmem_shared>>
        tpu.enqueue_dma source(%dma_start3A_232 : memref<610x16xf32, #tpu.memory_space<vmem_shared>>) target(%dma_start3A_230 : memref<610x16xf32, #tpu.memory_space<hbm>>) target_semaphore(%run_scoped3A : memref<!tpu.dma_semaphore, #tpu.memory_space<semaphore_mem>>)
        %dma_wait3A_233 = arith.constant 0 : i32
        %dma_wait3A_234 = tpu.memref_slice %arg8[%add3A_222, %dma_wait3A_233] : memref<20000x16xf32, #tpu.memory_space<hbm>> -> memref<610x16xf32, #tpu.memory_space<hbm>>
        %dma_wait3A_235 = arith.constant 0 : i32
        %dma_wait3A_236 = tpu.memref_slice %arg28[%mul3A_14, %dma_wait3A_235] : memref<10016x16xf32, #tpu.memory_space<vmem_shared>> -> memref<610x16xf32, #tpu.memory_space<vmem_shared>>
        tpu.wait_dma2 semaphore(%run_scoped3A : memref<!tpu.dma_semaphore, #tpu.memory_space<semaphore_mem>>) src(%dma_wait3A_236 : memref<610x16xf32, #tpu.memory_space<vmem_shared>>) dst(%dma_wait3A_234 : memref<610x16xf32, #tpu.memory_space<hbm>>)
        tpu.yield
      }) : () -> ()
    } else {
    }
    return
  }
}

module attributes {stable_mosaic.version = 14 : i64} {
  func.func @_proj_body(%arg0: i32, %arg1: i32, %arg2: memref<1000x256xf32, #tpu.memory_space<vmem>>, %arg3: memref<1x256x128xf32, #tpu.memory_space<vmem>>, %arg4: memref<1x128x16xf32, #tpu.memory_space<vmem>>, %arg5: memref<1x128x16xf32, #tpu.memory_space<vmem>>, %arg6: memref<1000x128xf32, #tpu.memory_space<vmem>>, %arg7: memref<1000x16xf32, #tpu.memory_space<vmem>>, %arg8: memref<1000x16xf32, #tpu.memory_space<vmem>>) attributes {dimension_semantics = [#tpu.dimension_semantics<arbitrary>, #tpu.dimension_semantics<arbitrary>], iteration_bounds = array<i64: 2, 10>, scalar_prefetch = 0 : i64, scratch_operands = 0 : i64, tpu.core_type = #tpu.core_type<tc>, window_params = [{transform_indices = @transform_0, window_bounds = array<i64: 1000, 256>}, {transform_indices = @transform_1, window_bounds = array<i64: 1, 256, 128>}, {transform_indices = @transform_2, window_bounds = array<i64: 1, 128, 16>}, {transform_indices = @transform_3, window_bounds = array<i64: 1, 128, 16>}, {transform_indices = @transform_4, window_bounds = array<i64: 1000, 128>}, {transform_indices = @transform_5, window_bounds = array<i64: 1000, 16>}, {transform_indices = @transform_6, window_bounds = array<i64: 1000, 16>}]} {
    %get3A = arith.constant 0 : index
    %get3A_0 = arith.constant 0 : index
    %get3A_1 = vector.load %arg2[%get3A, %get3A_0] : memref<1000x256xf32, #tpu.memory_space<vmem>>, vector<1000x256xf32>
    %get3A_2 = arith.constant 0 : index
    %get3A_3 = arith.constant 0 : index
    %get3A_4 = arith.constant 0 : index
    %get3A_5 = vector.load %arg3[%get3A_2, %get3A_3, %get3A_4] : memref<1x256x128xf32, #tpu.memory_space<vmem>>, vector<1x256x128xf32>
    %get3A_6 = vector.shape_cast %get3A_5 : vector<1x256x128xf32> to vector<256x128xf32>
    %dot_general3A = arith.constant dense<0.000000e+00> : vector<1000x128xf32>
    %dot_general3A_7 = tpu.matmul %get3A_1, %get3A_6, %dot_general3A {dimension_numbers = #tpu.dot_dimension_numbers<[1], [0], [0], [1], [0, 0, 1, 1], [], []>, transpose_lhs_hint = false} : vector<1000x256xf32>, vector<256x128xf32>, vector<1000x128xf32> -> vector<1000x128xf32>
    %swap3A = arith.constant 0 : index
    %swap3A_8 = arith.constant 0 : index
    %swap3A_9 = vector.load %arg6[%swap3A, %swap3A_8] : memref<1000x128xf32, #tpu.memory_space<vmem>>, vector<1000x128xf32>
    tpu.vector_store %arg6[%swap3A, %swap3A_8], %dot_general3A_7 {strides = array<i32>} : memref<1000x128xf32, #tpu.memory_space<vmem>>, vector<1000x128xf32>,
    %get3A_10 = arith.constant 0 : index
    %get3A_11 = arith.constant 0 : index
    %get3A_12 = arith.constant 0 : index
    %get3A_13 = vector.load %arg4[%get3A_10, %get3A_11, %get3A_12] : memref<1x128x16xf32, #tpu.memory_space<vmem>>, vector<1x128x16xf32>
    %get3A_14 = vector.shape_cast %get3A_13 : vector<1x128x16xf32> to vector<128x16xf32>
    %dot_general3A_15 = arith.constant dense<0.000000e+00> : vector<1000x16xf32>
    %dot_general3A_16 = tpu.matmul %dot_general3A_7, %get3A_14, %dot_general3A_15 {dimension_numbers = #tpu.dot_dimension_numbers<[1], [0], [0], [1], [0, 0, 1, 1], [], []>, transpose_lhs_hint = false} : vector<1000x128xf32>, vector<128x16xf32>, vector<1000x16xf32> -> vector<1000x16xf32>
    %swap3A_17 = arith.constant 0 : index
    %swap3A_18 = arith.constant 0 : index
    %swap3A_19 = vector.load %arg7[%swap3A_17, %swap3A_18] : memref<1000x16xf32, #tpu.memory_space<vmem>>, vector<1000x16xf32>
    tpu.vector_store %arg7[%swap3A_17, %swap3A_18], %dot_general3A_16 {strides = array<i32>} : memref<1000x16xf32, #tpu.memory_space<vmem>>, vector<1000x16xf32>,
    %get3A_20 = arith.constant 0 : index
    %get3A_21 = arith.constant 0 : index
    %get3A_22 = arith.constant 0 : index
    %get3A_23 = vector.load %arg5[%get3A_20, %get3A_21, %get3A_22] : memref<1x128x16xf32, #tpu.memory_space<vmem>>, vector<1x128x16xf32>
    %get3A_24 = vector.shape_cast %get3A_23 : vector<1x128x16xf32> to vector<128x16xf32>
    %dot_general3A_25 = arith.constant dense<0.000000e+00> : vector<1000x16xf32>
    %dot_general3A_26 = tpu.matmul %dot_general3A_7, %get3A_24, %dot_general3A_25 {dimension_numbers = #tpu.dot_dimension_numbers<[1], [0], [0], [1], [0, 0, 1, 1], [], []>, transpose_lhs_hint = false} : vector<1000x128xf32>, vector<128x16xf32>, vector<1000x16xf32> -> vector<1000x16xf32>
    %swap3A_27 = arith.constant 0 : index
    %swap3A_28 = arith.constant 0 : index
    %swap3A_29 = vector.load %arg8[%swap3A_27, %swap3A_28] : memref<1000x16xf32, #tpu.memory_space<vmem>>, vector<1000x16xf32>
    tpu.vector_store %arg8[%swap3A_27, %swap3A_28], %dot_general3A_26 {strides = array<i32>} : memref<1000x16xf32, #tpu.memory_space<vmem>>, vector<1000x16xf32>,
    return
  }
  func.func @transform_0(%arg0: i32, %arg1: i32) -> (i32, i32) {
    %c0_i32 = arith.constant 0 : i32
    %c0_i32_0 = arith.constant 0 : i32
    return %arg1, %c0_i32 : i32, i32
  }
  func.func @transform_1(%arg0: i32, %arg1: i32) -> (i32, i32, i32) {
    %c0_i32 = arith.constant 0 : i32
    %c0_i32_0 = arith.constant 0 : i32
    %c0_i32_1 = arith.constant 0 : i32
    return %arg0, %c0_i32, %c0_i32_0 : i32, i32, i32
  }
  func.func @transform_2(%arg0: i32, %arg1: i32) -> (i32, i32, i32) {
    %c0_i32 = arith.constant 0 : i32
    %c0_i32_0 = arith.constant 0 : i32
    %c0_i32_1 = arith.constant 0 : i32
    return %arg0, %c0_i32, %c0_i32_0 : i32, i32, i32
  }
  func.func @transform_3(%arg0: i32, %arg1: i32) -> (i32, i32, i32) {
    %c0_i32 = arith.constant 0 : i32
    %c0_i32_0 = arith.constant 0 : i32
    %c0_i32_1 = arith.constant 0 : i32
    return %arg0, %c0_i32, %c0_i32_0 : i32, i32, i32
  }
  func.func @transform_4(%arg0: i32, %arg1: i32) -> (i32, i32) {
    %mul3A = arith.constant 10 : i32
    %mul3A_0 = arith.muli %arg0, %mul3A : i32
    %add3A = arith.addi %mul3A_0, %arg1 : i32
    %c0_i32 = arith.constant 0 : i32
    %c0_i32_1 = arith.constant 0 : i32
    return %add3A, %c0_i32 : i32, i32
  }
  func.func @transform_5(%arg0: i32, %arg1: i32) -> (i32, i32) {
    %mul3A = arith.constant 10 : i32
    %mul3A_0 = arith.muli %arg0, %mul3A : i32
    %add3A = arith.addi %mul3A_0, %arg1 : i32
    %c0_i32 = arith.constant 0 : i32
    %c0_i32_1 = arith.constant 0 : i32
    return %add3A, %c0_i32 : i32, i32
  }
  func.func @transform_6(%arg0: i32, %arg1: i32) -> (i32, i32) {
    %mul3A = arith.constant 10 : i32
    %mul3A_0 = arith.muli %arg0, %mul3A : i32
    %add3A = arith.addi %mul3A_0, %arg1 : i32
    %c0_i32 = arith.constant 0 : i32
    %c0_i32_1 = arith.constant 0 : i32
    return %add3A, %c0_i32 : i32, i32
  }
}

module attributes {stable_mosaic.version = 14 : i64} {
  func.func @_post_body(%arg0: i32, %arg1: memref<1000x256xf32, #tpu.memory_space<vmem>>, %arg2: memref<1000x128xf32, #tpu.memory_space<vmem>>, %arg3: memref<1000x128xf32, #tpu.memory_space<vmem>>, %arg4: memref<1000x16xf32, #tpu.memory_space<vmem>>, %arg5: memref<1000x16xf32, #tpu.memory_space<vmem>>, %arg6: memref<2x128xf32, #tpu.memory_space<vmem>>, %arg7: memref<2x128x256xf32, #tpu.memory_space<vmem>>, %arg8: memref<1x256xf32, #tpu.memory_space<vmem>>, %arg9: memref<1x256xf32, #tpu.memory_space<vmem>>, %arg10: memref<1000x256xf32, #tpu.memory_space<vmem>>) attributes {dimension_semantics = [#tpu.dimension_semantics<arbitrary>], iteration_bounds = array<i64: 10>, scalar_prefetch = 0 : i64, scratch_operands = 0 : i64, tpu.core_type = #tpu.core_type<tc>, window_params = [{transform_indices = @transform_0, window_bounds = array<i64: 1000, 256>}, {transform_indices = @transform_1, window_bounds = array<i64: 1000, 128>}, {transform_indices = @transform_2, window_bounds = array<i64: 1000, 128>}, {transform_indices = @transform_3, window_bounds = array<i64: 1000, 16>}, {transform_indices = @transform_4, window_bounds = array<i64: 1000, 16>}, {pipeline_mode = #tpu.pipeline_mode<synchronous>, transform_indices = @transform_5, window_bounds = array<i64: 2, 128>}, {pipeline_mode = #tpu.pipeline_mode<synchronous>, transform_indices = @transform_6, window_bounds = array<i64: 2, 128, 256>}, {pipeline_mode = #tpu.pipeline_mode<synchronous>, transform_indices = @transform_7, window_bounds = array<i64: 1, 256>}, {pipeline_mode = #tpu.pipeline_mode<synchronous>, transform_indices = @transform_8, window_bounds = array<i64: 1, 256>}, {transform_indices = @transform_9, window_bounds = array<i64: 1000, 256>}]} {
    %get3A = arith.constant 0 : index
    %get3A_0 = arith.constant 0 : index
    %get3A_1 = vector.load %arg4[%get3A, %get3A_0] : memref<1000x16xf32, #tpu.memory_space<vmem>>, vector<1000x16xf32>
    %concatenate3A = tpu.concatenate %get3A_1, %get3A_1, %get3A_1, %get3A_1, %get3A_1, %get3A_1, %get3A_1, %get3A_1 in 1 : vector<1000x16xf32>, vector<1000x16xf32>, vector<1000x16xf32>, vector<1000x16xf32>, vector<1000x16xf32>, vector<1000x16xf32>, vector<1000x16xf32>, vector<1000x16xf32> -> vector<1000x128xf32>
    %get3A_2 = arith.constant 0 : index
    %get3A_3 = arith.constant 0 : index
    %get3A_4 = vector.load %arg5[%get3A_2, %get3A_3] : memref<1000x16xf32, #tpu.memory_space<vmem>>, vector<1000x16xf32>
    %concatenate3A_5 = tpu.concatenate %get3A_4, %get3A_4, %get3A_4, %get3A_4, %get3A_4, %get3A_4, %get3A_4, %get3A_4 in 1 : vector<1000x16xf32>, vector<1000x16xf32>, vector<1000x16xf32>, vector<1000x16xf32>, vector<1000x16xf32>, vector<1000x16xf32>, vector<1000x16xf32>, vector<1000x16xf32> -> vector<1000x128xf32>
    %get3A_6 = arith.constant 0 : index
    %get3A_7 = arith.constant 0 : index
    %get3A_8 = vector.load %arg2[%get3A_6, %get3A_7] : memref<1000x128xf32, #tpu.memory_space<vmem>>, vector<1000x128xf32>
    %add3A = arith.constant 1.000000e-16 : f32
    %add3A_9 = vector.broadcast %add3A : f32 to vector<1000x128xf32>
    %add3A_10 = arith.addf %concatenate3A, %add3A_9 : vector<1000x128xf32>
    %div3A = arith.divf %get3A_8, %add3A_10 : vector<1000x128xf32>
    %get3A_11 = arith.constant 0 : index
    %get3A_12 = arith.constant 0 : index
    %get3A_13 = vector.load %arg6[%get3A_11, %get3A_12] : memref<2x128xf32, #tpu.memory_space<vmem>>, vector<1x128xf32>
    %get3A_14 = vector.shape_cast %get3A_13 : vector<1x128xf32> to vector<128xf32>
    %broadcast_in_dim3A = vector.shape_cast %get3A_14 : vector<128xf32> to vector<1x128xf32>
    %add3A_15 = vector.broadcast %broadcast_in_dim3A : vector<1x128xf32> to vector<1000x128xf32>
    %add3A_16 = arith.addf %div3A, %add3A_15 : vector<1000x128xf32>
    %max3A = arith.constant 0.000000e+00 : f32
    %max3A_17 = vector.broadcast %max3A : f32 to vector<1000x128xf32>
    %max3A_18 = arith.maximumf %add3A_16, %max3A_17 : vector<1000x128xf32>
    %get3A_19 = arith.constant 0 : index
    %get3A_20 = arith.constant 0 : index
    %get3A_21 = vector.load %arg3[%get3A_19, %get3A_20] : memref<1000x128xf32, #tpu.memory_space<vmem>>, vector<1000x128xf32>
    %add3A_22 = arith.constant 1.000000e-16 : f32
    %add3A_23 = vector.broadcast %add3A_22 : f32 to vector<1000x128xf32>
    %add3A_24 = arith.addf %concatenate3A_5, %add3A_23 : vector<1000x128xf32>
    %div3A_25 = arith.divf %get3A_21, %add3A_24 : vector<1000x128xf32>
    %get3A_26 = arith.constant 1 : index
    %get3A_27 = arith.constant 0 : index
    %get3A_28 = vector.load %arg6[%get3A_26, %get3A_27] : memref<2x128xf32, #tpu.memory_space<vmem>>, vector<1x128xf32>
    %get3A_29 = vector.shape_cast %get3A_28 : vector<1x128xf32> to vector<128xf32>
    %broadcast_in_dim3A_30 = vector.shape_cast %get3A_29 : vector<128xf32> to vector<1x128xf32>
    %add3A_31 = vector.broadcast %broadcast_in_dim3A_30 : vector<1x128xf32> to vector<1000x128xf32>
    %add3A_32 = arith.addf %div3A_25, %add3A_31 : vector<1000x128xf32>
    %max3A_33 = arith.constant 0.000000e+00 : f32
    %max3A_34 = vector.broadcast %max3A_33 : f32 to vector<1000x128xf32>
    %max3A_35 = arith.maximumf %add3A_32, %max3A_34 : vector<1000x128xf32>
    %get3A_36 = arith.constant 0 : index
    %get3A_37 = arith.constant 0 : index
    %get3A_38 = arith.constant 0 : index
    %get3A_39 = vector.load %arg7[%get3A_36, %get3A_37, %get3A_38] : memref<2x128x256xf32, #tpu.memory_space<vmem>>, vector<1x128x256xf32>
    %get3A_40 = vector.shape_cast %get3A_39 : vector<1x128x256xf32> to vector<128x256xf32>
    %dot_general3A = arith.constant dense<0.000000e+00> : vector<1000x256xf32>
    %dot_general3A_41 = tpu.matmul %max3A_18, %get3A_40, %dot_general3A {dimension_numbers = #tpu.dot_dimension_numbers<[1], [0], [0], [1], [0, 0, 1, 1], [], []>, transpose_lhs_hint = false} : vector<1000x128xf32>, vector<128x256xf32>, vector<1000x256xf32> -> vector<1000x256xf32>
    %get3A_42 = arith.constant 1 : index
    %get3A_43 = arith.constant 0 : index
    %get3A_44 = arith.constant 0 : index
    %get3A_45 = vector.load %arg7[%get3A_42, %get3A_43, %get3A_44] : memref<2x128x256xf32, #tpu.memory_space<vmem>>, vector<1x128x256xf32>
    %get3A_46 = vector.shape_cast %get3A_45 : vector<1x128x256xf32> to vector<128x256xf32>
    %dot_general3A_47 = arith.constant dense<0.000000e+00> : vector<1000x256xf32>
    %dot_general3A_48 = tpu.matmul %max3A_35, %get3A_46, %dot_general3A_47 {dimension_numbers = #tpu.dot_dimension_numbers<[1], [0], [0], [1], [0, 0, 1, 1], [], []>, transpose_lhs_hint = false} : vector<1000x128xf32>, vector<128x256xf32>, vector<1000x256xf32> -> vector<1000x256xf32>
    %add3A_49 = arith.addf %dot_general3A_41, %dot_general3A_48 : vector<1000x256xf32>
    %get3A_50 = arith.constant 0 : index
    %get3A_51 = arith.constant 0 : index
    %get3A_52 = vector.load %arg1[%get3A_50, %get3A_51] : memref<1000x256xf32, #tpu.memory_space<vmem>>, vector<1000x256xf32>
    %add3A_53 = arith.addf %get3A_52, %add3A_49 : vector<1000x256xf32>
    %reduce_sum3A = arith.constant dense<0.000000e+00> : vector<1000xf32>
    %reduce_sum3A_54 = vector.multi_reduction <add>, %add3A_53, %reduce_sum3A [1] : vector<1000x256xf32> to vector<1000xf32>
    %broadcast_in_dim3A_55 = vector.shape_cast %reduce_sum3A_54 : vector<1000xf32> to vector<1000x1xf32>
    %div3A_56 = arith.constant 2.560000e+02 : f32
    %div3A_57 = vector.broadcast %div3A_56 : f32 to vector<1000x1xf32>
    %div3A_58 = arith.divf %broadcast_in_dim3A_55, %div3A_57 : vector<1000x1xf32>
    %sub3A = vector.broadcast %div3A_58 : vector<1000x1xf32> to vector<1000x256xf32>
    %sub3A_59 = arith.subf %add3A_53, %sub3A : vector<1000x256xf32>
    %integer_pow3A = arith.mulf %sub3A_59, %sub3A_59 : vector<1000x256xf32>
    %reduce_sum3A_60 = arith.constant dense<0.000000e+00> : vector<1000xf32>
    %reduce_sum3A_61 = vector.multi_reduction <add>, %integer_pow3A, %reduce_sum3A_60 [1] : vector<1000x256xf32> to vector<1000xf32>
    %broadcast_in_dim3A_62 = vector.shape_cast %reduce_sum3A_61 : vector<1000xf32> to vector<1000x1xf32>
    %div3A_63 = arith.constant 2.560000e+02 : f32
    %div3A_64 = vector.broadcast %div3A_63 : f32 to vector<1000x1xf32>
    %div3A_65 = arith.divf %broadcast_in_dim3A_62, %div3A_64 : vector<1000x1xf32>
    %sub3A_66 = vector.broadcast %div3A_58 : vector<1000x1xf32> to vector<1000x256xf32>
    %sub3A_67 = arith.subf %add3A_53, %sub3A_66 : vector<1000x256xf32>
    %add3A_68 = arith.constant 9.99999997E-7 : f32
    %add3A_69 = vector.broadcast %add3A_68 : f32 to vector<1000x1xf32>
    %add3A_70 = arith.addf %div3A_65, %add3A_69 : vector<1000x1xf32>
    %rsqrt3A = math.rsqrt %add3A_70 : vector<1000x1xf32>
    %mul3A = vector.broadcast %rsqrt3A : vector<1000x1xf32> to vector<1000x256xf32>
    %mul3A_71 = arith.mulf %sub3A_67, %mul3A : vector<1000x256xf32>
    %get3A_72 = arith.constant 0 : index
    %get3A_73 = arith.constant 0 : index
    %get3A_74 = vector.load %arg8[%get3A_72, %get3A_73] : memref<1x256xf32, #tpu.memory_space<vmem>>, vector<1x256xf32>
    %mul3A_75 = vector.broadcast %get3A_74 : vector<1x256xf32> to vector<1000x256xf32>
    %mul3A_76 = arith.mulf %mul3A_71, %mul3A_75 : vector<1000x256xf32>
    %get3A_77 = arith.constant 0 : index
    %get3A_78 = arith.constant 0 : index
    %get3A_79 = vector.load %arg9[%get3A_77, %get3A_78] : memref<1x256xf32, #tpu.memory_space<vmem>>, vector<1x256xf32>
    %add3A_80 = vector.broadcast %get3A_79 : vector<1x256xf32> to vector<1000x256xf32>
    %add3A_81 = arith.addf %mul3A_76, %add3A_80 : vector<1000x256xf32>
    %swap3A = arith.constant 0 : index
    %swap3A_82 = arith.constant 0 : index
    %swap3A_83 = vector.load %arg10[%swap3A, %swap3A_82] : memref<1000x256xf32, #tpu.memory_space<vmem>>, vector<1000x256xf32>
    tpu.vector_store %arg10[%swap3A, %swap3A_82], %add3A_81 {strides = array<i32>} : memref<1000x256xf32, #tpu.memory_space<vmem>>, vector<1000x256xf32>,
    return
  }
  func.func @transform_0(%arg0: i32) -> (i32, i32) {
    %c0_i32 = arith.constant 0 : i32
    %c0_i32_0 = arith.constant 0 : i32
    return %arg0, %c0_i32 : i32, i32
  }
  func.func @transform_1(%arg0: i32) -> (i32, i32) {
    %c0_i32 = arith.constant 0 : i32
    %c0_i32_0 = arith.constant 0 : i32
    return %arg0, %c0_i32 : i32, i32
  }
  func.func @transform_2(%arg0: i32) -> (i32, i32) {
    %add3A = arith.constant 10 : i32
    %add3A_0 = arith.addi %add3A, %arg0 : i32
    %c0_i32 = arith.constant 0 : i32
    %c0_i32_1 = arith.constant 0 : i32
    return %add3A_0, %c0_i32 : i32, i32
  }
  func.func @transform_3(%arg0: i32) -> (i32, i32) {
    %c0_i32 = arith.constant 0 : i32
    %c0_i32_0 = arith.constant 0 : i32
    return %arg0, %c0_i32 : i32, i32
  }
  func.func @transform_4(%arg0: i32) -> (i32, i32) {
    %add3A = arith.constant 10 : i32
    %add3A_0 = arith.addi %add3A, %arg0 : i32
    %c0_i32 = arith.constant 0 : i32
    %c0_i32_1 = arith.constant 0 : i32
    return %add3A_0, %c0_i32 : i32, i32
  }
  func.func @transform_5(%arg0: i32) -> (i32, i32) {
    %c0_i32 = arith.constant 0 : i32
    %c0_i32_0 = arith.constant 0 : i32
    %c0_i32_1 = arith.constant 0 : i32
    return %c0_i32, %c0_i32_0 : i32, i32
  }
  func.func @transform_6(%arg0: i32) -> (i32, i32, i32) {
    %c0_i32 = arith.constant 0 : i32
    %c0_i32_0 = arith.constant 0 : i32
    %c0_i32_1 = arith.constant 0 : i32
    %c0_i32_2 = arith.constant 0 : i32
    return %c0_i32, %c0_i32_0, %c0_i32_1 : i32, i32, i32
  }
  func.func @transform_7(%arg0: i32) -> (i32, i32) {
    %c0_i32 = arith.constant 0 : i32
    %c0_i32_0 = arith.constant 0 : i32
    %c0_i32_1 = arith.constant 0 : i32
    return %c0_i32, %c0_i32_0 : i32, i32
  }
  func.func @transform_8(%arg0: i32) -> (i32, i32) {
    %c0_i32 = arith.constant 0 : i32
    %c0_i32_0 = arith.constant 0 : i32
    %c0_i32_1 = arith.constant 0 : i32
    return %c0_i32, %c0_i32_0 : i32, i32
  }
  func.func @transform_9(%arg0: i32) -> (i32, i32) {
    %c0_i32 = arith.constant 0 : i32
    %c0_i32_0 = arith.constant 0 : i32
    return %arg0, %c0_i32 : i32, i32
  }
}

</mosaic_0001>

<sc_bundles>
// kernel: kernel.5.cloned.1.call-start
scs
__scs_entry_jumppad:
0x0: {  	(pc) =	sbr.rel $0x88, $3  }
0x1: {  	(tag) =	ssettag $0x0;
	lr =	simm.s32 $0x1  }
0x2: {  	[smem:$0x3F99] =	sst lr;
	_ =	strace $0xD0000000  }
0x3: {  	_ = 	snop  }
0x4: {  	_ = 	snop  }
0x5: {  	_ = 	snop  }
0x6: {  	_ = 	snop  }
0x7: {  	_ = 	snop  }
__scs_overlays_trampoline_lowered:
0x8: {  	[smem:$0x3FA8] =	sst s0  }
0x9: {  	[smem:$0x3FA9] =	sst s1  }
0xa: {  	[smem:$0x3FAA] =	sst s2  }
0xb: {  	[smem:$0x3FAB] =	sst s3  }
0xc: {  	[smem:$0x3FAC] =	sst s4  }
0xd: {  	[smem:$0x3FAD] =	sst s5  }
0xe: {  	[smem:$0x3FAE] =	sst s6  }
0xf: {  	[smem:$0x3FAF] =	sst s7  }
0x10: {  	[smem:$0x3FB0] =	sst s8  }
0x11: {  	[smem:$0x3FB1] =	sst s9;
	s0 =	simm.s32 @!p0 $0x0  }
0x12: {  	s1 =	sld [smem:$0x3F97];
	s0 =	simm.s32 @p0 $0x1  }
0x13: {  	[smem:$0x3FB2] =	sst s0;
	s0 =	simm.s32 @!p1 $0x0  }
0x14: {  	s2 =	sld [smem:$0x3F96];
	s0 =	simm.s32 @p1 $0x1  }
0x15: {  	[smem:$0x3FB3] =	sst s0;
	s0 =	simm.s32 @!p2 $0x0  }
0x16: {  	s3 =	sld [smem:$0x3FDB];
	s0 =	simm.s32 @p2 $0x1  }
0x17: {  	s4 =	simm.s32 $0x1BF5;
	[smem:$0x3FB5] =	sst s0  }
0x18: {  	s0 =	sld [smem:$0x3F98];
	_ =	swait.ge [sflag:s4], $0x0  }
0x19: {  	s7 =	sld [smem:$0x3F99]  }
0x1a: {  	s8 =	sadd.s32 $0xFFFFE003, lr  }
0x1b: {  	s9 =	sadd.s32 $0xFFFFFEF7, lr;
	s5 =	simm.s32 $0xFFFFFFFF;
	p2 =	slt.u32 s8, $0xFFFFF086  }
0x1c: {  	p1 =	slt.u32 s9, $0xF7A;
	s5 =	simm.s32 @!p2 $0x0  }
0x1d: {  	s5 =	simm.s32 @p1 $0x1;
	p0 =	seq.s32 s7, s2  }
0x1e: {  	s7 =	smul.u32 @!p0 $0xF7A, s2;
	p2 =	seq.s32 @!p0 s5, $0x0  }
0x1f: {  	s9 =	smul.u32 $0xF7A, s1;
	s8 =	simm.s32 @!p0 $0x1BF5;
	p2 =	por !p2, p0  }
0x20: {  	[sflag:s8] =	ssyncset.s32 @!p0 $0xFFFFF086;
	s6 =	sadd.s32 @!p0 s3, s7;
	s7 =	simm.s32 @!p0 $0x108  }
0x21: {  	s3 =	sadd.s32 s3, s9;
	s6 =	sadd.s32 @!p0 $0x88, s6;
	s7 =	simm.s32 @p2 $0x1082  }
0x22: {  	[simem:s7], [sflag:s8] =	dma.local @!p0 [hbm:s6], $0xF7A  }
0x23: {  	s9 =	sor.u32 $0xD0000000, s2;
	s6 =	simm.s32 $0x108;
	_ =	swait.ge @!p0 [sflag:s8], $0x0  }
0x24: {  	s3 =	sadd.s32 $0x88, s3;
	s6 =	simm.s32 @!p1 $0x1082;
	[sflag:s4] =	ssyncset.s32 $0xFFFFF086  }
0x25: {  	[simem:s6], [sflag:s4] =	dma.local [hbm:s3], $0xF7A  }
0x26: {  	[smem:$0x3F99] =	sst s1;
	(tag) =	ssettag s2;
	_ =	strace s9  }
0x27: {  	s1 =	sld [smem:$0x3FA9]  }
0x28: {  	s2 =	sld [smem:$0x3FAA]  }
0x29: {  	s4 =	sld [smem:$0x3FAC]  }
0x2a: {  	p0 =	seq.s32 s5, $0x0;
	s5 =	sld [smem:$0x3FAD]  }
0x2b: {  	s6 =	sld [smem:$0x3FAE]  }
0x2c: {  	s7 =	sld [smem:$0x3FAF]  }
0x2d: {  	s3 =	simm.s32 $0x108;
	s8 =	sld [smem:$0x3FB0]  }
0x2e: {  	s3 =	simm.s32 @!p0 $0x1082;
	s9 =	sld [smem:$0x3FB1]  }
0x2f: {  	lr =	sadd.s32 s0, s3;
	s0 =	sld [smem:$0x3FA8]  }
0x30: {  	s3 =	sld [smem:$0x3FAB]  }
0x31: {  	[smem:$0x3FB4] =	sst s10  }
0x32: {  	s10 =	sld [smem:$0x3FB2];
	_ =	sdelay $0x3  }
0x33: {  	p0 =	seq.s32 s10, $0x1;
	s10 =	sld [smem:$0x3FB4];
	_ =	sdelay $0x3  }
0x34: {  	[smem:$0x3FB4] =	sst s10  }
0x35: {  	s10 =	sld [smem:$0x3FB3];
	_ =	sdelay $0x3  }
0x36: {  	p1 =	seq.s32 s10, $0x1;
	s10 =	sld [smem:$0x3FB4];
	_ =	sdelay $0x3  }
0x37: {  	[smem:$0x3FB4] =	sst s10  }
0x38: {  	s10 =	sld [smem:$0x3FB5]  }
0x39: {  	_ = 	snop;
	(pc) =	sbr.ind lr, $3  }
0x3a: {  	_ = 	snop  }
0x3b: {  	_ = 	snop  }
0x3c: {  	p2 =	seq.s32 s10, $0x1;
	s10 =	sld [smem:$0x3FB4]  }
0x3d: {  	_ =	shalt  }
0x3e: {  	_ =	shalt  }
0x3f: {  	_ =	shalt  }
0x40: {  	_ =	shalt  }
0x41: {  	_ =	shalt  }
0x42: {  	_ =	shalt  }
0x43: {  	_ =	shalt  }
0x44: {  	_ =	shalt  }
0x45: {  	_ =	shalt  }
0x46: {  	_ =	shalt  }
0x47: {  	_ =	shalt  }
0x48: {  	_ =	shalt  }
0x49: {  	_ =	shalt  }
0x4a: {  	_ =	shalt  }
0x4b: {  	_ =	shalt  }
0x4c: {  	_ =	shalt  }
0x4d: {  	_ =	shalt  }
0x4e: {  	_ =	shalt  }
0x4f: {  	_ =	shalt  }
0x50: {  	_ =	shalt  }
0x51: {  	_ =	shalt  }
0x52: {  	_ =	shalt  }
0x53: {  	_ =	shalt  }
0x54: {  	_ =	shalt  }
0x55: {  	_ =	shalt  }
0x56: {  	_ =	shalt  }
0x57: {  	_ =	shalt  }
0x58: {  	_ =	shalt  }
0x59: {  	_ =	shalt  }
0x5a: {  	_ =	shalt  }
0x5b: {  	_ =	shalt  }
0x5c: {  	_ =	shalt  }
0x5d: {  	_ =	shalt  }
0x5e: {  	_ =	shalt  }
0x5f: {  	_ =	shalt  }
0x60: {  	_ =	shalt  }
0x61: {  	_ =	shalt  }
0x62: {  	_ =	shalt  }
0x63: {  	_ =	shalt  }
0x64: {  	_ =	shalt  }
0x65: {  	_ =	shalt  }
0x66: {  	_ =	shalt  }
0x67: {  	_ =	shalt  }
0x68: {  	_ =	shalt  }
0x69: {  	_ =	shalt  }
0x6a: {  	_ =	shalt  }
0x6b: {  	_ =	shalt  }
0x6c: {  	_ =	shalt  }
0x6d: {  	_ =	shalt  }
0x6e: {  	_ =	shalt  }
0x6f: {  	_ =	shalt  }
0x70: {  	_ =	shalt  }
0x71: {  	_ =	shalt  }
0x72: {  	_ =	shalt  }
0x73: {  	_ =	shalt  }
0x74: {  	_ =	shalt  }
0x75: {  	_ =	shalt  }
0x76: {  	_ =	shalt  }
0x77: {  	_ =	shalt  }
0x78: {  	_ =	shalt  }
0x79: {  	_ =	shalt  }
0x7a: {  	_ =	shalt  }
0x7b: {  	_ =	shalt  }
0x7c: {  	_ =	shalt  }
0x7d: {  	_ =	shalt  }
0x7e: {  	_ =	shalt  }
0x7f: {  	_ =	shalt  }
0x80: {  	_ =	shalt  }
0x81: {  	_ =	shalt  }
0x82: {  	_ =	shalt  }
0x83: {  	_ =	shalt  }
0x84: {  	_ =	shalt  }
0x85: {  	_ =	shalt  }
0x86: {  	_ =	shalt  }
0x87: {  	_ =	shalt  }
.Lfunc_end0:
.L_simem_size_0:
called_computation_lowered:
.L_overlay_start_0:
0x88: {  	s2 =	sld [smem:$0x3FD9]  }
0x89: {  	s3 =	sld [smem:$0x3FFE];
	_ =	sdelay $0x1  }
0x8a: {  	s1 =	srdreg.scid  }
0x8b: {  	s0 =	sand.u32 $0x1, s1  }
0x8c: {  	s17 =	sshll.u32 s0, $0xA;
	s2 =	sadd.s32 s3, s2  }
0x8d: {  	s2 =	sadd.s32 s2, s17  }
0x8e: {  	[smem:$0x3FC0] =	sst s2  }
0x8f: {  	_ = 	snop  }
0x90: {  	s2 =	sld [smem:$0x3FD0];
	(tm) =	ssettm $0x1  }
0x91: {  	s18 =	sld [smem:$0x3FFB];
	_ =	sdelay $0x3  }
0x92: {  	_ =	strace s18  }
0x93: {  	s3 =	sld [smem:$0x3FFC];
	_ =	sdelay $0x3  }
0x94: {  	_ =	strace s3  }
0x95: {  	s3 =	sld [smem:$0x3FFD];
	_ =	sdelay $0x3  }
0x96: {  	_ =	strace s3  }
0x97: {  	_ =	strace $0x8FFFFFFF  }
0x98: {  	s19 =	sld [smem:$0x3FDB];
	_ =	sdelay $0x1  }
0x99: {  	s4 =	simm.s32 $_scs_section_size  }
0x9a: {  	s5 =	simm.s32 $_size__tile_overlayer_lowered;
	s6 =	simm.s32 $_tile_overlayer_lowered  }
0x9b: {  	s22 =	simm.s32 $0x1BFF;
	s21 =	sshll.u32 s6, $0x1;
	s3 =	sadd.s32 s4, s19  }
0x9c: {  	s7 =	simm.s32 $0x0;
	s20 =	sshll.u32 s5, $0x1;
	s5 =	sadd.s32 s21, s3  }
0x9d: {  	[timem:s7], [sflag:s22] =	dma.local [hbm:s5], s20  }
0x9e: {  	_ =	swait.ge [sflag:s22], s20  }
0x9f: {  	s4 =	ssub.s32 $0x0, s20;
	[sflag:s22] =	ssyncset.done $0x0  }
0xa0: {  	[sflag:s22] =	ssyncadd.s32 s4;
	_ =	sdelay $0x1  }
0xa1: {  	s23 =	simm.s32 $0x1B8B  }
0xa2: {  	_ =	swait.ge [sflag:s23], $0x1  }
0xa3: {  	[sflag:s23] =	ssyncset.done $0x0  }
0xa4: {  	s25 =	simm.s32 $0x1B8E;
	s24 =	sld [smem:$0x3FFE];
	[sflag:s23] =	ssyncadd.s32 $0xFFFFFFFF  }
0xa5: {  	s26 =	simm.s32 $execute0_lowered;
	[smem:$0x3FD2] =	sst s25  }
0xa6: {  	s5 =	sshll.u32 s26, $0x1;
	_ =	strace $0x80000046;
	[dreg:$0x1] =	wrdreg $0xFFFFFFFF  }
0xa7: {  	s28 =	simm.s32 $_size_execute0_lowered;
	s3 =	sadd.s32 s3, s5;
	[dreg:$0x0] =	wrdreg $0x0  }
0xa8: {  	s5 =	sshll.u32 s28, $0x1;
	[dreg:$0x2] =	wrdreg s3  }
0xa9: {  	[dreg:$0x3] =	wrdreg s5  }
0xaa: {  	[dreg:$0x4] =	wrdreg $0xC0  }
0xab: {  	_ =	task [dreg:s7], $0x5FFFF  }
0xac: {  	[dreg:$0x1] =	wrdreg $0xFFFFFFFF  }
0xad: {  	[dreg:$0x0] =	wrdreg $0x60  }
0xae: {  	[dreg:$0x2] =	wrdreg s24  }
0xaf: {  	[dreg:$0x3] =	wrdreg s2  }
0xb0: {  	[dreg:$0x4] =	wrdreg $0x71200  }
0xb1: {  	[dreg:$0x5] =	wrdreg $0x1AA200  }
0xb2: {  	[dreg:$0x6] =	wrdreg $0x9  }
0xb3: {  	_ =	task.clear_ibuf [dreg:s7], $0x7FFFF;
	_ =	strace $0x90000046  }
0xb4: {  	s29 =	simm.s32 $0x9;
	_ =	strace $0x80000048  }
0xb5: {  	_ =	swait.ge [sflag:s29], $0x1  }
0xb6: {  	[sflag:s29] =	ssyncadd.s32 $0xFFFFFFFF  }
0xb7: {  	_ =	strace $0x90000048  }
0xb8: {  	_ =	sfence  }
0xb9: {  	s30 =	sld [smem:$0x0];
	_ =	sdelay $0x2  }
0xba: {  	s31 =	sshll.u32 s1, $0xD;
	s1 =	sshrl.u32 s1, $0x2  }
0xbb: {  	s3 =	sand.u32 $0x4000, s31;
	s1 =	sadd.s32 s1, s30  }
0xbc: {  	s0 =	sor.u32 s3, s0;
	s1 =	sshll.u32 s1, $0x11  }
0xbd: {  	s0 =	sor.u32 s1, s0  }
0xbe: {  	s0 =	sadd.s32 $0x8F2B, s0  }
0xbf: {  	[sflag:s0] =	ssyncadd.remote.s32 $0x1  }
0xc0: {  	_ =	sfence.sel $0xFFFF  }
0xc1: {  	[dreg:$0x0] =	wrdreg $0xFFFFFFFF;
	(pc) =	sbr.abs _section_cstart, $3  }
0xc2: {  	[dreg:$0x1] =	wrdreg $0xFFFFFFFF  }
0xc3: {  	_ =	task.clear_ibuf [dreg:s7], $0x2FFFF;
	_ =	strace $0x9FFFFFFF  }
0xc4: {  	(tm) =	ssettm $0x7FFFFFFF  }
0xc5: {  	_ =	shalt  }
tec
execute0_lowered:
.L_overlay_start_1:
0x0: {  	(tag) =	ssettag $0x1  }
0x1: {  	s0 =	rddreg [dreg:$0x0]  }
0x2: {  	s2 =	rddreg [dreg:$0x1]  }
0x3: {  	s31 =	rddreg [dreg:$0x2]  }
0x4: {  	s14 =	rddreg [dreg:$0x3];
	s3 =	simm.s32 $0x0  }
0x5: {  	s1 =	srdreg.scid;
	s15 =	stileid.u32;
	s28 =	simm.s32 $0x7  }
0x6: {  	s29 =	simm.s32 $0x2;
	s30 =	simm.s32 $0x4;
	[smem:$0x7FF] =	sst s3  }
0x7: {  	s20 =	sand.u32 $0x1, s1;
	s4 =	smul.u32 $0x272, s15;
	s5 =	sadd.s32 $0x1A00, s0  }
0x8: {  	s6 =	sadd.s32 $0x59A00, s0;
	s7 =	sadd.s32 $0x4FC00, s0;
	s11 =	smul.u32 $0x4E400, s15  }
0x9: {  	s8 =	sadd.s32 $0x68800, s0;
	s13 =	smul.u32 $0x9C80, s15;
	s9 =	sadd.s32 $0x63800, s0  }
0xa: {  	p0 =	seq.s32 s15, $0xF;
	s1 =	smul.u32 $0x2710, s20;
	s3 =	ssub.s32 $0x2, s20  }
0xb: {  	_ =	strace $0x80000047;
	s21 =	sshrl.u32 s3, $0x1;
	s11 =	sshrl.u32 s11, $0x2  }
0xc: {  	s22 =	sshrl.u32 s13, $0x2;
	s24 =	sadd.s32 $0x50, s4;
	s26 =	sadd.s32 $0xA0, s4  }
0xd: {  	s18 =	sadd.s32 $0xF0, s4;
	s20 =	sadd.s32 $0x140, s4;
	s10 =	sadd.s32 s4, s1  }
0xe: {  	s3 =	ssub.s32 s3, s21;
	s16 =	sadd.s32 s11, s31;
	s23 =	sadd.s32 s22, s14  }
0xf: {  	s25 =	sshll.u32 s24, $0x7;
	s11 =	sshll.u32 s24, $0x4;
	s17 =	sshll.u32 s26, $0x4  }
0x10: {  	s19 =	sshll.u32 s18, $0x7;
	s21 =	sshll.u32 s18, $0x4;
	s22 =	sshll.u32 s20, $0x7  }
0x11: {  	s24 =	sshll.u32 s20, $0x4;
	s18 =	sadd.s32 $0x230, s4;
	[dreg:$0x6] =	wrdreg s23  }
0x12: {  	s12 =	sshll.u32 s10, $0x1;
	s11 =	sadd.s32 s11, s14;
	[dreg:$0x5] =	wrdreg s16  }
0x13: {  	s23 =	sadd.s32 s22, s31;
	s10 =	sshll.u32 s10, $0x4;
	[dreg:$0x8] =	wrdreg s11  }
0x14: {  	s0 =	sadd.s32 s12, s0;
	s12 =	sadd.s32 s25, s31;
	[dreg:$0xd] =	wrdreg s23  }
0x15: {  	s2 =	sadd.s32 s2, s10;
	s25 =	sadd.s32 $0x190, s4;
	[dreg:$0x7] =	wrdreg s12  }
0x16: {  	s12 =	sshll.u32 s26, $0x7;
	[dreg:$0xe] =	wrdreg s2;
	s26 =	sadd.s32 s24, s14  }
0x17: {  	s2 =	sshll.u32 s25, $0x4;
	s0 =	sadd.s32 $0x6D800, s0;
	[dreg:$0xf] =	wrdreg s26  }
0x18: {  	s11 =	sadd.s32 s12, s31;
	s2 =	sadd.s32 s2, s14;
	[dreg:$0x1c] =	wrdreg s0  }
0x19: {  	s12 =	sadd.s32 $0x1E0, s4;
	s4 =	sshll.u32 s18, $0x7;
	[dreg:$0x9] =	wrdreg s11  }
0x1a: {  	s26 =	smax.u32 s3, $0x1;
	s3 =	simm.s32 $0x4920;
	[dreg:$0x11] =	wrdreg s2  }
0x1b: {  	s11 =	sadd.s32 s17, s14;
	s13 =	sshll.u32 s12, $0x7;
	[dreg:$0x1d] =	wrdreg s26  }
0x1c: {  	s2 =	sshll.u32 s12, $0x4;
	s4 =	sadd.s32 s4, s31;
	[dreg:$0xa] =	wrdreg s11  }
0x1d: {  	s17 =	smul.u32 $0x2710, s15;
	s11 =	sadd.s32 s19, s31;
	[dreg:$0x14] =	wrdreg s4  }
0x1e: {  	s26 =	simm.s32 $0x5;
	s2 =	sadd.s32 s2, s14;
	[dreg:$0xb] =	wrdreg s11  }
0x1f: {  	s12 =	simm.s32 $0x8;
	s11 =	sadd.s32 s21, s14;
	[dreg:$0x13] =	wrdreg s2  }
0x20: {  	s2 =	sshll.u32 s18, $0x4;
	s19 =	sshrl.u32 s17, $0x3;
	s24 =	sadd.s32 $0xA0, s17  }
0x21: {  	s18 =	simm.s32 $0x1;
	[dreg:$0xc] =	wrdreg s11;
	s11 =	sshll.u32 s25, $0x7  }
0x22: {  	s2 =	sadd.s32 s2, s14;
	s20 =	sadd.s32 $0xA, s19;
	s21 =	sadd.s32 s8, s19  }
0x23: {  	s22 =	sadd.s32 s9, s19;
	[dreg:$0x1a] =	wrdreg s24;
	s25 =	sadd.s32 $0xF0, s17  }
0x24: {  	s14 =	simm.s32 $0x2120;
	s19 =	simm.s32 $0x6;
	[dreg:$0x15] =	wrdreg s2  }
0x25: {  	s17 =	simm.s32 $0xB;
	s24 =	simm.s32 $0x2D0;
	[dreg:$0x16] =	wrdreg s21  }
0x26: {  	s10 =	sadd.s32 s11, s31;
	[dreg:$0x17] =	wrdreg s22;
	s23 =	sadd.s32 s8, s20  }
0x27: {  	s2 =	sadd.s32 s9, s20;
	[dreg:$0x1b] =	wrdreg s25;
	s20 =	simm.s32 $0x3  }
0x28: {  	s21 =	simm.s32 $0x50;
	s22 =	simm.s32 $0x140;
	[dreg:$0x10] =	wrdreg s10  }
0x29: {  	s11 =	simm.s32 $0x280;
	s25 =	simm.s32 $0xA;
	[dreg:$0x18] =	wrdreg s23  }
0x2a: {  	s10 =	sadd.s32 s13, s31;
	[dreg:$0x19] =	wrdreg s2;
	s13 =	simm.s32 $0x9  }
0x2b: {  	v1 =	vimm.f32 $0.0e+00;
	v0 =	vmov s1;
	s23 =	simm.s32 $0xD;
	s2 =	simm.s32 $0x0;
	[dreg:$0x12] =	wrdreg s10  }
.LBB2_1:
0x2c: {  	s0 =	simm.s32 $0x2160  }
0x2d: {  	[tilespmem:s0+$0xFFFFFFD0] =	vst v1  }
0x2e: {  	[tilespmem:s0+$0xFFFFFFE0] =	vst v1  }
0x2f: {  	[tilespmem:s0+$0xFFFFFFF0] =	vst v1  }
0x30: {  	[tilespmem:s0+$0x0] =	vst v1  }
0x31: {  	[tilespmem:s0+$0x10] =	vst v1  }
0x32: {  	[tilespmem:s0+$0x20] =	vst v1  }
0x33: {  	[tilespmem:s0+$0x30] =	vst v1  }
0x34: {  	[dreg:$0x1e] =	wrdreg s2;
	s2 =	simm.s32 $0x0;
	s1 =	simm.s32 $0x40;
	[tilespmem:s0+$0xFFFFFFC0] =	vst v1  }
.LBB2_2:
0x35: {  	p1 =	sne.s32 s1, $0x13C0;
	[tilespmem:s2+$0x1720] =	vst v1;
	s0 =	sadd.s32 $0x80, s0  }
0x36: {  	[tilespmem:s0+$0xFFFFFFD0] =	vst v1  }
0x37: {  	[tilespmem:s0+$0xFFFFFFE0] =	vst v1  }
0x38: {  	[tilespmem:s0+$0xFFFFFFF0] =	vst v1  }
.Ltmp0:
0x39: {  	[tilespmem:s0+$0x0] =	vst v1;
	(pc) =	sbr.rel @p1 .LBB2_2-.Ltmp0, $4  }
0x3a: {  	[tilespmem:s0+$0x10] =	vst v1  }
0x3b: {  	[tilespmem:s0+$0x20] =	vst v1  }
0x3c: {  	[tilespmem:s0+$0x30] =	vst v1  }
0x3d: {  	s2 =	sshra.s32 s1, $0x2;
	s1 =	sadd.s32 $0x40, s1;
	[tilespmem:s0+$0xFFFFFFC0] =	vst v1  }
0x3e: {  	[tilespmem:s2+$0x1720] =	vst v1;
	s1 =	simm.s32 $0xF  }
0x3f: {  	[spmem:s16] =	stream.linear.scatter [tilespmem:s14], [sflag:$0xF], $0x2800, $0x38;
	[tilespmem:$0x1D140] =	vst v63  }
0x40: {  	_ =	swait.ge [sflag:s1], $0x2800  }
0x41: {  	[sflag:s1] =	ssyncset.done $0x0  }
0x42: {  	s2 =	simm.s32 $0x1720;
	s0 =	rddreg [dreg:$0x6];
	[sflag:s1] =	ssyncadd.s32 $0xFFFFD800  }
0x43: {  	[spmem:s0] =	stream.linear.scatter [tilespmem:s2], [sflag:$0xF], $0x500, $0x38;
	[tilespmem:$0x1D140] =	vst v63  }
0x44: {  	_ =	swait.ge [sflag:s1], $0x500  }
0x45: {  	[sflag:s1] =	ssyncset.done $0x0  }
0x46: {  	s15 =	rddreg [dreg:$0x7];
	[sflag:s1] =	ssyncadd.s32 $0xFFFFFB00  }
0x47: {  	[spmem:s15] =	stream.linear.scatter [tilespmem:s14], [sflag:$0xF], $0x2800, $0x38;
	[tilespmem:$0x1D140] =	vst v63  }
0x48: {  	_ =	swait.ge [sflag:s1], $0x2800  }
0x49: {  	[sflag:s1] =	ssyncset.done $0x0  }
0x4a: {  	s16 =	rddreg [dreg:$0x8];
	[sflag:s1] =	ssyncadd.s32 $0xFFFFD800  }
0x4b: {  	[spmem:s16] =	stream.linear.scatter [tilespmem:s2], [sflag:$0xF], $0x500, $0x38;
	[tilespmem:$0x1D140] =	vst v63  }
0x4c: {  	_ =	swait.ge [sflag:s1], $0x500  }
0x4d: {  	[sflag:s1] =	ssyncset.done $0x0  }
0x4e: {  	s4 =	rddreg [dreg:$0x9];
	[sflag:s1] =	ssyncadd.s32 $0xFFFFFB00  }
0x4f: {  	[spmem:s4] =	stream.linear.scatter [tilespmem:s14], [sflag:$0xF], $0x2800, $0x38;
	[tilespmem:$0x1D140] =	vst v63  }
0x50: {  	_ =	swait.ge [sflag:s1], $0x2800  }
0x51: {  	[sflag:s1] =	ssyncset.done $0x0  }
0x52: {  	s10 =	rddreg [dreg:$0xa];
	[sflag:s1] =	ssyncadd.s32 $0xFFFFD800  }
0x53: {  	[spmem:s10] =	stream.linear.scatter [tilespmem:s2], [sflag:$0xF], $0x500, $0x38;
	[tilespmem:$0x1D140] =	vst v63  }
0x54: {  	_ =	swait.ge [sflag:s1], $0x500  }
0x55: {  	[sflag:s1] =	ssyncset.done $0x0  }
0x56: {  	s15 =	rddreg [dreg:$0xb];
	[sflag:s1] =	ssyncadd.s32 $0xFFFFFB00  }
0x57: {  	[spmem:s15] =	stream.linear.scatter [tilespmem:s14], [sflag:$0xF], $0x2800, $0x38;
	[tilespmem:$0x1D140] =	vst v63  }
0x58: {  	_ =	swait.ge [sflag:s1], $0x2800  }
0x59: {  	[sflag:s1] =	ssyncset.done $0x0  }
0x5a: {  	s16 =	rddreg [dreg:$0xc];
	[sflag:s1] =	ssyncadd.s32 $0xFFFFD800  }
0x5b: {  	[spmem:s16] =	stream.linear.scatter [tilespmem:s2], [sflag:$0xF], $0x500, $0x38;
	[tilespmem:$0x1D140] =	vst v63  }
0x5c: {  	_ =	swait.ge [sflag:s1], $0x500  }
0x5d: {  	[sflag:s1] =	ssyncset.done $0x0  }
0x5e: {  	s4 =	rddreg [dreg:$0xd];
	[sflag:s1] =	ssyncadd.s32 $0xFFFFFB00  }
0x5f: {  	[spmem:s4] =	stream.linear.scatter [tilespmem:s14], [sflag:$0xF], $0x2800, $0x38;
	[tilespmem:$0x1D140] =	vst v63  }
0x60: {  	_ =	swait.ge [sflag:s1], $0x2800  }
0x61: {  	[sflag:s1] =	ssyncset.done $0x0  }
0x62: {  	s10 =	rddreg [dreg:$0xf];
	[sflag:s1] =	ssyncadd.s32 $0xFFFFD800  }
0x63: {  	[spmem:s10] =	stream.linear.scatter [tilespmem:s2], [sflag:$0xF], $0x500, $0x38;
	[tilespmem:$0x1D140] =	vst v63  }
0x64: {  	_ =	swait.ge [sflag:s1], $0x500  }
0x65: {  	[sflag:s1] =	ssyncset.done $0x0  }
0x66: {  	s15 =	rddreg [dreg:$0x10];
	[sflag:s1] =	ssyncadd.s32 $0xFFFFFB00  }
0x67: {  	[spmem:s15] =	stream.linear.scatter [tilespmem:s14], [sflag:$0xF], $0x2800, $0x38;
	[tilespmem:$0x1D140] =	vst v63  }
0x68: {  	_ =	swait.ge [sflag:s1], $0x2800  }
0x69: {  	[sflag:s1] =	ssyncset.done $0x0  }
0x6a: {  	s16 =	rddreg [dreg:$0x11];
	[sflag:s1] =	ssyncadd.s32 $0xFFFFD800  }
0x6b: {  	[spmem:s16] =	stream.linear.scatter [tilespmem:s2], [sflag:$0xF], $0x500, $0x38;
	[tilespmem:$0x1D140] =	vst v63  }
0x6c: {  	_ =	swait.ge [sflag:s1], $0x500  }
0x6d: {  	[sflag:s1] =	ssyncset.done $0x0  }
0x6e: {  	s4 =	rddreg [dreg:$0x12];
	[sflag:s1] =	ssyncadd.s32 $0xFFFFFB00  }
0x6f: {  	[spmem:s4] =	stream.linear.scatter [tilespmem:s14], [sflag:$0xF], $0x2800, $0x38;
	[tilespmem:$0x1D140] =	vst v63  }
0x70: {  	_ =	swait.ge [sflag:s1], $0x2800  }
0x71: {  	[sflag:s1] =	ssyncset.done $0x0  }
0x72: {  	s10 =	rddreg [dreg:$0x13];
	[sflag:s1] =	ssyncadd.s32 $0xFFFFD800  }
0x73: {  	[spmem:s10] =	stream.linear.scatter [tilespmem:s2], [sflag:$0xF], $0x500, $0x38;
	[tilespmem:$0x1D140] =	vst v63  }
0x74: {  	_ =	swait.ge [sflag:s1], $0x500  }
0x75: {  	[sflag:s1] =	ssyncset.done $0x0  }
0x76: {  	s15 =	rddreg [dreg:$0x14];
	[sflag:s1] =	ssyncadd.s32 $0xFFFFFB00  }
0x77: {  	[spmem:s15] =	stream.linear.scatter [tilespmem:s14], [sflag:$0xF], $0x2100, $0x38;
	[tilespmem:$0x1D140] =	vst v63  }
0x78: {  	_ =	swait.ge [sflag:s1], $0x2100  }
0x79: {  	[sflag:s1] =	ssyncset.done $0x0  }
0x7a: {  	s16 =	rddreg [dreg:$0x15];
	[sflag:s1] =	ssyncadd.s32 $0xFFFFDF00  }
0x7b: {  	[spmem:s16] =	stream.linear.scatter [tilespmem:s2], [sflag:$0xF], $0x420, $0x38;
	[tilespmem:$0x1D140] =	vst v63  }
0x7c: {  	_ =	swait.ge [sflag:s1], $0x420  }
0x7d: {  	[sflag:s1] =	ssyncset.done $0x0  }
0x7e: {  	[sflag:s1] =	ssyncadd.s32 $0xFFFFFBE0  }
0x7f: {  	[bflag:$0x0] =	sbarrier.arrive $0xFFFF  }
0x80: {  	s16 =	simm.s32 $0x0;
	s2 =	rddreg [dreg:$0x16]  }
0x81: {  	[tilespmem:s16], [sflag:$0x1] =	stream.linear.gather [hbm4b:s2+s16], $0x50, $0x38;
	[tilespmem:$0x1D140] =	vst v63  }
0x82: {  	s10 =	simm.s32 $0xA0;
	s4 =	rddreg [dreg:$0x17]  }
0x83: {  	[tilespmem:s10], [sflag:$0x3] =	stream.linear.gather [hbm4b:s4+s16], $0x50, $0x38;
	[tilespmem:$0x1D140] =	vst v63  }
0x84: {  	_ =	swait.ge [sflag:s18], $0x50  }
0x85: {  	[sflag:s18] =	ssyncset.done $0x0  }
0x86: {  	[sflag:s18] =	ssyncadd.s32 $0xFFFFFFB0  }
0x87: {  	_ =	swait.ge [sflag:s20], $0x50  }
0x88: {  	[sflag:s20] =	ssyncset.done $0x0  }
0x89: {  	[sflag:s20] =	ssyncadd.s32 $0xFFFFFFB0  }
0x8a: {  	v2 =	vld [tilespmem:$0x0]  }
0x8b: {  	v3 =	vld [tilespmem:$0xA0];
	_ =	sdelay $0x1  }
0x8c: {  	v4 =	vld [tilespmem:$0x10]  }
0x8d: {  	v5 =	vld [tilespmem:$0xB0];
	_ =	sdelay $0x1  }
0x8e: {  	v6 =	vld [tilespmem:$0x20];
	v2 =	vadd.s32 v0, v2;
	vm0 =	vlt.s32 v3, $0x270F  }
0x8f: {  	v7 =	vld [tilespmem:$0xC0];
	[tilespmem:$0x140] =	vst v2;
	v2 =	vnsel vm0, $0x270F, v3  }
0x90: {  	[tilespmem:$0x280] =	vst v3;
	v2 =	vadd.s32 v0, v2  }
0x91: {  	v61 =	vld [tilespmem:$0xD0];
	vm12 =	vlt.s32 v5, $0x270F;
	[tilespmem:$0x1E0] =	vst v2;
	v2 =	vadd.s32 v0, v4  }
0x92: {  	v3 =	vld [tilespmem:$0x30];
	[tilespmem:$0x150] =	vst v2;
	v2 =	vnsel vm12, $0x270F, v5  }
0x93: {  	[tilespmem:$0x290] =	vst v5;
	v2 =	vadd.s32 v0, v2  }
0x94: {  	v62 =	vld [tilespmem:$0x40];
	vm13 =	vlt.s32 v7, $0x270F;
	[tilespmem:$0x1F0] =	vst v2;
	v2 =	vadd.s32 v0, v6  }
0x95: {  	v63 =	vld [tilespmem:$0xE0];
	[tilespmem:$0x160] =	vst v2;
	v2 =	vnsel vm13, $0x270F, v7  }
0x96: {  	[tilespmem:$0x2A0] =	vst v7;
	v2 =	vadd.s32 v0, v2  }
0x97: {  	vm14 =	vlt.s32 v61, $0x270F;
	[tilespmem:$0x200] =	vst v2;
	v2 =	vadd.s32 v0, v3  }
0x98: {  	[tilespmem:$0x170] =	vst v2;
	v2 =	vnsel vm14, $0x270F, v61  }
0x99: {  	[tilespmem:$0x2B0] =	vst v61;
	v2 =	vadd.s32 v0, v2  }
0x9a: {  	vm15 =	vlt.s32 v63, $0x270F;
	[tilespmem:$0x210] =	vst v2;
	v2 =	vadd.s32 v0, v62  }
0x9b: {  	[tilespmem:$0x180] =	vst v2;
	v2 =	vnsel vm15, $0x270F, v63  }
0x9c: {  	[tilespmem:$0x2C0] =	vst v63;
	v2 =	vadd.s32 v0, v2  }
0x9d: {  	s15 =	simm.s32 $0x320;
	[tilespmem:$0x220] =	vst v2  }
0x9e: {  	[tilespmem:s15], [sflag:$0x5] =	stream.indirect.gather [hbm4b:s6+s21], $0x10, s22, s21, $0xb8;
	[tilespmem:$0x1D140] =	vst v63  }
0x9f: {  	s1 =	simm.s32 $0x1E0;
	s2 =	simm.s32 $0xD20  }
0xa0: {  	[tilespmem:s2], [sflag:$0x7] =	stream.indirect.gather [hbm4b:s7+s21], $0x10, s1, s21, $0xb8;
	[tilespmem:$0x1D140] =	vst v63  }
0xa1: {  	_ = 	snop  }
0xa2: {  	[tilespmem:s14], [sflag:$0x9] =	stream.indirect.gather [hbm4b:s5+s21], $0x80, s22, s21, $0xb8;
	[tilespmem:$0x1D140] =	vst v63  }
0xa3: {  	s4 =	rddreg [dreg:$0x18]  }
0xa4: {  	[tilespmem:s21], [sflag:$0x2] =	stream.linear.gather [hbm4b:s4+s16], $0x50, $0x38;
	[tilespmem:$0x1D140] =	vst v63  }
0xa5: {  	s10 =	rddreg [dreg:$0x19];
	s15 =	simm.s32 $0xF0  }
0xa6: {  	[tilespmem:s15], [sflag:$0x4] =	stream.linear.gather [hbm4b:s10+s16], $0x50, $0x38;
	[tilespmem:$0x1D140] =	vst v63  }
.LBB2_4:
0xa7: {  	_ =	swait.ge [sflag:s26], $0x500  }
0xa8: {  	[sflag:s26] =	ssyncset.done $0x0  }
0xa9: {  	[sflag:s26] =	ssyncadd.s32 $0xFFFFFB00  }
0xaa: {  	s15 =	smul.u32 $0xA0, s16;
	_ =	swait.ge [sflag:s28], $0x500  }
0xab: {  	s0 =	rddreg [dreg:$0x1a]  }
0xac: {  	s0 =	sadd.s32 s15, s0  }
0xad: {  	[sflag:s28] =	ssyncset.done $0x0;
	s0 =	sshrl.u32 s0, $0x3  }
0xae: {  	s2 =	simm.s32 $0x0;
	[sflag:s28] =	ssyncadd.s32 $0xFFFFFB00;
	s1 =	sadd.s32 s8, s0  }
0xaf: {  	[tilespmem:s2], [sflag:$0x1] =	stream.linear.gather [hbm4b:s1+s2], $0x50, $0x38;
	[tilespmem:$0x1D140] =	vst v63  }
0xb0: {  	s10 =	smov.u32 s31;
	s31 =	simm.s32 $0xA0;
	s0 =	sadd.s32 s9, s0  }
0xb1: {  	[tilespmem:s31], [sflag:$0x3] =	stream.linear.gather [hbm4b:s0+s2], $0x50, $0x38;
	[tilespmem:$0x1D140] =	vst v63  }
0xb2: {  	_ =	swait.ge [sflag:s29], $0x50  }
0xb3: {  	[sflag:s29] =	ssyncset.done $0x0  }
0xb4: {  	[sflag:s29] =	ssyncadd.s32 $0xFFFFFFB0  }
0xb5: {  	_ =	swait.ge [sflag:s30], $0x50  }
0xb6: {  	p1 =	seq.s32 s16, $0x0;
	[sflag:s30] =	ssyncset.done $0x0  }
0xb7: {  	s0 =	simm.s32 @!p1 $0xC;
	[sflag:s30] =	ssyncadd.s32 $0xFFFFFFB0  }
0xb8: {  	_ =	swait.ge @!p1 [sflag:s0], $0x500  }
0xb9: {  	[sflag:s0] =	ssyncset.done @!p1 $0x0  }
0xba: {  	[sflag:s0] =	ssyncadd.s32 @!p1 $0xFFFFFB00;
	s0 =	simm.s32 @!p1 $0xE  }
0xbb: {  	_ =	swait.ge @!p1 [sflag:s0], $0x2800  }
0xbc: {  	[sflag:s0] =	ssyncset.done @!p1 $0x0  }
0xbd: {  	[sflag:s0] =	ssyncadd.s32 @!p1 $0xFFFFD800  }
0xbe: {  	v2 =	vld [tilespmem:$0x50]  }
0xbf: {  	v3 =	vld [tilespmem:$0xF0];
	_ =	sdelay $0x1  }
0xc0: {  	v4 =	vld [tilespmem:$0x60]  }
0xc1: {  	v5 =	vld [tilespmem:$0x100];
	_ =	sdelay $0x1  }
0xc2: {  	v6 =	vld [tilespmem:$0x70];
	v2 =	vadd.s32 v0, v2;
	vm0 =	vlt.s32 v3, $0x270F  }
0xc3: {  	v7 =	vld [tilespmem:$0x110];
	[tilespmem:$0x190] =	vst v2;
	v2 =	vnsel vm0, $0x270F, v3  }
0xc4: {  	[tilespmem:$0x2D0] =	vst v3;
	v2 =	vadd.s32 v0, v2  }
0xc5: {  	vm0 =	vlt.s32 v5, $0x270F;
	v3 =	vld [tilespmem:$0x80];
	[tilespmem:$0x230] =	vst v2;
	v2 =	vadd.s32 v0, v4  }
0xc6: {  	v4 =	vld [tilespmem:$0x120];
	[tilespmem:$0x1A0] =	vst v2;
	v2 =	vnsel vm0, $0x270F, v5  }
0xc7: {  	[tilespmem:$0x2E0] =	vst v5;
	v2 =	vadd.s32 v0, v2  }
0xc8: {  	vm0 =	vlt.s32 v7, $0x270F;
	v5 =	vld [tilespmem:$0x90];
	[tilespmem:$0x240] =	vst v2;
	v2 =	vadd.s32 v0, v6  }
0xc9: {  	v6 =	vld [tilespmem:$0x130];
	[tilespmem:$0x1B0] =	vst v2;
	v2 =	vnsel vm0, $0x270F, v7  }
0xca: {  	[tilespmem:$0x2F0] =	vst v7;
	v2 =	vadd.s32 v0, v2  }
0xcb: {  	vm0 =	vlt.s32 v4, $0x270F;
	[tilespmem:$0x250] =	vst v2;
	v2 =	vadd.s32 v0, v3  }
0xcc: {  	[tilespmem:$0x1C0] =	vst v2;
	v2 =	vnsel vm0, $0x270F, v4  }
0xcd: {  	[tilespmem:$0x300] =	vst v4;
	v2 =	vadd.s32 v0, v2  }
0xce: {  	vm0 =	vlt.s32 v6, $0x270F;
	[tilespmem:$0x260] =	vst v2;
	v2 =	vadd.s32 v0, v5  }
0xcf: {  	[tilespmem:$0x1D0] =	vst v2;
	v2 =	vnsel vm0, $0x270F, v6  }
0xd0: {  	[tilespmem:$0x310] =	vst v6;
	v2 =	vadd.s32 v0, v2  }
0xd1: {  	s2 =	simm.s32 $0x820;
	s0 =	simm.s32 $0x190;
	[tilespmem:$0x270] =	vst v2  }
0xd2: {  	[tilespmem:s2], [sflag:$0x6] =	stream.indirect.gather [hbm4b:s6+s21], $0x10, s0, s21, $0xb8;
	[tilespmem:$0x1D140] =	vst v63  }
0xd3: {  	s4 =	simm.s32 $0x230;
	s31 =	simm.s32 $0x1220  }
0xd4: {  	[tilespmem:s31], [sflag:$0x8] =	stream.indirect.gather [hbm4b:s7+s21], $0x10, s4, s21, $0xb8;
	[tilespmem:$0x1D140] =	vst v63  }
0xd5: {  	s4 =	simm.s32 $0x10  }
0xd6: {  	[tilespmem:s3], [sflag:$0xA] =	stream.indirect.gather [hbm4b:s5+s21], $0x80, s0, s21, $0xb8;
	[tilespmem:$0x1D140] =	vst v63  }
0xd7: {  	v2 =	vld [tilespmem:s4+$0x320]  }
0xd8: {  	v3 =	vld [tilespmem:s4+$0xD20];
	_ =	sdelay $0x3  }
0xd9: {  	v4 =	vld [tilespmem:s4+$0x310]  }
0xda: {  	s1 =	simm.s32 $0x30;
	v5 =	vld [tilespmem:s4+$0xD10];
	v2 =	vadd.f32 v3, v2  }
0xdb: {  	v6 =	vld [tilespmem:s1+$0x320]  }
0xdc: {  	v7 =	vld [tilespmem:s1+$0x310];
	v8 =	vmul.f32 $2.000000030e-01, v2  }
0xdd: {  	v3 =	vld [tilespmem:s1+$0xD20];
	vm0 =	vgt.f32 v2, $0.0e+00  }
0xde: {  	v9 =	vld [tilespmem:s1+$0xD10];
	v2 =	vsel vm0, v2, v8  }
0xdf: {  	v4 =	vadd.f32 v5, v4;
	v2 =	vmul.f32 $1.442695020e+00, v2  }
0xe0: {  	s2 =	simm.s32 $0x50  }
0xe1: {  	v5 =	vld [tilespmem:s2+$0x320];
	(erf) = vpow2.f32 v2;
	v2 =	vmul.f32 $2.000000030e-01, v4  }
0xe2: {  	vm0 =	vgt.f32 v4, $0.0e+00;
	v3 =	vadd.f32 v3, v6;
	v6 =	vld [tilespmem:s2+$0xD20]  }
0xe3: {  	v7 =	vadd.f32 v9, v7;
	v2 =	vsel vm0, v4, v2  }
0xe4: {  	v9 =	vmul.f32 $2.000000030e-01, v3;
	v2 =	vmul.f32 $1.442695020e+00, v2  }
0xe5: {  	v10 =	vld [tilespmem:s2+$0xD10];
	vm0 =	vgt.f32 v3, $0.0e+00;
	v4 =	vmul.f32 $2.000000030e-01, v7  }
0xe6: {  	v8 =	vld [tilespmem:s2+$0x310];
	v3 =	vsel vm0, v3, v9;
	vm0 =	vgt.f32 v7, $0.0e+00;
	(erf) = vpow2.f32 v2  }
0xe7: {  	v9 =	vadd.f32 v6, v5;
	v3 =	vmul.f32 $1.442695020e+00, v3;
	v4 =	vsel vm0, v7, v4  }
0xe8: {  	s0 =	simm.s32 $0x70;
	v6 =	vmul.f32 $1.442695020e+00, v4  }
0xe9: {  	v2 =	vld [tilespmem:s0+$0x320];
	v7 =	vmul.f32 $2.000000030e-01, v9;
	(erf) = vpow2.f32 v3  }
0xea: {  	v4 =	vld [tilespmem:s0+$0xD20];
	(erf) = vpow2.f32 v6  }
0xeb: {  	v5 =	vadd.f32 v10, v8;
	v3 =	vld [tilespmem:s0+$0x310]  }
0xec: {  	vm1 =	vgt.f32 v9, $0.0e+00;
	v6 =	vld [tilespmem:s0+$0xD10]  }
0xed: {  	s3 =	simm.s32 $0x240;
	vm0 =	vgt.f32 v5, $0.0e+00;
	v8 =	vmul.f32 $2.000000030e-01, v5;
	v9 =	vsel vm1, v9, v7;
	v7 =	vpop (erf)  }
.LBB2_5:
0xee: {  	s31 =	sshra.s32 s3, $0x2;
	v9 =	vmul.f32 $1.442695020e+00, v9;
	[tilespmem:s4+$0x1720] =	vst v7;
	p1 =	sne.s32 s3, $0x13C0  }
.Ltmp1:
0xef: {  	s3 =	sadd.s32 $0x80, s3;
	v7 =	vadd.f32 v4, v2;
	v2 =	vld [tilespmem:s31+$0x320];
	v5 =	vsel vm0, v5, v8;
	v8 =	vpop (erf);
	(pc) =	sbr.rel @p1 .LBB2_5-.Ltmp1, $4  }
0xf0: {  	v4 =	vld [tilespmem:s31+$0xD20];
	v10 =	vmul.f32 $1.442695020e+00, v5;
	(erf) = vpow2.f32 v9;
	[tilespmem:s4+$0x1710] =	vst v8;
	s4 =	smov.u32 s1;
	s1 =	smov.u32 s2;
	s2 =	smov.u32 s0  }
0xf1: {  	s0 =	smov.u32 s31;
	v5 =	vadd.f32 v6, v3;
	v3 =	vld [tilespmem:s31+$0x310];
	v9 =	vmul.f32 $2.000000030e-01, v7  }
0xf2: {  	vm1 =	vgt.f32 v7, $0.0e+00;
	v6 =	vld [tilespmem:s0+$0xD10];
	(erf) = vpow2.f32 v10  }
0xf3: {  	vm0 =	vgt.f32 v5, $0.0e+00;
	v8 =	vmul.f32 $2.000000030e-01, v5;
	v9 =	vsel vm1, v7, v9;
	v7 =	vpop (erf)  }
0xf4: {  	_ =	sdelay $0x1  }
0xf5: {  	v2 =	vadd.f32 v4, v2  }
0xf6: {  	v3 =	vadd.f32 v6, v3  }
0xf7: {  	v4 =	vmul.f32 $1.442695020e+00, v9;
	v6 =	vmul.f32 $2.000000030e-01, v2  }
0xf8: {  	v5 =	vsel vm0, v5, v8;
	vm15 =	vgt.f32 v2, $0.0e+00;
	v8 =	vmul.f32 $2.000000030e-01, v3  }
0xf9: {  	v5 =	vmul.f32 $1.442695020e+00, v5;
	vm1 =	vgt.f32 v3, $0.0e+00;
	v2 =	vsel vm15, v2, v6  }
0xfa: {  	(erf) = vpow2.f32 v4;
	v2 =	vmul.f32 $1.442695020e+00, v2;
	v3 =	vsel vm1, v3, v8  }
0xfb: {  	(erf) = vpow2.f32 v5;
	v3 =	vmul.f32 $1.442695020e+00, v3  }
0xfc: {  	(erf) = vpow2.f32 v2  }
0xfd: {  	(erf) = vpow2.f32 v3;
	_ =	sdelay $0x2  }
0xfe: {  	[tilespmem:s4+$0x1720] =	vst v7;
	v2 =	vpop (erf)  }
0xff: {  	[tilespmem:s4+$0x1710] =	vst v2;
	v3 =	vpop (erf)  }
0x100: {  	v2 =	vpop (erf);
	[tilespmem:s1+$0x1720] =	vst v3  }
0x101: {  	[tilespmem:s1+$0x1710] =	vst v2;
	v2 =	vpop (erf)  }
0x102: {  	[tilespmem:s2+$0x1720] =	vst v2;
	v2 =	vpop (erf)  }
0x103: {  	[tilespmem:s2+$0x1710] =	vst v2;
	v2 =	vpop (erf)  }
0x104: {  	[tilespmem:s0+$0x1720] =	vst v2;
	v2 =	vpop (erf)  }
0x105: {  	s31 =	simm.s32 $0x1720;
	s4 =	rddreg [dreg:$0x3];
	[tilespmem:s0+$0x1710] =	vst v2  }
0x106: {  	[spmem:s4] =	stream.indirect.scatter.add.f32 [tilespmem:s31], [sflag:$0xB], $0x10, s11, s21, $0xb8;
	[tilespmem:$0x1D140] =	vst v63  }
0x107: {  	_ =	swait.ge [sflag:s13], $0x2800  }
0x108: {  	[sflag:s13] =	ssyncset.done $0x0  }
0x109: {  	s4 =	simm.s32 $0x21A0;
	[sflag:s13] =	ssyncadd.s32 $0xFFFFD800  }
0x10a: {  	s2 =	simm.s32 $0x10;
	v2 =	vld [tilespmem:s4+$0xFFFFFF90]  }
0x10b: {  	v4 =	vld [tilespmem:s2+$0x1710]  }
0x10c: {  	v3 =	vld [tilespmem:s4+$0xFFFFFFA0]  }
0x10d: {  	v5 =	vld [tilespmem:s4+$0xFFFFFFB0]  }
0x10e: {  	v6 =	vld [tilespmem:s4+$0xFFFFFFD0]  }
0x10f: {  	v7 =	vld [tilespmem:s4+$0xFFFFFFF0]  }
0x110: {  	v8 =	vld [tilespmem:s4+$0xFFFFFF80];
	v2 =	vmul.f32 v2, v4  }
0x111: {  	v63 =	vld [tilespmem:s4+$0xFFFFFFC0];
	v3 =	vmul.f32 v3, v4  }
0x112: {  	v10 =	vld [tilespmem:s4+$0xFFFFFFE0];
	v5 =	vmul.f32 v5, v4;
	[tilespmem:s4+$0xFFFFFF90] =	vst v2  }
0x113: {  	v6 =	vmul.f32 v6, v4;
	[tilespmem:s4+$0xFFFFFFA0] =	vst v3  }
0x114: {  	v7 =	vmul.f32 v7, v4;
	[tilespmem:s4+$0xFFFFFFB0] =	vst v5  }
0x115: {  	v8 =	vmul.f32 v8, v4;
	v2 =	vld [tilespmem:s4+$0x70];
	[tilespmem:s4+$0xFFFFFFD0] =	vst v6  }
0x116: {  	v3 =	vld [tilespmem:s4+$0x40];
	[tilespmem:s4+$0xFFFFFFF0] =	vst v7  }
0x117: {  	s1 =	simm.s32 $0xC0;
	s0 =	simm.s32 $0x21A0;
	v5 =	vmul.f32 v63, v4;
	v6 =	vmul.f32 v10, v4;
	[tilespmem:s4+$0xFFFFFF80] =	vst v8;
	v4 =	vld [tilespmem:s4+$0x0]  }
.LBB2_7:
0x118: {  	p1 =	sne.s32 s1, $0x13C0  }
0x119: {  	[tilespmem:s4+$0xFFFFFFC0] =	vst v5;
	v5 =	vld [tilespmem:s4+$0x20];
	s0 =	sadd.s32 $0x100, s0;
	s3 =	smov.u32 s1;
	s1 =	sadd.s32 $0x80, s1  }
0x11a: {  	[tilespmem:s4+$0xFFFFFFE0] =	vst v6;
	v6 =	vld [tilespmem:s4+$0x10]  }
0x11b: {  	v7 =	vld [tilespmem:s2+$0x1720]  }
0x11c: {  	v8 =	vld [tilespmem:s4+$0x30]  }
0x11d: {  	v9 =	vld [tilespmem:s4+$0x50]  }
0x11e: {  	v10 =	vld [tilespmem:s4+$0x60];
	_ =	sdelay $0x1  }
0x11f: {  	v4 =	vmul.f32 v4, v7;
	v6 =	vmul.f32 v6, v7  }
0x120: {  	v5 =	vmul.f32 v5, v7;
	v8 =	vmul.f32 v8, v7  }
0x121: {  	v3 =	vmul.f32 v3, v7;
	[tilespmem:s4+$0x0] =	vst v4;
	v4 =	vmul.f32 v9, v7  }
0x122: {  	v2 =	vmul.f32 v2, v7;
	[tilespmem:s4+$0x30] =	vst v8;
	v8 =	vmul.f32 v10, v7  }
0x123: {  	[tilespmem:s4+$0x40] =	vst v3  }
0x124: {  	[tilespmem:s4+$0x50] =	vst v4  }
0x125: {  	v3 =	vld [tilespmem:s0+$0xFFFFFFD0];
	[tilespmem:s4+$0x20] =	vst v5  }
0x126: {  	s2 =	sshra.s32 s3, $0x2;
	v4 =	vld [tilespmem:s0+$0xFFFFFFA0];
	[tilespmem:s4+$0x70] =	vst v2  }
0x127: {  	v2 =	vld [tilespmem:s0+$0xFFFFFFB0];
	[tilespmem:s4+$0x60] =	vst v8  }
0x128: {  	v5 =	vld [tilespmem:s0+$0xFFFFFF90];
	[tilespmem:s4+$0x10] =	vst v6;
	s4 =	smov.u32 s0  }
0x129: {  	v6 =	vld [tilespmem:s2+$0x1710]  }
0x12a: {  	v7 =	vld [tilespmem:s0+$0xFFFFFFC0]  }
0x12b: {  	v8 =	vld [tilespmem:s0+$0xFFFFFF80]  }
0x12c: {  	v9 =	vld [tilespmem:s0+$0xFFFFFFF0]  }
0x12d: {  	v10 =	vld [tilespmem:s0+$0xFFFFFFE0]  }
0x12e: {  	v11 =	vmul.f32 v5, v6;
	v2 =	vmul.f32 v2, v6  }
0x12f: {  	v4 =	vmul.f32 v4, v6;
	v5 =	vmul.f32 v7, v6  }
0x130: {  	v3 =	vmul.f32 v3, v6;
	v7 =	vmul.f32 v8, v6;
	[tilespmem:s0+$0xFFFFFF90] =	vst v11  }
.Ltmp2:
0x131: {  	[tilespmem:s0+$0xFFFFFFA0] =	vst v4;
	v4 =	vmul.f32 v9, v6;
	(pc) =	sbr.rel @p1 .LBB2_7-.Ltmp2, $4  }
0x132: {  	[tilespmem:s0+$0xFFFFFFB0] =	vst v2;
	v6 =	vmul.f32 v10, v6  }
0x133: {  	[tilespmem:s0+$0xFFFFFF80] =	vst v7;
	v2 =	vld [tilespmem:s0+$0x70]  }
0x134: {  	[tilespmem:s0+$0xFFFFFFD0] =	vst v3;
	v3 =	vld [tilespmem:s0+$0x40]  }
0x135: {  	[tilespmem:s0+$0xFFFFFFF0] =	vst v4;
	v4 =	vld [tilespmem:s0+$0x0]  }
0x136: {  	[tilespmem:s4+$0xFFFFFFC0] =	vst v5  }
0x137: {  	[tilespmem:s4+$0xFFFFFFE0] =	vst v6  }
0x138: {  	v5 =	vld [tilespmem:s2+$0x1720]  }
0x139: {  	v6 =	vld [tilespmem:s4+$0x30];
	_ =	sdelay $0x2  }
0x13a: {  	v7 =	vld [tilespmem:s4+$0x50]  }
0x13b: {  	v8 =	vld [tilespmem:s4+$0x20];
	v4 =	vmul.f32 v4, v5  }
0x13c: {  	v10 =	vld [tilespmem:s4+$0x60];
	v6 =	vmul.f32 v6, v5  }
0x13d: {  	v9 =	vld [tilespmem:s4+$0x10];
	v3 =	vmul.f32 v3, v5;
	[tilespmem:s4+$0x0] =	vst v4  }
0x13e: {  	v2 =	vmul.f32 v2, v5;
	[tilespmem:s4+$0x30] =	vst v6  }
0x13f: {  	v4 =	vmul.f32 v7, v5;
	[tilespmem:s4+$0x40] =	vst v3  }
0x140: {  	v6 =	vmul.f32 v8, v5;
	[tilespmem:s4+$0x70] =	vst v2  }
0x141: {  	v3 =	vmul.f32 v10, v5;
	[tilespmem:s4+$0x50] =	vst v4  }
0x142: {  	[tilespmem:s4+$0x20] =	vst v6;
	v4 =	vmul.f32 v9, v5  }
0x143: {  	[tilespmem:s4+$0x60] =	vst v3  }
0x144: {  	[tilespmem:s4+$0x10] =	vst v4  }
0x145: {  	[spmem:s10] =	stream.indirect.scatter.add.f32 [tilespmem:s14], [sflag:$0xD], $0x80, s11, s21, $0xb8;
	[tilespmem:$0x1D140] =	vst v63  }
0x146: {  	_ =	swait.ge [sflag:s19], $0x500  }
0x147: {  	[sflag:s19] =	ssyncset.done $0x0  }
0x148: {  	[sflag:s19] =	ssyncadd.s32 $0xFFFFFB00  }
0x149: {  	_ =	swait.ge [sflag:s12], $0x500  }
0x14a: {  	p1 =	seq.s32 s16, $0x3D;
	s0 =	rddreg [dreg:$0x1b]  }
0x14b: {  	s0 =	sadd.s32 @!p1 s15, s0  }
0x14c: {  	s2 =	simm.s32 @!p1 $0x0;
	[sflag:s12] =	ssyncset.done $0x0;
	s0 =	sshrl.u32 @!p1 s0, $0x3  }
0x14d: {  	s3 =	simm.s32 @!p1 $0x50;
	[sflag:s12] =	ssyncadd.s32 $0xFFFFFB00;
	s1 =	sadd.s32 @!p1 s8, s0  }
0x14e: {  	[tilespmem:s3], [sflag:$0x2] =	stream.linear.gather @!p1 [hbm4b:s1+s2], $0x50, $0x38;
	[tilespmem:$0x1D140] =	vst v63  }
0x14f: {  	s0 =	sadd.s32 @!p1 s9, s0;
	s1 =	simm.s32 @!p1 $0xF0  }
0x150: {  	[tilespmem:s1], [sflag:$0x4] =	stream.linear.gather @!p1 [hbm4b:s0+s2], $0x50, $0x38;
	[tilespmem:$0x1D140] =	vst v63  }
0x151: {  	_ =	swait.ge [sflag:s18], $0x50  }
0x152: {  	[sflag:s18] =	ssyncset.done $0x0  }
0x153: {  	[sflag:s18] =	ssyncadd.s32 $0xFFFFFFB0  }
0x154: {  	_ =	swait.ge [sflag:s20], $0x50  }
0x155: {  	[sflag:s20] =	ssyncset.done $0x0  }
0x156: {  	[sflag:s20] =	ssyncadd.s32 $0xFFFFFFB0  }
0x157: {  	_ =	swait.ge [sflag:s17], $0x500  }
0x158: {  	[sflag:s17] =	ssyncset.done $0x0  }
0x159: {  	[sflag:s17] =	ssyncadd.s32 $0xFFFFFB00  }
0x15a: {  	_ =	swait.ge [sflag:s23], $0x2800  }
0x15b: {  	[sflag:s23] =	ssyncset.done $0x0  }
0x15c: {  	[sflag:s23] =	ssyncadd.s32 $0xFFFFD800  }
0x15d: {  	v2 =	vld [tilespmem:$0x0]  }
0x15e: {  	v3 =	vld [tilespmem:$0xA0];
	_ =	sdelay $0x1  }
0x15f: {  	v4 =	vld [tilespmem:$0x10]  }
0x160: {  	v5 =	vld [tilespmem:$0xB0];
	_ =	sdelay $0x1  }
0x161: {  	v6 =	vld [tilespmem:$0x20];
	v2 =	vadd.s32 v0, v2;
	vm0 =	vlt.s32 v3, $0x270F  }
0x162: {  	v7 =	vld [tilespmem:$0xC0];
	[tilespmem:$0x140] =	vst v2;
	v2 =	vnsel vm0, $0x270F, v3  }
0x163: {  	[tilespmem:$0x280] =	vst v3;
	v2 =	vadd.s32 v0, v2  }
0x164: {  	vm0 =	vlt.s32 v5, $0x270F;
	v3 =	vld [tilespmem:$0x30];
	[tilespmem:$0x1E0] =	vst v2;
	v2 =	vadd.s32 v0, v4  }
0x165: {  	v4 =	vld [tilespmem:$0xD0];
	[tilespmem:$0x150] =	vst v2;
	v2 =	vnsel vm0, $0x270F, v5  }
0x166: {  	[tilespmem:$0x290] =	vst v5;
	v2 =	vadd.s32 v0, v2  }
0x167: {  	vm0 =	vlt.s32 v7, $0x270F;
	v5 =	vld [tilespmem:$0x40];
	[tilespmem:$0x1F0] =	vst v2;
	v2 =	vadd.s32 v0, v6  }
0x168: {  	v6 =	vld [tilespmem:$0xE0];
	[tilespmem:$0x160] =	vst v2;
	v2 =	vnsel vm0, $0x270F, v7  }
0x169: {  	[tilespmem:$0x2A0] =	vst v7;
	v2 =	vadd.s32 v0, v2  }
0x16a: {  	vm0 =	vlt.s32 v4, $0x270F;
	[tilespmem:$0x200] =	vst v2;
	v2 =	vadd.s32 v0, v3  }
0x16b: {  	[tilespmem:$0x170] =	vst v2;
	v2 =	vnsel vm0, $0x270F, v4  }
0x16c: {  	[tilespmem:$0x2B0] =	vst v4;
	v2 =	vadd.s32 v0, v2  }
0x16d: {  	vm0 =	vlt.s32 v6, $0x270F;
	[tilespmem:$0x210] =	vst v2;
	v2 =	vadd.s32 v0, v5  }
0x16e: {  	[tilespmem:$0x180] =	vst v2;
	v2 =	vnsel vm0, $0x270F, v6  }
0x16f: {  	[tilespmem:$0x2C0] =	vst v6;
	v2 =	vadd.s32 v0, v2  }
0x170: {  	s4 =	simm.s32 $0x320;
	[tilespmem:$0x220] =	vst v2  }
0x171: {  	[tilespmem:s4], [sflag:$0x5] =	stream.indirect.gather [hbm4b:s6+s21], $0x10, s22, s21, $0xb8;
	[tilespmem:$0x1D140] =	vst v63  }
0x172: {  	s31 =	smov.u32 s10;
	s10 =	simm.s32 $0x1E0;
	s15 =	simm.s32 $0xD20  }
0x173: {  	[tilespmem:s15], [sflag:$0x7] =	stream.indirect.gather [hbm4b:s7+s21], $0x10, s10, s21, $0xb8;
	[tilespmem:$0x1D140] =	vst v63  }
0x174: {  	s4 =	simm.s32 $0x10  }
0x175: {  	[tilespmem:s14], [sflag:$0x9] =	stream.indirect.gather [hbm4b:s5+s21], $0x80, s22, s21, $0xb8;
	[tilespmem:$0x1D140] =	vst v63  }
0x176: {  	v2 =	vld [tilespmem:s4+$0x820]  }
0x177: {  	v3 =	vld [tilespmem:s4+$0x1220];
	_ =	sdelay $0x3  }
0x178: {  	v4 =	vld [tilespmem:s4+$0x810]  }
0x179: {  	s1 =	simm.s32 $0x30;
	v5 =	vld [tilespmem:s4+$0x1210];
	v2 =	vadd.f32 v3, v2  }
0x17a: {  	v6 =	vld [tilespmem:s1+$0x820]  }
0x17b: {  	v7 =	vld [tilespmem:s1+$0x810];
	v8 =	vmul.f32 $2.000000030e-01, v2  }
0x17c: {  	v3 =	vld [tilespmem:s1+$0x1220];
	vm0 =	vgt.f32 v2, $0.0e+00  }
0x17d: {  	v9 =	vld [tilespmem:s1+$0x1210];
	v2 =	vsel vm0, v2, v8  }
0x17e: {  	v4 =	vadd.f32 v5, v4;
	v2 =	vmul.f32 $1.442695020e+00, v2  }
0x17f: {  	s2 =	simm.s32 $0x50  }
0x180: {  	v5 =	vld [tilespmem:s2+$0x820];
	(erf) = vpow2.f32 v2;
	v2 =	vmul.f32 $2.000000030e-01, v4  }
0x181: {  	vm0 =	vgt.f32 v4, $0.0e+00;
	v3 =	vadd.f32 v3, v6;
	v6 =	vld [tilespmem:s2+$0x1220]  }
0x182: {  	v7 =	vadd.f32 v9, v7;
	v2 =	vsel vm0, v4, v2  }
0x183: {  	v9 =	vmul.f32 $2.000000030e-01, v3;
	v2 =	vmul.f32 $1.442695020e+00, v2  }
0x184: {  	v10 =	vld [tilespmem:s2+$0x1210];
	vm0 =	vgt.f32 v3, $0.0e+00;
	v4 =	vmul.f32 $2.000000030e-01, v7  }
0x185: {  	v8 =	vld [tilespmem:s2+$0x810];
	v3 =	vsel vm0, v3, v9;
	vm0 =	vgt.f32 v7, $0.0e+00;
	(erf) = vpow2.f32 v2  }
0x186: {  	v9 =	vadd.f32 v6, v5;
	v3 =	vmul.f32 $1.442695020e+00, v3;
	v4 =	vsel vm0, v7, v4  }
0x187: {  	s0 =	simm.s32 $0x70;
	v6 =	vmul.f32 $1.442695020e+00, v4  }
0x188: {  	v2 =	vld [tilespmem:s0+$0x820];
	v7 =	vmul.f32 $2.000000030e-01, v9;
	(erf) = vpow2.f32 v3  }
0x189: {  	v4 =	vld [tilespmem:s0+$0x1220];
	(erf) = vpow2.f32 v6  }
0x18a: {  	v5 =	vadd.f32 v10, v8;
	v3 =	vld [tilespmem:s0+$0x810]  }
0x18b: {  	vm1 =	vgt.f32 v9, $0.0e+00;
	v6 =	vld [tilespmem:s0+$0x1210]  }
0x18c: {  	s3 =	simm.s32 $0x240;
	vm0 =	vgt.f32 v5, $0.0e+00;
	v8 =	vmul.f32 $2.000000030e-01, v5;
	v9 =	vsel vm1, v9, v7;
	v7 =	vpop (erf)  }
.LBB2_9:
0x18d: {  	s15 =	sshra.s32 s3, $0x2;
	v9 =	vmul.f32 $1.442695020e+00, v9;
	[tilespmem:s4+$0x1C20] =	vst v7;
	p1 =	sne.s32 s3, $0x13C0  }
.Ltmp3:
0x18e: {  	s3 =	sadd.s32 $0x80, s3;
	v7 =	vadd.f32 v4, v2;
	v2 =	vld [tilespmem:s15+$0x820];
	v5 =	vsel vm0, v5, v8;
	v8 =	vpop (erf);
	(pc) =	sbr.rel @p1 .LBB2_9-.Ltmp3, $4  }
0x18f: {  	v4 =	vld [tilespmem:s15+$0x1220];
	v10 =	vmul.f32 $1.442695020e+00, v5;
	(erf) = vpow2.f32 v9;
	[tilespmem:s4+$0x1C10] =	vst v8;
	s4 =	smov.u32 s1;
	s1 =	smov.u32 s2;
	s2 =	smov.u32 s0  }
0x190: {  	s0 =	smov.u32 s15;
	v5 =	vadd.f32 v6, v3;
	v3 =	vld [tilespmem:s15+$0x810];
	v9 =	vmul.f32 $2.000000030e-01, v7  }
0x191: {  	vm1 =	vgt.f32 v7, $0.0e+00;
	v6 =	vld [tilespmem:s0+$0x1210];
	(erf) = vpow2.f32 v10  }
0x192: {  	vm0 =	vgt.f32 v5, $0.0e+00;
	v8 =	vmul.f32 $2.000000030e-01, v5;
	v9 =	vsel vm1, v7, v9;
	v7 =	vpop (erf)  }
0x193: {  	_ =	sdelay $0x1  }
0x194: {  	v2 =	vadd.f32 v4, v2  }
0x195: {  	v3 =	vadd.f32 v6, v3  }
0x196: {  	v4 =	vmul.f32 $1.442695020e+00, v9;
	v6 =	vmul.f32 $2.000000030e-01, v2  }
0x197: {  	v5 =	vsel vm0, v5, v8;
	vm15 =	vgt.f32 v2, $0.0e+00;
	v8 =	vmul.f32 $2.000000030e-01, v3  }
0x198: {  	v5 =	vmul.f32 $1.442695020e+00, v5;
	vm1 =	vgt.f32 v3, $0.0e+00;
	v2 =	vsel vm15, v2, v6  }
0x199: {  	(erf) = vpow2.f32 v4;
	v2 =	vmul.f32 $1.442695020e+00, v2;
	v3 =	vsel vm1, v3, v8  }
0x19a: {  	(erf) = vpow2.f32 v5;
	v3 =	vmul.f32 $1.442695020e+00, v3  }
0x19b: {  	(erf) = vpow2.f32 v2  }
0x19c: {  	(erf) = vpow2.f32 v3;
	_ =	sdelay $0x2  }
0x19d: {  	[tilespmem:s4+$0x1C20] =	vst v7;
	v2 =	vpop (erf)  }
0x19e: {  	[tilespmem:s4+$0x1C10] =	vst v2;
	v3 =	vpop (erf)  }
0x19f: {  	v2 =	vpop (erf);
	[tilespmem:s1+$0x1C20] =	vst v3  }
0x1a0: {  	[tilespmem:s1+$0x1C10] =	vst v2;
	v2 =	vpop (erf)  }
0x1a1: {  	[tilespmem:s2+$0x1C20] =	vst v2;
	v2 =	vpop (erf)  }
0x1a2: {  	[tilespmem:s2+$0x1C10] =	vst v2;
	v2 =	vpop (erf)  }
0x1a3: {  	[tilespmem:s0+$0x1C20] =	vst v2;
	v2 =	vpop (erf)  }
0x1a4: {  	s10 =	rddreg [dreg:$0x3];
	s15 =	simm.s32 $0x1C20;
	[tilespmem:s0+$0x1C10] =	vst v2  }
0x1a5: {  	[spmem:s10] =	stream.indirect.scatter.add.f32 [tilespmem:s15], [sflag:$0xC], $0x10, s24, s21, $0xb8;
	[tilespmem:$0x1D140] =	vst v63  }
0x1a6: {  	_ =	swait.ge [sflag:s25], $0x2800  }
0x1a7: {  	[sflag:s25] =	ssyncset.done $0x0  }
0x1a8: {  	s4 =	simm.s32 $0x49A0;
	[sflag:s25] =	ssyncadd.s32 $0xFFFFD800  }
0x1a9: {  	s2 =	simm.s32 $0x10;
	v2 =	vld [tilespmem:s4+$0xFFFFFF90]  }
0x1aa: {  	v4 =	vld [tilespmem:s2+$0x1C10]  }
0x1ab: {  	v3 =	vld [tilespmem:s4+$0xFFFFFFA0]  }
0x1ac: {  	v5 =	vld [tilespmem:s4+$0xFFFFFFB0]  }
0x1ad: {  	v6 =	vld [tilespmem:s4+$0xFFFFFFD0]  }
0x1ae: {  	v7 =	vld [tilespmem:s4+$0xFFFFFFF0]  }
0x1af: {  	v8 =	vld [tilespmem:s4+$0xFFFFFF80];
	v2 =	vmul.f32 v2, v4  }
0x1b0: {  	v63 =	vld [tilespmem:s4+$0xFFFFFFC0];
	v3 =	vmul.f32 v3, v4  }
0x1b1: {  	v10 =	vld [tilespmem:s4+$0xFFFFFFE0];
	v5 =	vmul.f32 v5, v4;
	[tilespmem:s4+$0xFFFFFF90] =	vst v2  }
0x1b2: {  	v6 =	vmul.f32 v6, v4;
	[tilespmem:s4+$0xFFFFFFA0] =	vst v3  }
0x1b3: {  	v7 =	vmul.f32 v7, v4;
	[tilespmem:s4+$0xFFFFFFB0] =	vst v5  }
0x1b4: {  	v8 =	vmul.f32 v8, v4;
	v2 =	vld [tilespmem:s4+$0x70];
	[tilespmem:s4+$0xFFFFFFD0] =	vst v6  }
0x1b5: {  	v3 =	vld [tilespmem:s4+$0x40];
	[tilespmem:s4+$0xFFFFFFF0] =	vst v7  }
0x1b6: {  	s1 =	simm.s32 $0xC0;
	s0 =	simm.s32 $0x49A0;
	v5 =	vmul.f32 v63, v4;
	v6 =	vmul.f32 v10, v4;
	[tilespmem:s4+$0xFFFFFF80] =	vst v8;
	v4 =	vld [tilespmem:s4+$0x0]  }
.LBB2_11:
0x1b7: {  	p1 =	sne.s32 s1, $0x13C0  }
0x1b8: {  	[tilespmem:s4+$0xFFFFFFC0] =	vst v5;
	v5 =	vld [tilespmem:s4+$0x20];
	s0 =	sadd.s32 $0x100, s0;
	s3 =	smov.u32 s1;
	s1 =	sadd.s32 $0x80, s1  }
0x1b9: {  	[tilespmem:s4+$0xFFFFFFE0] =	vst v6;
	v6 =	vld [tilespmem:s4+$0x10]  }
0x1ba: {  	v7 =	vld [tilespmem:s2+$0x1C20]  }
0x1bb: {  	v8 =	vld [tilespmem:s4+$0x30]  }
0x1bc: {  	v9 =	vld [tilespmem:s4+$0x50]  }
0x1bd: {  	v10 =	vld [tilespmem:s4+$0x60];
	_ =	sdelay $0x1  }
0x1be: {  	v4 =	vmul.f32 v4, v7;
	v6 =	vmul.f32 v6, v7  }
0x1bf: {  	v5 =	vmul.f32 v5, v7;
	v8 =	vmul.f32 v8, v7  }
0x1c0: {  	v3 =	vmul.f32 v3, v7;
	[tilespmem:s4+$0x0] =	vst v4;
	v4 =	vmul.f32 v9, v7  }
0x1c1: {  	v2 =	vmul.f32 v2, v7;
	[tilespmem:s4+$0x30] =	vst v8;
	v8 =	vmul.f32 v10, v7  }
0x1c2: {  	[tilespmem:s4+$0x40] =	vst v3  }
0x1c3: {  	[tilespmem:s4+$0x50] =	vst v4  }
0x1c4: {  	v3 =	vld [tilespmem:s0+$0xFFFFFFD0];
	[tilespmem:s4+$0x20] =	vst v5  }
0x1c5: {  	s2 =	sshra.s32 s3, $0x2;
	v4 =	vld [tilespmem:s0+$0xFFFFFFA0];
	[tilespmem:s4+$0x70] =	vst v2  }
0x1c6: {  	v2 =	vld [tilespmem:s0+$0xFFFFFFB0];
	[tilespmem:s4+$0x60] =	vst v8  }
0x1c7: {  	v5 =	vld [tilespmem:s0+$0xFFFFFF90];
	[tilespmem:s4+$0x10] =	vst v6;
	s4 =	smov.u32 s0  }
0x1c8: {  	v6 =	vld [tilespmem:s2+$0x1C10]  }
0x1c9: {  	v7 =	vld [tilespmem:s0+$0xFFFFFFC0]  }
0x1ca: {  	v8 =	vld [tilespmem:s0+$0xFFFFFF80]  }
0x1cb: {  	v9 =	vld [tilespmem:s0+$0xFFFFFFF0]  }
0x1cc: {  	v10 =	vld [tilespmem:s0+$0xFFFFFFE0]  }
0x1cd: {  	v11 =	vmul.f32 v5, v6;
	v2 =	vmul.f32 v2, v6  }
0x1ce: {  	v4 =	vmul.f32 v4, v6;
	v5 =	vmul.f32 v7, v6  }
0x1cf: {  	v3 =	vmul.f32 v3, v6;
	v7 =	vmul.f32 v8, v6;
	[tilespmem:s0+$0xFFFFFF90] =	vst v11  }
.Ltmp4:
0x1d0: {  	[tilespmem:s0+$0xFFFFFFA0] =	vst v4;
	v4 =	vmul.f32 v9, v6;
	(pc) =	sbr.rel @p1 .LBB2_11-.Ltmp4, $4  }
0x1d1: {  	[tilespmem:s0+$0xFFFFFFB0] =	vst v2;
	v6 =	vmul.f32 v10, v6  }
0x1d2: {  	[tilespmem:s0+$0xFFFFFF80] =	vst v7;
	v2 =	vld [tilespmem:s0+$0x70]  }
0x1d3: {  	[tilespmem:s0+$0xFFFFFFD0] =	vst v3;
	v3 =	vld [tilespmem:s0+$0x40]  }
0x1d4: {  	[tilespmem:s0+$0xFFFFFFF0] =	vst v4;
	v4 =	vld [tilespmem:s0+$0x0]  }
0x1d5: {  	[tilespmem:s4+$0xFFFFFFC0] =	vst v5  }
0x1d6: {  	[tilespmem:s4+$0xFFFFFFE0] =	vst v6  }
0x1d7: {  	v5 =	vld [tilespmem:s2+$0x1C20]  }
0x1d8: {  	v60 =	vld [tilespmem:s4+$0x30];
	_ =	sdelay $0x1  }
0x1d9: {  	v7 =	vld [tilespmem:s4+$0x50]  }
0x1da: {  	v8 =	vld [tilespmem:s4+$0x20]  }
0x1db: {  	v4 =	vmul.f32 v4, v5  }
0x1dc: {  	v9 =	vld [tilespmem:s4+$0x10];
	v6 =	vmul.f32 v60, v5  }
0x1dd: {  	v10 =	vld [tilespmem:s4+$0x60];
	v3 =	vmul.f32 v3, v5;
	[tilespmem:s4+$0x0] =	vst v4  }
0x1de: {  	v61 =	vmul.f32 v7, v5;
	[tilespmem:s4+$0x30] =	vst v6  }
0x1df: {  	s16 =	sadd.s32 $0x1, s16;
	v62 =	vmul.f32 v8, v5;
	[tilespmem:s4+$0x40] =	vst v3  }
0x1e0: {  	p1 =	sne.s32 s16, $0x3E;
	v2 =	vmul.f32 v2, v5;
	[tilespmem:s4+$0x50] =	vst v61  }
.Ltmp5:
0x1e1: {  	v63 =	vmul.f32 v9, v5;
	[tilespmem:s4+$0x20] =	vst v62;
	(pc) =	sbr.rel @p1 .LBB2_4-.Ltmp5, $4  }
0x1e2: {  	v3 =	vmul.f32 v10, v5;
	[tilespmem:s4+$0x70] =	vst v2  }
0x1e3: {  	[tilespmem:s4+$0x10] =	vst v63  }
0x1e4: {  	s3 =	simm.s32 $0x4920;
	[tilespmem:s4+$0x60] =	vst v3  }
0x1e5: {  	[spmem:s31] =	stream.indirect.scatter.add.f32 [tilespmem:s3], [sflag:$0xE], $0x80, s24, s21, $0xb8;
	[tilespmem:$0x1D140] =	vst v63  }
0x1e6: {  	_ =	swait.ge [sflag:s26], $0x500  }
0x1e7: {  	[sflag:s26] =	ssyncset.done $0x0  }
0x1e8: {  	[sflag:s26] =	ssyncadd.s32 $0xFFFFFB00  }
0x1e9: {  	_ =	swait.ge [sflag:s28], $0x500  }
0x1ea: {  	[sflag:s28] =	ssyncset.done $0x0  }
0x1eb: {  	s0 =	simm.s32 $0xC;
	[sflag:s28] =	ssyncadd.s32 $0xFFFFFB00  }
0x1ec: {  	_ =	swait.ge [sflag:s0], $0x500  }
0x1ed: {  	[sflag:s0] =	ssyncset.done $0x0  }
0x1ee: {  	s16 =	simm.s32 $0xE;
	[sflag:s0] =	ssyncadd.s32 $0xFFFFFB00  }
0x1ef: {  	_ =	swait.ge [sflag:s16], $0x2800  }
0x1f0: {  	[sflag:s16] =	ssyncset.done $0x0  }
0x1f1: {  	s4 =	simm.s32 $0x10;
	[sflag:s16] =	ssyncadd.s32 $0xFFFFD800  }
0x1f2: {  	v2 =	vld [tilespmem:s4+$0x320]  }
0x1f3: {  	v3 =	vld [tilespmem:s4+$0xD20];
	_ =	sdelay $0x3  }
0x1f4: {  	v4 =	vld [tilespmem:s4+$0x310]  }
0x1f5: {  	s1 =	simm.s32 $0x30;
	v5 =	vld [tilespmem:s4+$0xD10];
	v2 =	vadd.f32 v3, v2  }
0x1f6: {  	v6 =	vld [tilespmem:s1+$0x320]  }
0x1f7: {  	v7 =	vld [tilespmem:s1+$0x310];
	v8 =	vmul.f32 $2.000000030e-01, v2  }
0x1f8: {  	v3 =	vld [tilespmem:s1+$0xD20];
	vm0 =	vgt.f32 v2, $0.0e+00  }
0x1f9: {  	v9 =	vld [tilespmem:s1+$0xD10];
	v2 =	vsel vm0, v2, v8  }
0x1fa: {  	v4 =	vadd.f32 v5, v4;
	v2 =	vmul.f32 $1.442695020e+00, v2  }
0x1fb: {  	s2 =	simm.s32 $0x50  }
0x1fc: {  	v5 =	vld [tilespmem:s2+$0x320];
	(erf) = vpow2.f32 v2;
	v2 =	vmul.f32 $2.000000030e-01, v4  }
0x1fd: {  	vm0 =	vgt.f32 v4, $0.0e+00;
	v3 =	vadd.f32 v3, v6;
	v6 =	vld [tilespmem:s2+$0xD20]  }
0x1fe: {  	v7 =	vadd.f32 v9, v7;
	v2 =	vsel vm0, v4, v2  }
0x1ff: {  	v9 =	vmul.f32 $2.000000030e-01, v3;
	v2 =	vmul.f32 $1.442695020e+00, v2  }
0x200: {  	v10 =	vld [tilespmem:s2+$0xD10];
	vm0 =	vgt.f32 v3, $0.0e+00;
	v4 =	vmul.f32 $2.000000030e-01, v7  }
0x201: {  	v8 =	vld [tilespmem:s2+$0x310];
	v3 =	vsel vm0, v3, v9;
	vm0 =	vgt.f32 v7, $0.0e+00;
	(erf) = vpow2.f32 v2  }
0x202: {  	v9 =	vadd.f32 v6, v5;
	v3 =	vmul.f32 $1.442695020e+00, v3;
	v4 =	vsel vm0, v7, v4  }
0x203: {  	s0 =	simm.s32 $0x70;
	v6 =	vmul.f32 $1.442695020e+00, v4  }
0x204: {  	v2 =	vld [tilespmem:s0+$0x320];
	v7 =	vmul.f32 $2.000000030e-01, v9;
	(erf) = vpow2.f32 v3  }
0x205: {  	v4 =	vld [tilespmem:s0+$0xD20];
	(erf) = vpow2.f32 v6  }
0x206: {  	v5 =	vadd.f32 v10, v8;
	v3 =	vld [tilespmem:s0+$0x310]  }
0x207: {  	vm1 =	vgt.f32 v9, $0.0e+00;
	v6 =	vld [tilespmem:s0+$0xD10]  }
0x208: {  	s3 =	simm.s32 $0x240;
	vm0 =	vgt.f32 v5, $0.0e+00;
	v8 =	vmul.f32 $2.000000030e-01, v5;
	v9 =	vsel vm1, v9, v7;
	v7 =	vpop (erf)  }
.LBB2_14:
0x209: {  	s15 =	sshra.s32 s3, $0x2;
	v9 =	vmul.f32 $1.442695020e+00, v9;
	[tilespmem:s4+$0x1720] =	vst v7;
	p1 =	sne.s32 s3, $0x13C0  }
.Ltmp6:
0x20a: {  	s3 =	sadd.s32 $0x80, s3;
	v7 =	vadd.f32 v4, v2;
	v2 =	vld [tilespmem:s15+$0x320];
	v5 =	vsel vm0, v5, v8;
	v8 =	vpop (erf);
	(pc) =	sbr.rel @p1 .LBB2_14-.Ltmp6, $4  }
0x20b: {  	v4 =	vld [tilespmem:s15+$0xD20];
	v10 =	vmul.f32 $1.442695020e+00, v5;
	(erf) = vpow2.f32 v9;
	[tilespmem:s4+$0x1710] =	vst v8;
	s4 =	smov.u32 s1;
	s1 =	smov.u32 s2;
	s2 =	smov.u32 s0  }
0x20c: {  	s0 =	smov.u32 s15;
	v5 =	vadd.f32 v6, v3;
	v3 =	vld [tilespmem:s15+$0x310];
	v9 =	vmul.f32 $2.000000030e-01, v7  }
0x20d: {  	vm1 =	vgt.f32 v7, $0.0e+00;
	v6 =	vld [tilespmem:s0+$0xD10];
	(erf) = vpow2.f32 v10  }
0x20e: {  	vm0 =	vgt.f32 v5, $0.0e+00;
	v8 =	vmul.f32 $2.000000030e-01, v5;
	v9 =	vsel vm1, v7, v9;
	v7 =	vpop (erf)  }
0x20f: {  	_ =	sdelay $0x1  }
0x210: {  	v2 =	vadd.f32 v4, v2  }
0x211: {  	v3 =	vadd.f32 v6, v3  }
0x212: {  	v4 =	vmul.f32 $1.442695020e+00, v9;
	v6 =	vmul.f32 $2.000000030e-01, v2  }
0x213: {  	v5 =	vsel vm0, v5, v8;
	vm15 =	vgt.f32 v2, $0.0e+00;
	v8 =	vmul.f32 $2.000000030e-01, v3  }
0x214: {  	v5 =	vmul.f32 $1.442695020e+00, v5;
	vm1 =	vgt.f32 v3, $0.0e+00;
	v2 =	vsel vm15, v2, v6  }
0x215: {  	(erf) = vpow2.f32 v4;
	v2 =	vmul.f32 $1.442695020e+00, v2;
	v3 =	vsel vm1, v3, v8  }
0x216: {  	(erf) = vpow2.f32 v5;
	v3 =	vmul.f32 $1.442695020e+00, v3  }
0x217: {  	(erf) = vpow2.f32 v2  }
0x218: {  	(erf) = vpow2.f32 v3;
	_ =	sdelay $0x2  }
0x219: {  	[tilespmem:s4+$0x1720] =	vst v7;
	v2 =	vpop (erf)  }
0x21a: {  	[tilespmem:s4+$0x1710] =	vst v2;
	v3 =	vpop (erf)  }
0x21b: {  	v2 =	vpop (erf);
	[tilespmem:s1+$0x1720] =	vst v3  }
0x21c: {  	[tilespmem:s1+$0x1710] =	vst v2;
	v2 =	vpop (erf)  }
0x21d: {  	[tilespmem:s2+$0x1720] =	vst v2;
	v2 =	vpop (erf)  }
0x21e: {  	[tilespmem:s2+$0x1710] =	vst v2;
	v2 =	vpop (erf)  }
0x21f: {  	[tilespmem:s0+$0x1720] =	vst v2;
	v2 =	vpop (erf)  }
0x220: {  	s15 =	rddreg [dreg:$0x3];
	s16 =	simm.s32 $0x1720;
	[tilespmem:s0+$0x1710] =	vst v2  }
0x221: {  	[spmem:s15] =	stream.indirect.scatter.add.f32 [tilespmem:s16], [sflag:$0xB], $0x10, s11, s21, $0xb8;
	[tilespmem:$0x1D140] =	vst v63  }
0x222: {  	_ =	swait.ge [sflag:s13], $0x2800  }
0x223: {  	[sflag:s13] =	ssyncset.done $0x0  }
0x224: {  	s4 =	simm.s32 $0x21A0;
	[sflag:s13] =	ssyncadd.s32 $0xFFFFD800  }
0x225: {  	s2 =	simm.s32 $0x10;
	v2 =	vld [tilespmem:s4+$0xFFFFFF90]  }
0x226: {  	v4 =	vld [tilespmem:s2+$0x1710]  }
0x227: {  	v3 =	vld [tilespmem:s4+$0xFFFFFFA0]  }
0x228: {  	v5 =	vld [tilespmem:s4+$0xFFFFFFB0]  }
0x229: {  	v6 =	vld [tilespmem:s4+$0xFFFFFFD0]  }
0x22a: {  	v7 =	vld [tilespmem:s4+$0xFFFFFFF0]  }
0x22b: {  	v8 =	vld [tilespmem:s4+$0xFFFFFF80];
	v2 =	vmul.f32 v2, v4  }
0x22c: {  	v63 =	vld [tilespmem:s4+$0xFFFFFFC0];
	v3 =	vmul.f32 v3, v4  }
0x22d: {  	v10 =	vld [tilespmem:s4+$0xFFFFFFE0];
	v5 =	vmul.f32 v5, v4;
	[tilespmem:s4+$0xFFFFFF90] =	vst v2  }
0x22e: {  	v6 =	vmul.f32 v6, v4;
	[tilespmem:s4+$0xFFFFFFA0] =	vst v3  }
0x22f: {  	v7 =	vmul.f32 v7, v4;
	[tilespmem:s4+$0xFFFFFFB0] =	vst v5  }
0x230: {  	v8 =	vmul.f32 v8, v4;
	v2 =	vld [tilespmem:s4+$0x70];
	[tilespmem:s4+$0xFFFFFFD0] =	vst v6  }
0x231: {  	v3 =	vld [tilespmem:s4+$0x40];
	[tilespmem:s4+$0xFFFFFFF0] =	vst v7  }
0x232: {  	s1 =	simm.s32 $0xC0;
	s0 =	simm.s32 $0x21A0;
	s16 =	rddreg [dreg:$0x5];
	v5 =	vmul.f32 v63, v4;
	v6 =	vmul.f32 v10, v4;
	[tilespmem:s4+$0xFFFFFF80] =	vst v8;
	v4 =	vld [tilespmem:s4+$0x0]  }
.LBB2_16:
0x233: {  	p1 =	sne.s32 s1, $0x13C0  }
0x234: {  	[tilespmem:s4+$0xFFFFFFC0] =	vst v5;
	v5 =	vld [tilespmem:s4+$0x20];
	s0 =	sadd.s32 $0x100, s0;
	s3 =	smov.u32 s1;
	s1 =	sadd.s32 $0x80, s1  }
0x235: {  	[tilespmem:s4+$0xFFFFFFE0] =	vst v6;
	v6 =	vld [tilespmem:s4+$0x10]  }
0x236: {  	v7 =	vld [tilespmem:s2+$0x1720]  }
0x237: {  	v8 =	vld [tilespmem:s4+$0x30]  }
0x238: {  	v9 =	vld [tilespmem:s4+$0x50]  }
0x239: {  	v10 =	vld [tilespmem:s4+$0x60];
	_ =	sdelay $0x1  }
0x23a: {  	v4 =	vmul.f32 v4, v7;
	v6 =	vmul.f32 v6, v7  }
0x23b: {  	v5 =	vmul.f32 v5, v7;
	v8 =	vmul.f32 v8, v7  }
0x23c: {  	v3 =	vmul.f32 v3, v7;
	[tilespmem:s4+$0x0] =	vst v4;
	v4 =	vmul.f32 v9, v7  }
0x23d: {  	v2 =	vmul.f32 v2, v7;
	[tilespmem:s4+$0x30] =	vst v8;
	v8 =	vmul.f32 v10, v7  }
0x23e: {  	[tilespmem:s4+$0x40] =	vst v3  }
0x23f: {  	[tilespmem:s4+$0x50] =	vst v4  }
0x240: {  	v3 =	vld [tilespmem:s0+$0xFFFFFFD0];
	[tilespmem:s4+$0x20] =	vst v5  }
0x241: {  	s2 =	sshra.s32 s3, $0x2;
	v4 =	vld [tilespmem:s0+$0xFFFFFFA0];
	[tilespmem:s4+$0x70] =	vst v2  }
0x242: {  	v2 =	vld [tilespmem:s0+$0xFFFFFFB0];
	[tilespmem:s4+$0x60] =	vst v8  }
0x243: {  	v5 =	vld [tilespmem:s0+$0xFFFFFF90];
	[tilespmem:s4+$0x10] =	vst v6;
	s4 =	smov.u32 s0  }
0x244: {  	v6 =	vld [tilespmem:s2+$0x1710]  }
0x245: {  	v7 =	vld [tilespmem:s0+$0xFFFFFFC0]  }
0x246: {  	v8 =	vld [tilespmem:s0+$0xFFFFFF80]  }
0x247: {  	v9 =	vld [tilespmem:s0+$0xFFFFFFF0]  }
0x248: {  	v10 =	vld [tilespmem:s0+$0xFFFFFFE0]  }
0x249: {  	v11 =	vmul.f32 v5, v6;
	v2 =	vmul.f32 v2, v6  }
0x24a: {  	v4 =	vmul.f32 v4, v6;
	v5 =	vmul.f32 v7, v6  }
0x24b: {  	v3 =	vmul.f32 v3, v6;
	v7 =	vmul.f32 v8, v6;
	[tilespmem:s0+$0xFFFFFF90] =	vst v11  }
.Ltmp7:
0x24c: {  	[tilespmem:s0+$0xFFFFFFA0] =	vst v4;
	v4 =	vmul.f32 v9, v6;
	(pc) =	sbr.rel @p1 .LBB2_16-.Ltmp7, $4  }
0x24d: {  	[tilespmem:s0+$0xFFFFFFB0] =	vst v2;
	v6 =	vmul.f32 v10, v6  }
0x24e: {  	[tilespmem:s0+$0xFFFFFF80] =	vst v7;
	v2 =	vld [tilespmem:s0+$0x70]  }
0x24f: {  	[tilespmem:s0+$0xFFFFFFD0] =	vst v3;
	v3 =	vld [tilespmem:s0+$0x40]  }
0x250: {  	[tilespmem:s0+$0xFFFFFFF0] =	vst v4;
	v4 =	vld [tilespmem:s0+$0x0]  }
0x251: {  	[tilespmem:s4+$0xFFFFFFC0] =	vst v5  }
0x252: {  	[tilespmem:s4+$0xFFFFFFE0] =	vst v6  }
0x253: {  	v5 =	vld [tilespmem:s2+$0x1720]  }
0x254: {  	v60 =	vld [tilespmem:s4+$0x30];
	_ =	sdelay $0x1  }
0x255: {  	v7 =	vld [tilespmem:s4+$0x50]  }
0x256: {  	v8 =	vld [tilespmem:s4+$0x20]  }
0x257: {  	v4 =	vmul.f32 v4, v5  }
0x258: {  	v9 =	vld [tilespmem:s4+$0x10];
	v6 =	vmul.f32 v60, v5  }
0x259: {  	v10 =	vld [tilespmem:s4+$0x60];
	v3 =	vmul.f32 v3, v5;
	[tilespmem:s4+$0x0] =	vst v4  }
0x25a: {  	v61 =	vmul.f32 v7, v5;
	[tilespmem:s4+$0x30] =	vst v6  }
0x25b: {  	v62 =	vmul.f32 v8, v5;
	[tilespmem:s4+$0x40] =	vst v3  }
0x25c: {  	v2 =	vmul.f32 v2, v5;
	[tilespmem:s4+$0x50] =	vst v61  }
0x25d: {  	v63 =	vmul.f32 v9, v5;
	[tilespmem:s4+$0x20] =	vst v62  }
0x25e: {  	v3 =	vmul.f32 v10, v5;
	[tilespmem:s4+$0x70] =	vst v2  }
0x25f: {  	[tilespmem:s4+$0x10] =	vst v63  }
0x260: {  	[tilespmem:s4+$0x60] =	vst v3  }
0x261: {  	[spmem:s31] =	stream.indirect.scatter.add.f32 [tilespmem:s14], [sflag:$0xD], $0x80, s11, s21, $0xb8;
	[tilespmem:$0x1D140] =	vst v63  }
0x262: {  	_ =	swait.ge [sflag:s17], $0x500  }
0x263: {  	[sflag:s17] =	ssyncset.done $0x0  }
0x264: {  	[sflag:s17] =	ssyncadd.s32 $0xFFFFFB00  }
0x265: {  	_ =	swait.ge [sflag:s23], $0x2800  }
0x266: {  	[sflag:s23] =	ssyncset.done $0x0  }
0x267: {  	[sflag:s23] =	ssyncadd.s32 $0xFFFFD800  }
0x268: {  	[bflag:$0x0] =	sbarrier.arrive $0xFFFF  }
0x269: {  	s0 =	sshrl.u32 @p0 s16, $0x3;
	s1 =	simm.s32 @p0 $0x1FCF;
	s4 =	rddreg [dreg:$0xe]  }
0x26a: {  	[hbm:s4], [sflag:s1] =	dma.local @p0 [spmem:s0], $0x2620  }
0x26b: {  	s0 =	simm.s32 @p0 $0xF  }
0x26c: {  	_ =	swait.ge @p0 [sflag:s0], $0x2620  }
0x26d: {  	[sflag:s0] =	ssyncset.done @p0 $0x0;
	s3 =	rddreg [dreg:$0x6]  }
0x26e: {  	s10 =	rddreg [dreg:$0x1c];
	[sflag:s0] =	ssyncadd.s32 @p0 $0xFFFFD9E0;
	s2 =	sshrl.u32 @p0 s3, $0x3  }
0x26f: {  	[hbm:s10], [sflag:s1] =	dma.local @p0 [spmem:s2], $0x4C4  }
0x270: {  	s1 =	stileid.u32;
	_ =	swait.ge @p0 [sflag:s0], $0x4C4  }
0x271: {  	s1 =	sshll.u32 @!p0 s1, $0x6;
	[sflag:s0] =	ssyncset.done @p0 $0x0  }
0x272: {  	[sflag:s0] =	ssyncadd.s32 @p0 $0xFFFFFB3C;
	s0 =	sor.u32 @!p0 $0x1C0F, s1;
	s1 =	sshrl.u32 @!p0 s16, $0x3  }
0x273: {  	[hbm:s4], [sflag:s0] =	dma.local @!p0 [spmem:s1], $0x2720  }
0x274: {  	s1 =	simm.s32 @!p0 $0xF  }
0x275: {  	_ =	swait.ge @!p0 [sflag:s1], $0x2720  }
0x276: {  	[sflag:s1] =	ssyncset.done @!p0 $0x0  }
0x277: {  	s2 =	sshrl.u32 @!p0 s3, $0x3;
	[sflag:s1] =	ssyncadd.s32 @!p0 $0xFFFFD8E0  }
0x278: {  	[hbm:s10], [sflag:s0] =	dma.local @!p0 [spmem:s2], $0x4E4  }
0x279: {  	_ =	swait.ge @!p0 [sflag:s1], $0x4E4  }
0x27a: {  	s10 =	rddreg [dreg:$0x1e]  }
0x27b: {  	s15 =	rddreg [dreg:$0x1d];
	s2 =	sadd.s32 $0x1, s10  }
0x27c: {  	p1 =	sne.s32 s2, s15  }
.Ltmp8:
0x27d: {  	_ = 	snop;
	(pc) =	sbr.rel @p1 .LBB2_1-.Ltmp8, $3  }
0x27e: {  	_ =	sdelay $0x1  }
0x27f: {  	[sflag:s1] =	ssyncset.done @!p0 $0x0  }
0x280: {  	s3 =	simm.s32 $0x4920;
	[sflag:s1] =	ssyncadd.s32 @!p0 $0xFFFFFB1C  }
0x281: {  	_ =	sfence.sel $0x180000  }
0x282: {  	[bflag:$0x0] =	sbarrier.arrive $0xFFFF  }
0x283: {  	_ =	strace $0x90000047  }
0x284: {  	s0 =	stileid.u32;
	[bflag:$0x2] =	sbarrier.arrive $0xFFFF  }
0x285: {  	p0 =	sne.s32 s0, $0x0;
	s0 =	rddreg [dreg:$0x4]  }
0x286: {  	s0 =	sadd.s32 @!p0 $0x100000, s0  }
0x287: {  	[sflag:s0] =	ssyncadd.tile.s32 @!p0 $0x1;
	_ =	shalt  }
.Lfunc_end2:
_tile_overlayer_lowered:
.L_overlay_start_2:
0x288: {  	(tag) =	ssettag $0x2  }
0x289: {  	s0 =	rddreg [dreg:$0x0];
	s2 =	stileid.u32  }
0x28a: {  	s1 =	rddreg [dreg:$0x1];
	p0 =	sne.s32 s2, $0x0  }
0x28b: {  	s3 =	rddreg [dreg:$0x2];
	[bflag:$0x3] =	sbarrier.arrive $0xFFFF;
	s2 =	simm.s32 @!p0 $0x1C0F  }
0x28c: {  	[timem:s3], [sflag:s2] =	dma.local @!p0 [hbm:s0], s1  }
0x28d: {  	s0 =	simm.s32 @!p0 $0xF  }
0x28e: {  	_ =	swait.ge @!p0 [sflag:s0], s1  }
0x28f: {  	s1 =	ssub.s32 @!p0 $0x0, s1;
	[sflag:s0] =	ssyncset.done @!p0 $0x0  }
0x290: {  	[sflag:s0] =	ssyncadd.s32 @!p0 s1  }
0x291: {  	[bflag:$0x3] =	sbarrier.arrive $0xFFFF  }
0x292: {  	_ =	shalt  }

</sc_bundles>
